<compile_context>
chip_gen: v7x
topology: tpu7x:2x2x1
jax: 0.10.2.dev20260603
libtpu: 0.0.44.dev20260713+nightly
codegen_flags: <defaults>
</compile_context>

<pallas_src>
import functools

import jax
import jax.numpy as jnp
from jax import lax
from jax.experimental import pallas as pl
from jax.experimental.pallas import tpu as pltpu
from jax.experimental.pallas import tpu_sc as plsc

_N = 10000
_E = 320000
_D = 128
_B = 128
_NC = 2
_NS = 16
_NW = _NC * _NS
_EROWS = 2500
_EROWS_PAD = 2504
_RPT = 78
_NACC = 10016
_ZROWS = _NACC // _NS
_OPT = _N // _NS
_NP = 10240
_K = 2
_IG = 8

_SC_PARAMS = pltpu.CompilerParams(use_tc_tiling_on_sc=False,
                                  needs_layout_passes=False)


def _make_sc_agg(with_counts):
    mesh = plsc.VectorSubcoreMesh(core_axis_name="c", subcore_axis_name="s")

    out_type = [jax.ShapeDtypeStruct((_NC, _NP, _D), jnp.float32)]
    scratch = [
        pltpu.VMEM_SHARED((_NACC, _D), jnp.float32),
        pltpu.VMEM((_K, _B, _D), jnp.float32),
        pltpu.VMEM((2, _IG, _B), jnp.int32),
        pltpu.VMEM((2, _IG, _B), jnp.int32),
        pltpu.VMEM((16, _D), jnp.float32),
        pltpu.SemaphoreType.DMA((_K,)),
        pltpu.SemaphoreType.DMA((_K,)),
        pltpu.SemaphoreType.DMA((2,)),
        pltpu.SemaphoreType.DMA((2,)),
    ]
    if with_counts:
        out_type.append(jax.ShapeDtypeStruct((_NW, _NP), jnp.float32))
        scratch += [
            pltpu.VMEM((_NP,), jnp.float32),
        ]

    def body(table, edges, *rest):
        if with_counts:
            (sums, cnt_out, accum, rows_v, src_idx, dst_idx, zbuf, gsem,
             ssem, isrc, idst, cnt_loc) = rest
        else:
            (sums, accum, rows_v, src_idx, dst_idx, zbuf, gsem, ssem,
             isrc, idst) = rest
        c = lax.axis_index("c")
        s = lax.axis_index("s")
        w = c * _NS + s
        base = w * _RPT + jnp.minimum(w, 4)
        nj = _RPT + jnp.where(w < 4, 1, 0)

        pltpu.sync_copy(edges.at[0, pl.ds(base, _IG)], src_idx.at[0])
        pltpu.sync_copy(edges.at[1, pl.ds(base, _IG)], dst_idx.at[0])

        def _zrow(r, carry):
            def _zcol(k, carry2):
                zbuf[r, pl.ds(k * 16, 16)] = jnp.zeros((16,), jnp.float32)
                return carry2
            return lax.fori_loop(0, _D // 16, _zcol, carry)
        lax.fori_loop(0, 16, _zrow, 0)

        def _zacc(i, carry):
            pltpu.sync_copy(zbuf, accum.at[pl.ds(s * _ZROWS + i * 16, 16)])
            return carry
        lax.fori_loop(0, _ZROWS // 16, _zacc, 0)
        pltpu.sync_copy(zbuf.at[pl.ds(0, _ZROWS % 16)],
                        accum.at[pl.ds(s * _ZROWS + _ZROWS - _ZROWS % 16,
                                       _ZROWS % 16)])

        if with_counts:
            def _zcnt(i, carry):
                cnt_loc[pl.ds(i * 16, 16)] = jnp.zeros((16,), jnp.float32)
                return carry
            lax.fori_loop(0, _NP // 16, _zcnt, 0)
        plsc.subcore_barrier()

        pltpu.async_copy(table.at[src_idx.at[0, 0]], rows_v.at[0],
                         gsem.at[0])

        def _edge(j, carry):
            slot = lax.rem(j, _K)
            oslot = lax.rem(j + 1, _K)
            r = lax.rem(j, _IG)
            g = lax.div(j, _IG)
            gb = lax.rem(g, 2)
            ngb = lax.rem(g + 1, 2)

            @pl.when(j >= 1)
            def _():
                pltpu.make_async_copy(
                    table.at[pl.ds(0, _B)], rows_v.at[0],
                    ssem.at[oslot]).wait()

            @pl.when(jnp.logical_and(r == 0, (g + 1) * _IG < nj))
            def _():
                nxt = base + (g + 1) * _IG
                pltpu.async_copy(edges.at[0, pl.ds(nxt, _IG)],
                                 src_idx.at[ngb], isrc.at[ngb])
                pltpu.async_copy(edges.at[1, pl.ds(nxt, _IG)],
                                 dst_idx.at[ngb], idst.at[ngb])

            @pl.when(jnp.logical_and(r == _IG - 1, j + 1 < nj))
            def _():
                pltpu.make_async_copy(edges.at[0, pl.ds(0, _IG)],
                                      src_idx.at[0], isrc.at[ngb]).wait()
                pltpu.make_async_copy(edges.at[1, pl.ds(0, _IG)],
                                      dst_idx.at[0], idst.at[ngb]).wait()

            @pl.when(j + 1 < nj)
            def _():
                j1 = j + 1
                r1 = lax.rem(j1, _IG)
                gb1 = lax.rem(lax.div(j1, _IG), 2)
                pltpu.async_copy(table.at[src_idx.at[gb1, r1]],
                                 rows_v.at[oslot], gsem.at[oslot])

            pltpu.make_async_copy(
                table.at[pl.ds(0, _B)], rows_v.at[0], gsem.at[slot]).wait()
            pltpu.async_copy(rows_v.at[slot], accum.at[dst_idx.at[gb, r]],
                             ssem.at[slot], add=True)

            if with_counts:
                for k in range(_B // 16):
                    dvec = dst_idx[gb, r, pl.ds(k * 16, 16)]
                    cnts, lastm = plsc.scan_count(dvec)
                    plsc.addupdate_scatter(
                        cnt_loc, [dvec], cnts.astype(jnp.float32), mask=lastm)
            return carry
        lax.fori_loop(0, nj, _edge, 0)
        pltpu.make_async_copy(table.at[pl.ds(0, _B)], rows_v.at[0],
                              ssem.at[lax.rem(nj - 1, _K)]).wait()

        if with_counts:
            pltpu.sync_copy(cnt_loc, cnt_out.at[w])
        plsc.subcore_barrier()

        pltpu.sync_copy(accum.at[pl.ds(s * _OPT, _OPT)],
                        sums.at[c, pl.ds(s * _OPT, _OPT)])

        @pl.when(s < _NS - 1)
        def _ztail():
            pltpu.sync_copy(zbuf, sums.at[c, pl.ds(_N + s * 16, 16)])

    return pl.kernel(body, out_type=out_type, mesh=mesh,
                     scratch_types=scratch, compiler_params=_SC_PARAMS)


_sc_agg_l1 = _make_sc_agg(True)
_sc_agg_l2 = _make_sc_agg(False)

_BLK = 1280


def _tc_pre(x, W, b):
    def body(x_ref, w_ref, b_ref, xr_ref):
        xr_ref[...] = (
            lax.dot_general(x_ref[...], w_ref[...], (((1,), (1,)), ((), ())),
                            preferred_element_type=jnp.float32)
            + b_ref[...])

    return pl.pallas_call(
        body,
        grid=(_NP // _BLK,),
        in_specs=[
            pl.BlockSpec((_BLK, _D), lambda i: (i, 0)),
            pl.BlockSpec((_D, _D), lambda i: (0, 0)),
            pl.BlockSpec((1, _D), lambda i: (0, 0)),
        ],
        out_specs=pl.BlockSpec((_BLK, _D), lambda i: (i, 0)),
        out_shape=jax.ShapeDtypeStruct((_NP, _D), jnp.float32),
    )(x, W, b.reshape(1, _D))


def _tc_post1(sums, cnt, xr, W1l):
    def body(sums_ref, cnt_ref, xr_ref, wl_ref, h_ref, inv_ref):
        tot = sums_ref[0] + sums_ref[1]
        cntv = jnp.sum(cnt_ref[...], axis=0)
        inv = (1.0 / jnp.maximum(cntv, 1.0))[:, None]
        mean = tot * inv
        h = jnp.maximum(
            lax.dot_general(mean, wl_ref[...], (((1,), (1,)), ((), ())),
                            preferred_element_type=jnp.float32)
            + xr_ref[...],
            0.0)
        h_ref[...] = h
        inv_ref[...] = inv

    return pl.pallas_call(
        body,
        grid=(_NP // _BLK,),
        in_specs=[
            pl.BlockSpec((_NC, _BLK, _D), lambda i: (0, i, 0)),
            pl.BlockSpec((_NW, _BLK), lambda i: (0, i)),
            pl.BlockSpec((_BLK, _D), lambda i: (i, 0)),
            pl.BlockSpec((_D, _D), lambda i: (0, 0)),
        ],
        out_specs=[
            pl.BlockSpec((_BLK, _D), lambda i: (i, 0)),
            pl.BlockSpec((_BLK, 1), lambda i: (i, 0)),
        ],
        out_shape=[
            jax.ShapeDtypeStruct((_NP, _D), jnp.float32),
            jax.ShapeDtypeStruct((_NP, 1), jnp.float32),
        ],
    )(sums, cnt, xr, W1l)


def _tc_post2(sums, inv, xr, W2l, W3, b3):
    def body(sums_ref, inv_ref, xr_ref, wl_ref, w3_ref, b3_ref,
             score_ref, emb_ref):
        mean = (sums_ref[0] + sums_ref[1]) * inv_ref[...]
        h2 = jnp.maximum(
            lax.dot_general(mean, wl_ref[...], (((1,), (1,)), ((), ())),
                            preferred_element_type=jnp.float32)
            + xr_ref[...],
            0.0)
        emb_ref[...] = h2
        score_ref[...] = (jnp.sum(h2 * w3_ref[...], axis=1, keepdims=True)
                          + b3_ref[0, 0])

    return pl.pallas_call(
        body,
        grid=(_NP // _BLK,),
        in_specs=[
            pl.BlockSpec((_NC, _BLK, _D), lambda i: (0, i, 0)),
            pl.BlockSpec((_BLK, 1), lambda i: (i, 0)),
            pl.BlockSpec((_BLK, _D), lambda i: (i, 0)),
            pl.BlockSpec((_D, _D), lambda i: (0, 0)),
            pl.BlockSpec((1, _D), lambda i: (0, 0)),
            pl.BlockSpec(memory_space=pltpu.SMEM),
        ],
        out_specs=[
            pl.BlockSpec((_BLK, 1), lambda i: (i, 0)),
            pl.BlockSpec((_BLK, _D), lambda i: (i, 0)),
        ],
        out_shape=[
            jax.ShapeDtypeStruct((_N, 1), jnp.float32),
            jax.ShapeDtypeStruct((_N, _D), jnp.float32),
        ],
    )(sums, inv, xr, W2l, W3, b3.reshape(1, 1))


def kernel(x, edge_index, W1l, b1l, W1r, W2l, b2l, W2r, W3, b3):
    ei = edge_index.astype(jnp.int32)
    edges = jnp.pad(ei, ((0, 0), (0, (_EROWS_PAD - _EROWS) * _B)))
    edges = edges.reshape(2, _EROWS_PAD, _B)

    x_p = jnp.concatenate([x, jnp.zeros((_NP - _N, _D), jnp.float32)])
    sums1, cnt = _sc_agg_l1(x_p, edges)
    xr1 = _tc_pre(x_p, W1r, b1l)
    h1, inv = _tc_post1(sums1, cnt, xr1, W1l)

    [sums2] = _sc_agg_l2(h1, edges)
    xr2 = _tc_pre(h1, W2r, b2l)
    score, emb = _tc_post2(sums2, inv, xr2, W2l, W3, b3)
    return (score, emb)

# --- scband reference (transcript-rebuilt; emitter-appended) ---
"""Pipeline reference for scband-model-52089363366199 (READ-ONLY COPY).

The authoritative reference and input builder live on the scoring server;
editing this copy changes nothing except your own understanding.
"""

import jax, jax.numpy as jnp
import numpy as np

N_NODES = 10000
N_EDGES = 320000
NFEAT = 128
HDIM = 128


def setup_inputs(seed: int = 0) -> dict:
    key = jax.random.key(seed)
    ks = jax.random.split(key, 12)
    x = jax.random.normal(ks[0], (N_NODES, NFEAT), dtype=jnp.float32)
    edge_index = jax.random.randint(ks[1], (2, N_EDGES), 0, N_NODES, dtype=jnp.int64)
    s1 = 1.0 / np.sqrt(NFEAT)
    s2 = 1.0 / np.sqrt(HDIM)
    # SAGEConv params: lin_l (applied to aggregated neighbors, has bias), lin_r (applied to root, no bias)
    W1l = jax.random.uniform(ks[2], (HDIM, NFEAT), jnp.float32, -s1, s1)
    b1l = jax.random.uniform(ks[3], (HDIM,), jnp.float32, -s1, s1)
    W1r = jax.random.uniform(ks[4], (HDIM, NFEAT), jnp.float32, -s1, s1)
    W2l = jax.random.uniform(ks[5], (HDIM, HDIM), jnp.float32, -s2, s2)
    b2l = jax.random.uniform(ks[6], (HDIM,), jnp.float32, -s2, s2)
    W2r = jax.random.uniform(ks[7], (HDIM, HDIM), jnp.float32, -s2, s2)
    W3 = jax.random.uniform(ks[8], (1, HDIM), jnp.float32, -s2, s2)
    b3 = jax.random.uniform(ks[9], (1,), jnp.float32, -s2, s2)
    return {"x": x, "edge_index": edge_index, "W1l": W1l, "b1l": b1l, "W1r": W1r,
            "W2l": W2l, "b2l": b2l, "W2r": W2r, "W3": W3, "b3": b3}


def _sage_conv(x, edge_index, Wl, bl, Wr):
    src = edge_index[0]
    dst = edge_index[1]
    n = x.shape[0]
    msgs = jnp.take(x, src, axis=0)
    summed = jax.ops.segment_sum(msgs, dst, num_segments=n)
    cnt = jax.ops.segment_sum(jnp.ones((msgs.shape[0],), dtype=x.dtype), dst, num_segments=n)
    mean = summed / jnp.clip(cnt, 1.0, None)[:, None]
    return mean @ Wl.T + bl + x @ Wr.T


def reference(x, edge_index, W1l, b1l, W1r, W2l, b2l, W2r, W3, b3):
    h = jax.nn.relu(_sage_conv(x, edge_index, W1l, b1l, W1r))
    # dropout is a no-op in eval mode
    h = jax.nn.relu(_sage_conv(h, edge_index, W2l, b2l, W2r))
    emb = h
    score = h @ W3.T + b3
    return (score, emb)

if __name__ == "__main__":
    import jax
    _d = setup_inputs()
    print(jax.jit(kernel)(*tuple(_d.values())))

</pallas_src>

<mosaic_0001>
#map = affine_map<(d0, d1) -> (0, 0)>
#map1 = affine_map<(d0, d1) -> (0, 0, 0)>
module attributes {stable_mosaic.version = 14 : i64} {
  func.func @body(%arg0: i32, %arg1: i32, %arg2: memref<10240x128xf32, #tpu.memory_space<hbm>>, %arg3: memref<2x2504x128xi32, #tpu.memory_space<hbm>>, %arg4: memref<2x10240x128xf32, #tpu.memory_space<hbm>>, %arg5: memref<10016x128xf32, #tpu.memory_space<vmem_shared>>, %arg6: memref<2x128x128xf32, #tpu.memory_space<vmem>>, %arg7: memref<2x8x128xi32, #tpu.memory_space<vmem>>, %arg8: memref<2x8x128xi32, #tpu.memory_space<vmem>>, %arg9: memref<16x128xf32, #tpu.memory_space<vmem>>, %arg10: memref<2x!tpu.dma_semaphore, #tpu.memory_space<semaphore_mem>>, %arg11: memref<2x!tpu.dma_semaphore, #tpu.memory_space<semaphore_mem>>, %arg12: memref<2x!tpu.dma_semaphore, #tpu.memory_space<semaphore_mem>>, %arg13: memref<2x!tpu.dma_semaphore, #tpu.memory_space<semaphore_mem>>) attributes {dimension_semantics = [#tpu.dimension_semantics<core_parallel>, #tpu.dimension_semantics<subcore_parallel>], iteration_bounds = array<i64: 2, 16>, scalar_prefetch = 0 : i64, scratch_operands = 9 : i64, tpu.core_type = #tpu.core_type<sc_vector_subcore>, window_params = [{transform_indices = #map}, {transform_indices = #map1}, {transform_indices = #map1}]} {
    %mul3A = arith.constant 16 : i32
    %mul3A_0 = arith.muli %arg0, %mul3A : i32
    %add3A = arith.addi %mul3A_0, %arg1 : i32
    %mul3A_1 = arith.constant 78 : i32
    %mul3A_2 = arith.muli %add3A, %mul3A_1 : i32
    %min3A = arith.constant 4 : i32
    %min3A_3 = arith.minsi %add3A, %min3A : i32
    %add3A_4 = arith.addi %mul3A_2, %min3A_3 : i32
    %lt3A = arith.constant 4 : i32
    %lt3A_5 = arith.cmpi slt, %add3A, %lt3A : i32
    %jit3A = arith.constant 1 : i32
    %jit3A_6 = arith.constant 0 : i32
    %select_n3A = arith.select %lt3A_5, %jit3A, %jit3A_6 : i32
    %add3A_7 = arith.constant 78 : i32
    %add3A_8 = arith.addi %add3A_7, %select_n3A : i32
    %run_scoped3A = arith.constant 0 : i32
    %run_scoped3A_9 = arith.constant 0 : i32
    "tpu.region"() ({
      %run_scoped3A_79 = tpu.sem_alloc : memref<!tpu.dma_semaphore, #tpu.memory_space<semaphore_mem>>
      %dma_start3A_80 = arith.constant 0 : i32
      %dma_start3A_81 = arith.constant 0 : i32
      %dma_start3A_82 = tpu.memref_slice %arg7[%run_scoped3A_9, %dma_start3A_80, %dma_start3A_81] : memref<2x8x128xi32, #tpu.memory_space<vmem>> -> memref<1x8x128xi32, #tpu.memory_space<vmem>>
      %dma_start3A_83 = tpu.memref_squeeze %dma_start3A_82 : memref<1x8x128xi32, #tpu.memory_space<vmem>> -> memref<8x128xi32, #tpu.memory_space<vmem>>
      %dma_start3A_84 = arith.constant 0 : i32
      %dma_start3A_85 = tpu.memref_slice %arg3[%run_scoped3A, %add3A_4, %dma_start3A_84] : memref<2x2504x128xi32, #tpu.memory_space<hbm>> -> memref<1x8x128xi32, #tpu.memory_space<hbm>>
      %dma_start3A_86 = tpu.memref_squeeze %dma_start3A_85 : memref<1x8x128xi32, #tpu.memory_space<hbm>> -> memref<8x128xi32, #tpu.memory_space<hbm>>
      %dma_start3A_87 = arith.constant 0 : i32
      %dma_start3A_88 = arith.constant 0 : i32
      %dma_start3A_89 = tpu.memref_slice %arg7[%run_scoped3A_9, %dma_start3A_87, %dma_start3A_88] : memref<2x8x128xi32, #tpu.memory_space<vmem>> -> memref<1x8x128xi32, #tpu.memory_space<vmem>>
      %dma_start3A_90 = tpu.memref_squeeze %dma_start3A_89 : memref<1x8x128xi32, #tpu.memory_space<vmem>> -> memref<8x128xi32, #tpu.memory_space<vmem>>
      %dma_start3A_91 = arith.constant 0 : i32
      %dma_start3A_92 = tpu.memref_slice %arg3[%run_scoped3A, %add3A_4, %dma_start3A_91] : memref<2x2504x128xi32, #tpu.memory_space<hbm>> -> memref<1x8x128xi32, #tpu.memory_space<hbm>>
      %dma_start3A_93 = tpu.memref_squeeze %dma_start3A_92 : memref<1x8x128xi32, #tpu.memory_space<hbm>> -> memref<8x128xi32, #tpu.memory_space<hbm>>
      tpu.enqueue_dma source(%dma_start3A_93 : memref<8x128xi32, #tpu.memory_space<hbm>>) target(%dma_start3A_90 : memref<8x128xi32, #tpu.memory_space<vmem>>) target_semaphore(%run_scoped3A_79 : memref<!tpu.dma_semaphore, #tpu.memory_space<semaphore_mem>>)
      %dma_wait3A_94 = arith.constant 0 : i32
      %dma_wait3A_95 = arith.constant 0 : i32
      %dma_wait3A_96 = tpu.memref_slice %arg7[%run_scoped3A_9, %dma_wait3A_94, %dma_wait3A_95] : memref<2x8x128xi32, #tpu.memory_space<vmem>> -> memref<1x8x128xi32, #tpu.memory_space<vmem>>
      %dma_wait3A_97 = tpu.memref_squeeze %dma_wait3A_96 : memref<1x8x128xi32, #tpu.memory_space<vmem>> -> memref<8x128xi32, #tpu.memory_space<vmem>>
      %dma_wait3A_98 = arith.constant 0 : i32
      %dma_wait3A_99 = tpu.memref_slice %arg3[%run_scoped3A, %add3A_4, %dma_wait3A_98] : memref<2x2504x128xi32, #tpu.memory_space<hbm>> -> memref<1x8x128xi32, #tpu.memory_space<hbm>>
      %dma_wait3A_100 = tpu.memref_squeeze %dma_wait3A_99 : memref<1x8x128xi32, #tpu.memory_space<hbm>> -> memref<8x128xi32, #tpu.memory_space<hbm>>
      %dma_wait3A_101 = arith.constant 0 : i32
      %dma_wait3A_102 = arith.constant 0 : i32
      %dma_wait3A_103 = tpu.memref_slice %arg7[%run_scoped3A_9, %dma_wait3A_101, %dma_wait3A_102] : memref<2x8x128xi32, #tpu.memory_space<vmem>> -> memref<1x8x128xi32, #tpu.memory_space<vmem>>
      %dma_wait3A_104 = tpu.memref_squeeze %dma_wait3A_103 : memref<1x8x128xi32, #tpu.memory_space<vmem>> -> memref<8x128xi32, #tpu.memory_space<vmem>>
      %dma_wait3A_105 = arith.constant 0 : i32
      %dma_wait3A_106 = tpu.memref_slice %arg3[%run_scoped3A, %add3A_4, %dma_wait3A_105] : memref<2x2504x128xi32, #tpu.memory_space<hbm>> -> memref<1x8x128xi32, #tpu.memory_space<hbm>>
      %dma_wait3A_107 = tpu.memref_squeeze %dma_wait3A_106 : memref<1x8x128xi32, #tpu.memory_space<hbm>> -> memref<8x128xi32, #tpu.memory_space<hbm>>
      tpu.wait_dma2 semaphore(%run_scoped3A_79 : memref<!tpu.dma_semaphore, #tpu.memory_space<semaphore_mem>>) src(%dma_wait3A_107 : memref<8x128xi32, #tpu.memory_space<hbm>>) dst(%dma_wait3A_104 : memref<8x128xi32, #tpu.memory_space<vmem>>)
      tpu.yield
    }) : () -> ()
    %run_scoped3A_10 = arith.constant 1 : i32
    %run_scoped3A_11 = arith.constant 0 : i32
    "tpu.region"() ({
      %run_scoped3A_79 = tpu.sem_alloc : memref<!tpu.dma_semaphore, #tpu.memory_space<semaphore_mem>>
      %dma_start3A_80 = arith.constant 0 : i32
      %dma_start3A_81 = arith.constant 0 : i32
      %dma_start3A_82 = tpu.memref_slice %arg8[%run_scoped3A_11, %dma_start3A_80, %dma_start3A_81] : memref<2x8x128xi32, #tpu.memory_space<vmem>> -> memref<1x8x128xi32, #tpu.memory_space<vmem>>
      %dma_start3A_83 = tpu.memref_squeeze %dma_start3A_82 : memref<1x8x128xi32, #tpu.memory_space<vmem>> -> memref<8x128xi32, #tpu.memory_space<vmem>>
      %dma_start3A_84 = arith.constant 0 : i32
      %dma_start3A_85 = tpu.memref_slice %arg3[%run_scoped3A_10, %add3A_4, %dma_start3A_84] : memref<2x2504x128xi32, #tpu.memory_space<hbm>> -> memref<1x8x128xi32, #tpu.memory_space<hbm>>
      %dma_start3A_86 = tpu.memref_squeeze %dma_start3A_85 : memref<1x8x128xi32, #tpu.memory_space<hbm>> -> memref<8x128xi32, #tpu.memory_space<hbm>>
      %dma_start3A_87 = arith.constant 0 : i32
      %dma_start3A_88 = arith.constant 0 : i32
      %dma_start3A_89 = tpu.memref_slice %arg8[%run_scoped3A_11, %dma_start3A_87, %dma_start3A_88] : memref<2x8x128xi32, #tpu.memory_space<vmem>> -> memref<1x8x128xi32, #tpu.memory_space<vmem>>
      %dma_start3A_90 = tpu.memref_squeeze %dma_start3A_89 : memref<1x8x128xi32, #tpu.memory_space<vmem>> -> memref<8x128xi32, #tpu.memory_space<vmem>>
      %dma_start3A_91 = arith.constant 0 : i32
      %dma_start3A_92 = tpu.memref_slice %arg3[%run_scoped3A_10, %add3A_4, %dma_start3A_91] : memref<2x2504x128xi32, #tpu.memory_space<hbm>> -> memref<1x8x128xi32, #tpu.memory_space<hbm>>
      %dma_start3A_93 = tpu.memref_squeeze %dma_start3A_92 : memref<1x8x128xi32, #tpu.memory_space<hbm>> -> memref<8x128xi32, #tpu.memory_space<hbm>>
      tpu.enqueue_dma source(%dma_start3A_93 : memref<8x128xi32, #tpu.memory_space<hbm>>) target(%dma_start3A_90 : memref<8x128xi32, #tpu.memory_space<vmem>>) target_semaphore(%run_scoped3A_79 : memref<!tpu.dma_semaphore, #tpu.memory_space<semaphore_mem>>)
      %dma_wait3A_94 = arith.constant 0 : i32
      %dma_wait3A_95 = arith.constant 0 : i32
      %dma_wait3A_96 = tpu.memref_slice %arg8[%run_scoped3A_11, %dma_wait3A_94, %dma_wait3A_95] : memref<2x8x128xi32, #tpu.memory_space<vmem>> -> memref<1x8x128xi32, #tpu.memory_space<vmem>>
      %dma_wait3A_97 = tpu.memref_squeeze %dma_wait3A_96 : memref<1x8x128xi32, #tpu.memory_space<vmem>> -> memref<8x128xi32, #tpu.memory_space<vmem>>
      %dma_wait3A_98 = arith.constant 0 : i32
      %dma_wait3A_99 = tpu.memref_slice %arg3[%run_scoped3A_10, %add3A_4, %dma_wait3A_98] : memref<2x2504x128xi32, #tpu.memory_space<hbm>> -> memref<1x8x128xi32, #tpu.memory_space<hbm>>
      %dma_wait3A_100 = tpu.memref_squeeze %dma_wait3A_99 : memref<1x8x128xi32, #tpu.memory_space<hbm>> -> memref<8x128xi32, #tpu.memory_space<hbm>>
      %dma_wait3A_101 = arith.constant 0 : i32
      %dma_wait3A_102 = arith.constant 0 : i32
      %dma_wait3A_103 = tpu.memref_slice %arg8[%run_scoped3A_11, %dma_wait3A_101, %dma_wait3A_102] : memref<2x8x128xi32, #tpu.memory_space<vmem>> -> memref<1x8x128xi32, #tpu.memory_space<vmem>>
      %dma_wait3A_104 = tpu.memref_squeeze %dma_wait3A_103 : memref<1x8x128xi32, #tpu.memory_space<vmem>> -> memref<8x128xi32, #tpu.memory_space<vmem>>
      %dma_wait3A_105 = arith.constant 0 : i32
      %dma_wait3A_106 = tpu.memref_slice %arg3[%run_scoped3A_10, %add3A_4, %dma_wait3A_105] : memref<2x2504x128xi32, #tpu.memory_space<hbm>> -> memref<1x8x128xi32, #tpu.memory_space<hbm>>
      %dma_wait3A_107 = tpu.memref_squeeze %dma_wait3A_106 : memref<1x8x128xi32, #tpu.memory_space<hbm>> -> memref<8x128xi32, #tpu.memory_space<hbm>>
      tpu.wait_dma2 semaphore(%run_scoped3A_79 : memref<!tpu.dma_semaphore, #tpu.memory_space<semaphore_mem>>) src(%dma_wait3A_107 : memref<8x128xi32, #tpu.memory_space<hbm>>) dst(%dma_wait3A_104 : memref<8x128xi32, #tpu.memory_space<vmem>>)
      tpu.yield
    }) : () -> ()
    %scan3A = arith.constant 0 : i32
    %scan3A_12 = arith.constant 0 : i32
    %scan3A_13 = arith.constant 16 : i32
    %scan3A_14 = arith.addi %scan3A_12, %scan3A_13 : i32
    %scan3A_15 = arith.constant 1 : i32
    scf.for %scan3A_79 = %scan3A_12 to %scan3A_14 step %scan3A_15  : i32 {
      %scan3A_80 = arith.constant 0 : i32
      %scan3A_81 = arith.constant 8 : i32
      %scan3A_82 = arith.addi %scan3A_80, %scan3A_81 : i32
      %scan3A_83 = arith.constant 1 : i32
      scf.for %scan3A_85 = %scan3A_80 to %scan3A_82 step %scan3A_83  : i32 {
        %broadcast_in_dim3A = arith.constant 0.000000e+00 : f32
        %broadcast_in_dim3A_86 = vector.broadcast %broadcast_in_dim3A : f32 to vector<16xf32>
        %mul3A_87 = arith.constant 16 : i32
        %mul3A_88 = arith.muli %scan3A_85, %mul3A_87 : i32
        %swap3A = arith.index_cast %scan3A_79 : i32 to index
        %swap3A_89 = arith.index_cast %mul3A_88 : i32 to index
        %swap3A_90 = tpu.vector_load %arg9[%swap3A, %swap3A_89] {strides = array<i32>} : memref<16x128xf32, #tpu.memory_space<vmem>>, vector<16xf32>,
        tpu.vector_store %arg9[%swap3A, %swap3A_89], %broadcast_in_dim3A_86 {strides = array<i32>} : memref<16x128xf32, #tpu.memory_space<vmem>>, vector<16xf32>,
      }
      %scan3A_84 = arith.constant 8 : i32
    }
    %scan3A_16 = arith.constant 16 : i32
    %scan3A_17 = arith.constant 0 : i32
    %scan3A_18 = arith.constant 0 : i32
    %scan3A_19 = arith.constant 39 : i32
    %scan3A_20 = arith.addi %scan3A_18, %scan3A_19 : i32
    %scan3A_21 = arith.constant 1 : i32
    scf.for %scan3A_79 = %scan3A_18 to %scan3A_20 step %scan3A_21  : i32 {
      %mul3A_80 = arith.constant 626 : i32
      %mul3A_81 = arith.muli %arg1, %mul3A_80 : i32
      %mul3A_82 = arith.constant 16 : i32
      %mul3A_83 = arith.muli %scan3A_79, %mul3A_82 : i32
      %add3A_84 = arith.addi %mul3A_81, %mul3A_83 : i32
      "tpu.region"() ({
        %run_scoped3A_85 = tpu.sem_alloc : memref<!tpu.dma_semaphore, #tpu.memory_space<semaphore_mem>>
        %dma_start3A_86 = arith.constant 0 : i32
        %dma_start3A_87 = tpu.memref_slice %arg5[%add3A_84, %dma_start3A_86] : memref<10016x128xf32, #tpu.memory_space<vmem_shared>> -> memref<16x128xf32, #tpu.memory_space<vmem_shared>>
        %dma_start3A_88 = arith.constant 0 : i32
        %dma_start3A_89 = tpu.memref_slice %arg5[%add3A_84, %dma_start3A_88] : memref<10016x128xf32, #tpu.memory_space<vmem_shared>> -> memref<16x128xf32, #tpu.memory_space<vmem_shared>>
        tpu.enqueue_dma source(%arg9 : memref<16x128xf32, #tpu.memory_space<vmem>>) target(%dma_start3A_89 : memref<16x128xf32, #tpu.memory_space<vmem_shared>>) target_semaphore(%run_scoped3A_85 : memref<!tpu.dma_semaphore, #tpu.memory_space<semaphore_mem>>)
        %dma_wait3A_90 = arith.constant 0 : i32
        %dma_wait3A_91 = tpu.memref_slice %arg5[%add3A_84, %dma_wait3A_90] : memref<10016x128xf32, #tpu.memory_space<vmem_shared>> -> memref<16x128xf32, #tpu.memory_space<vmem_shared>>
        %dma_wait3A_92 = arith.constant 0 : i32
        %dma_wait3A_93 = tpu.memref_slice %arg5[%add3A_84, %dma_wait3A_92] : memref<10016x128xf32, #tpu.memory_space<vmem_shared>> -> memref<16x128xf32, #tpu.memory_space<vmem_shared>>
        tpu.wait_dma2 semaphore(%run_scoped3A_85 : memref<!tpu.dma_semaphore, #tpu.memory_space<semaphore_mem>>) src(%arg9 : memref<16x128xf32, #tpu.memory_space<vmem>>) dst(%dma_wait3A_93 : memref<16x128xf32, #tpu.memory_space<vmem_shared>>)
        tpu.yield
      }) : () -> ()
    }
    %scan3A_22 = arith.constant 39 : i32
    %mul3A_23 = arith.constant 626 : i32
    %mul3A_24 = arith.muli %arg1, %mul3A_23 : i32
    %add3A_25 = arith.constant 626 : i32
    %add3A_26 = arith.addi %mul3A_24, %add3A_25 : i32
    %sub3A = arith.constant 2 : i32
    %sub3A_27 = arith.subi %add3A_26, %sub3A : i32
    "tpu.region"() ({
      %run_scoped3A_79 = tpu.sem_alloc : memref<!tpu.dma_semaphore, #tpu.memory_space<semaphore_mem>>
      %dma_start3A_80 = arith.constant 0 : i32
      %dma_start3A_81 = arith.constant 0 : i32
      %dma_start3A_82 = tpu.memref_slice %arg9[%dma_start3A_80, %dma_start3A_81] : memref<16x128xf32, #tpu.memory_space<vmem>> -> memref<2x128xf32, #tpu.memory_space<vmem>>
      %dma_start3A_83 = arith.constant 0 : i32
      %dma_start3A_84 = tpu.memref_slice %arg5[%sub3A_27, %dma_start3A_83] : memref<10016x128xf32, #tpu.memory_space<vmem_shared>> -> memref<2x128xf32, #tpu.memory_space<vmem_shared>>
      %dma_start3A_85 = arith.constant 0 : i32
      %dma_start3A_86 = tpu.memref_slice %arg5[%sub3A_27, %dma_start3A_85] : memref<10016x128xf32, #tpu.memory_space<vmem_shared>> -> memref<2x128xf32, #tpu.memory_space<vmem_shared>>
      %dma_start3A_87 = arith.constant 0 : i32
      %dma_start3A_88 = arith.constant 0 : i32
      %dma_start3A_89 = tpu.memref_slice %arg9[%dma_start3A_87, %dma_start3A_88] : memref<16x128xf32, #tpu.memory_space<vmem>> -> memref<2x128xf32, #tpu.memory_space<vmem>>
      tpu.enqueue_dma source(%dma_start3A_89 : memref<2x128xf32, #tpu.memory_space<vmem>>) target(%dma_start3A_86 : memref<2x128xf32, #tpu.memory_space<vmem_shared>>) target_semaphore(%run_scoped3A_79 : memref<!tpu.dma_semaphore, #tpu.memory_space<semaphore_mem>>)
      %dma_wait3A_90 = arith.constant 0 : i32
      %dma_wait3A_91 = arith.constant 0 : i32
      %dma_wait3A_92 = tpu.memref_slice %arg9[%dma_wait3A_90, %dma_wait3A_91] : memref<16x128xf32, #tpu.memory_space<vmem>> -> memref<2x128xf32, #tpu.memory_space<vmem>>
      %dma_wait3A_93 = arith.constant 0 : i32
      %dma_wait3A_94 = tpu.memref_slice %arg5[%sub3A_27, %dma_wait3A_93] : memref<10016x128xf32, #tpu.memory_space<vmem_shared>> -> memref<2x128xf32, #tpu.memory_space<vmem_shared>>
      %dma_wait3A_95 = arith.constant 0 : i32
      %dma_wait3A_96 = tpu.memref_slice %arg5[%sub3A_27, %dma_wait3A_95] : memref<10016x128xf32, #tpu.memory_space<vmem_shared>> -> memref<2x128xf32, #tpu.memory_space<vmem_shared>>
      %dma_wait3A_97 = arith.constant 0 : i32
      %dma_wait3A_98 = arith.constant 0 : i32
      %dma_wait3A_99 = tpu.memref_slice %arg9[%dma_wait3A_97, %dma_wait3A_98] : memref<16x128xf32, #tpu.memory_space<vmem>> -> memref<2x128xf32, #tpu.memory_space<vmem>>
      tpu.wait_dma2 semaphore(%run_scoped3A_79 : memref<!tpu.dma_semaphore, #tpu.memory_space<semaphore_mem>>) src(%dma_wait3A_99 : memref<2x128xf32, #tpu.memory_space<vmem>>) dst(%dma_wait3A_96 : memref<2x128xf32, #tpu.memory_space<vmem_shared>>)
      tpu.yield
    }) : () -> ()
    %barrier3A = arith.constant 0 : index
    tpu.barrier barrier_id(%barrier3A)
    %dma_start3A = arith.constant 0 : i32
    %dma_start3A_28 = arith.constant 0 : i32
    %dma_start3A_29 = arith.constant 0 : i32
    %dma_start3A_30 = arith.constant 0 : i32
    %dma_start3A_31 = arith.constant 0 : i32
    %dma_start3A_32 = arith.constant 0 : i32
    %dma_start3A_33 = tpu.memref_slice %arg6[%dma_start3A_29, %dma_start3A_31, %dma_start3A_32] : memref<2x128x128xf32, #tpu.memory_space<vmem>> -> memref<1x128x128xf32, #tpu.memory_space<vmem>>
    %dma_start3A_34 = tpu.memref_squeeze %dma_start3A_33 : memref<1x128x128xf32, #tpu.memory_space<vmem>> -> memref<128x128xf32, #tpu.memory_space<vmem>>
    %dma_start3A_35 = arith.constant 0 : i32
    %dma_start3A_36 = tpu.memref_slice %arg7[%dma_start3A, %dma_start3A_28, %dma_start3A_35] : memref<2x8x128xi32, #tpu.memory_space<vmem>> -> memref<1x1x128xi32, #tpu.memory_space<vmem>>
    %dma_start3A_37 = tpu.memref_squeeze %dma_start3A_36 : memref<1x1x128xi32, #tpu.memory_space<vmem>> -> memref<128xi32, #tpu.memory_space<vmem>>
    %dma_start3A_38 = arith.constant 0 : i32
    %dma_start3A_39 = arith.constant 0 : i32
    %dma_start3A_40 = tpu.memref_slice %arg2[%dma_start3A_38, %dma_start3A_39] : memref<10240x128xf32, #tpu.memory_space<hbm>> -> memref<10240x128xf32, #tpu.memory_space<hbm>>
    %dma_start3A_41 = tpu.memref_slice %arg10[%dma_start3A_30] : memref<2x!tpu.dma_semaphore, #tpu.memory_space<semaphore_mem>> -> memref<1x!tpu.dma_semaphore, #tpu.memory_space<semaphore_mem>>
    %dma_start3A_42 = tpu.memref_squeeze %dma_start3A_41 : memref<1x!tpu.dma_semaphore, #tpu.memory_space<semaphore_mem>> -> memref<!tpu.dma_semaphore, #tpu.memory_space<semaphore_mem>>
    tpu.enqueue_indirect_dma source(%dma_start3A_40 : memref<10240x128xf32, #tpu.memory_space<hbm>>) target(%dma_start3A_34 : memref<128x128xf32, #tpu.memory_space<vmem>>) offsets(%dma_start3A_37 : memref<128xi32, #tpu.memory_space<vmem>>) semaphore(%dma_start3A_42 : memref<!tpu.dma_semaphore, #tpu.memory_space<semaphore_mem>>)
    %while3A = arith.constant 0 : i32
    %while3A_43 = arith.constant 0 : i32
    %while3A_44 = arith.subi %add3A_8, %while3A_43 : i32
    %while3A_45 = arith.addi %while3A_43, %while3A_44 : i32
    %while3A_46 = arith.constant 1 : i32
    %while3A_47 = arith.divsi %while3A_44, %while3A_46 : i32
    %while3A_48 = arith.muli %while3A_47, %while3A_46 : i32
    %while3A_49 = arith.addi %while3A_43, %while3A_48 : i32
    %while3A_50 = arith.constant 1 : i32
    scf.for %while3A_79 = %while3A_43 to %while3A_49 step %while3A_50  : i32 {
      %rem3A_80 = arith.constant 2 : i32
      %rem3A_81 = arith.remsi %while3A_79, %rem3A_80 : i32
      %add3A_82 = arith.constant 1 : i32
      %add3A_83 = arith.addi %while3A_79, %add3A_82 : i32
      %rem3A_84 = arith.constant 2 : i32
      %rem3A_85 = arith.remsi %add3A_83, %rem3A_84 : i32
      %rem3A_86 = arith.constant 8 : i32
      %rem3A_87 = arith.remsi %while3A_79, %rem3A_86 : i32
      %div3A = arith.constant 8 : i32
      %div3A_88 = arith.divsi %while3A_79, %div3A : i32
      %rem3A_89 = arith.constant 2 : i32
      %rem3A_90 = arith.remsi %div3A_88, %rem3A_89 : i32
      %add3A_91 = arith.constant 1 : i32
      %add3A_92 = arith.addi %div3A_88, %add3A_91 : i32
      %rem3A_93 = arith.constant 2 : i32
      %rem3A_94 = arith.remsi %add3A_92, %rem3A_93 : i32
      %ge3A = arith.constant 1 : i32
      %ge3A_95 = arith.cmpi sge, %while3A_79, %ge3A : i32
      %convert_element_type3A_96 = arith.extui %ge3A_95 : i1 to i32
      %cond3A_97 = arith.constant 0 : i32
      %cond3A_98 = arith.cmpi ne, %convert_element_type3A_96, %cond3A_97 : i32
      scf.if %cond3A_98 {
        %dma_wait3A_152 = arith.constant 0 : i32
        %dma_wait3A_153 = arith.constant 0 : i32
        %dma_wait3A_154 = arith.constant 0 : i32
        %dma_wait3A_155 = tpu.memref_slice %arg6[%dma_wait3A_152, %dma_wait3A_153, %dma_wait3A_154] : memref<2x128x128xf32, #tpu.memory_space<vmem>> -> memref<1x128x128xf32, #tpu.memory_space<vmem>>
        %dma_wait3A_156 = tpu.memref_squeeze %dma_wait3A_155 : memref<1x128x128xf32, #tpu.memory_space<vmem>> -> memref<128x128xf32, #tpu.memory_space<vmem>>
        %dma_wait3A_157 = arith.constant 0 : i32
        %dma_wait3A_158 = arith.constant 0 : i32
        %dma_wait3A_159 = tpu.memref_slice %arg2[%dma_wait3A_157, %dma_wait3A_158] : memref<10240x128xf32, #tpu.memory_space<hbm>> -> memref<128x128xf32, #tpu.memory_space<hbm>>
        %dma_wait3A_160 = tpu.memref_slice %arg11[%rem3A_85] : memref<2x!tpu.dma_semaphore, #tpu.memory_space<semaphore_mem>> -> memref<1x!tpu.dma_semaphore, #tpu.memory_space<semaphore_mem>>
        %dma_wait3A_161 = tpu.memref_squeeze %dma_wait3A_160 : memref<1x!tpu.dma_semaphore, #tpu.memory_space<semaphore_mem>> -> memref<!tpu.dma_semaphore, #tpu.memory_space<semaphore_mem>>
        %dma_wait3A_162 = arith.constant 0 : i32
        %dma_wait3A_163 = arith.constant 0 : i32
        %dma_wait3A_164 = tpu.memref_slice %arg6[%dma_wait3A_152, %dma_wait3A_162, %dma_wait3A_163] : memref<2x128x128xf32, #tpu.memory_space<vmem>> -> memref<1x128x128xf32, #tpu.memory_space<vmem>>
        %dma_wait3A_165 = tpu.memref_squeeze %dma_wait3A_164 : memref<1x128x128xf32, #tpu.memory_space<vmem>> -> memref<128x128xf32, #tpu.memory_space<vmem>>
        %dma_wait3A_166 = arith.constant 0 : i32
        %dma_wait3A_167 = arith.constant 0 : i32
        %dma_wait3A_168 = tpu.memref_slice %arg2[%dma_wait3A_166, %dma_wait3A_167] : memref<10240x128xf32, #tpu.memory_space<hbm>> -> memref<128x128xf32, #tpu.memory_space<hbm>>
        tpu.wait_dma2 semaphore(%dma_wait3A_161 : memref<!tpu.dma_semaphore, #tpu.memory_space<semaphore_mem>>) src(%dma_wait3A_168 : memref<128x128xf32, #tpu.memory_space<hbm>>) dst(%dma_wait3A_165 : memref<128x128xf32, #tpu.memory_space<vmem>>)
      } else {
      }
      %eq3A = arith.constant 0 : i32
      %eq3A_99 = arith.cmpi eq, %rem3A_87, %eq3A : i32
      %add3A_100 = arith.constant 1 : i32
      %add3A_101 = arith.addi %div3A_88, %add3A_100 : i32
      %mul3A_102 = arith.constant 8 : i32
      %mul3A_103 = arith.muli %add3A_101, %mul3A_102 : i32
      %lt3A_104 = arith.cmpi slt, %mul3A_103, %add3A_8 : i32
      %and3A = arith.andi %eq3A_99, %lt3A_104 : i1
      %convert_element_type3A_105 = arith.extui %and3A : i1 to i32
      %cond3A_106 = arith.constant 0 : i32
      %cond3A_107 = arith.cmpi ne, %convert_element_type3A_105, %cond3A_106 : i32
      scf.if %cond3A_107 {
        %add3A_152 = arith.constant 1 : i32
        %add3A_153 = arith.addi %div3A_88, %add3A_152 : i32
        %mul3A_154 = arith.constant 8 : i32
        %mul3A_155 = arith.muli %add3A_153, %mul3A_154 : i32
        %add3A_156 = arith.addi %add3A_4, %mul3A_155 : i32
        %dma_start3A_157 = arith.constant 0 : i32
        %dma_start3A_158 = arith.constant 0 : i32
        %dma_start3A_159 = arith.constant 0 : i32
        %dma_start3A_160 = tpu.memref_slice %arg7[%rem3A_94, %dma_start3A_158, %dma_start3A_159] : memref<2x8x128xi32, #tpu.memory_space<vmem>> -> memref<1x8x128xi32, #tpu.memory_space<vmem>>
        %dma_start3A_161 = tpu.memref_squeeze %dma_start3A_160 : memref<1x8x128xi32, #tpu.memory_space<vmem>> -> memref<8x128xi32, #tpu.memory_space<vmem>>
        %dma_start3A_162 = arith.constant 0 : i32
        %dma_start3A_163 = tpu.memref_slice %arg3[%dma_start3A_157, %add3A_156, %dma_start3A_162] : memref<2x2504x128xi32, #tpu.memory_space<hbm>> -> memref<1x8x128xi32, #tpu.memory_space<hbm>>
        %dma_start3A_164 = tpu.memref_squeeze %dma_start3A_163 : memref<1x8x128xi32, #tpu.memory_space<hbm>> -> memref<8x128xi32, #tpu.memory_space<hbm>>
        %dma_start3A_165 = tpu.memref_slice %arg12[%rem3A_94] : memref<2x!tpu.dma_semaphore, #tpu.memory_space<semaphore_mem>> -> memref<1x!tpu.dma_semaphore, #tpu.memory_space<semaphore_mem>>
        %dma_start3A_166 = tpu.memref_squeeze %dma_start3A_165 : memref<1x!tpu.dma_semaphore, #tpu.memory_space<semaphore_mem>> -> memref<!tpu.dma_semaphore, #tpu.memory_space<semaphore_mem>>
        %dma_start3A_167 = arith.constant 0 : i32
        %dma_start3A_168 = arith.constant 0 : i32
        %dma_start3A_169 = tpu.memref_slice %arg7[%rem3A_94, %dma_start3A_167, %dma_start3A_168] : memref<2x8x128xi32, #tpu.memory_space<vmem>> -> memref<1x8x128xi32, #tpu.memory_space<vmem>>
        %dma_start3A_170 = tpu.memref_squeeze %dma_start3A_169 : memref<1x8x128xi32, #tpu.memory_space<vmem>> -> memref<8x128xi32, #tpu.memory_space<vmem>>
        %dma_start3A_171 = arith.constant 0 : i32
        %dma_start3A_172 = tpu.memref_slice %arg3[%dma_start3A_157, %add3A_156, %dma_start3A_171] : memref<2x2504x128xi32, #tpu.memory_space<hbm>> -> memref<1x8x128xi32, #tpu.memory_space<hbm>>
        %dma_start3A_173 = tpu.memref_squeeze %dma_start3A_172 : memref<1x8x128xi32, #tpu.memory_space<hbm>> -> memref<8x128xi32, #tpu.memory_space<hbm>>
        tpu.enqueue_dma source(%dma_start3A_173 : memref<8x128xi32, #tpu.memory_space<hbm>>) target(%dma_start3A_170 : memref<8x128xi32, #tpu.memory_space<vmem>>) target_semaphore(%dma_start3A_166 : memref<!tpu.dma_semaphore, #tpu.memory_space<semaphore_mem>>)
        %dma_start3A_174 = arith.constant 1 : i32
        %dma_start3A_175 = arith.constant 0 : i32
        %dma_start3A_176 = arith.constant 0 : i32
        %dma_start3A_177 = tpu.memref_slice %arg8[%rem3A_94, %dma_start3A_175, %dma_start3A_176] : memref<2x8x128xi32, #tpu.memory_space<vmem>> -> memref<1x8x128xi32, #tpu.memory_space<vmem>>
        %dma_start3A_178 = tpu.memref_squeeze %dma_start3A_177 : memref<1x8x128xi32, #tpu.memory_space<vmem>> -> memref<8x128xi32, #tpu.memory_space<vmem>>
        %dma_start3A_179 = arith.constant 0 : i32
        %dma_start3A_180 = tpu.memref_slice %arg3[%dma_start3A_174, %add3A_156, %dma_start3A_179] : memref<2x2504x128xi32, #tpu.memory_space<hbm>> -> memref<1x8x128xi32, #tpu.memory_space<hbm>>
        %dma_start3A_181 = tpu.memref_squeeze %dma_start3A_180 : memref<1x8x128xi32, #tpu.memory_space<hbm>> -> memref<8x128xi32, #tpu.memory_space<hbm>>
        %dma_start3A_182 = tpu.memref_slice %arg13[%rem3A_94] : memref<2x!tpu.dma_semaphore, #tpu.memory_space<semaphore_mem>> -> memref<1x!tpu.dma_semaphore, #tpu.memory_space<semaphore_mem>>
        %dma_start3A_183 = tpu.memref_squeeze %dma_start3A_182 : memref<1x!tpu.dma_semaphore, #tpu.memory_space<semaphore_mem>> -> memref<!tpu.dma_semaphore, #tpu.memory_space<semaphore_mem>>
        %dma_start3A_184 = arith.constant 0 : i32
        %dma_start3A_185 = arith.constant 0 : i32
        %dma_start3A_186 = tpu.memref_slice %arg8[%rem3A_94, %dma_start3A_184, %dma_start3A_185] : memref<2x8x128xi32, #tpu.memory_space<vmem>> -> memref<1x8x128xi32, #tpu.memory_space<vmem>>
        %dma_start3A_187 = tpu.memref_squeeze %dma_start3A_186 : memref<1x8x128xi32, #tpu.memory_space<vmem>> -> memref<8x128xi32, #tpu.memory_space<vmem>>
        %dma_start3A_188 = arith.constant 0 : i32
        %dma_start3A_189 = tpu.memref_slice %arg3[%dma_start3A_174, %add3A_156, %dma_start3A_188] : memref<2x2504x128xi32, #tpu.memory_space<hbm>> -> memref<1x8x128xi32, #tpu.memory_space<hbm>>
        %dma_start3A_190 = tpu.memref_squeeze %dma_start3A_189 : memref<1x8x128xi32, #tpu.memory_space<hbm>> -> memref<8x128xi32, #tpu.memory_space<hbm>>
        tpu.enqueue_dma source(%dma_start3A_190 : memref<8x128xi32, #tpu.memory_space<hbm>>) target(%dma_start3A_187 : memref<8x128xi32, #tpu.memory_space<vmem>>) target_semaphore(%dma_start3A_183 : memref<!tpu.dma_semaphore, #tpu.memory_space<semaphore_mem>>)
      } else {
      }
      %eq3A_108 = arith.constant 7 : i32
      %eq3A_109 = arith.cmpi eq, %rem3A_87, %eq3A_108 : i32
      %add3A_110 = arith.constant 1 : i32
      %add3A_111 = arith.addi %while3A_79, %add3A_110 : i32
      %lt3A_112 = arith.cmpi slt, %add3A_111, %add3A_8 : i32
      %and3A_113 = arith.andi %eq3A_109, %lt3A_112 : i1
      %convert_element_type3A_114 = arith.extui %and3A_113 : i1 to i32
      %cond3A_115 = arith.constant 0 : i32
      %cond3A_116 = arith.cmpi ne, %convert_element_type3A_114, %cond3A_115 : i32
      scf.if %cond3A_116 {
        %dma_wait3A_152 = arith.constant 0 : i32
        %dma_wait3A_153 = arith.constant 0 : i32
        %dma_wait3A_154 = arith.constant 0 : i32
        %dma_wait3A_155 = arith.constant 0 : i32
        %dma_wait3A_156 = tpu.memref_slice %arg7[%dma_wait3A_153, %dma_wait3A_154, %dma_wait3A_155] : memref<2x8x128xi32, #tpu.memory_space<vmem>> -> memref<1x8x128xi32, #tpu.memory_space<vmem>>
        %dma_wait3A_157 = tpu.memref_squeeze %dma_wait3A_156 : memref<1x8x128xi32, #tpu.memory_space<vmem>> -> memref<8x128xi32, #tpu.memory_space<vmem>>
        %dma_wait3A_158 = arith.constant 0 : i32
        %dma_wait3A_159 = arith.constant 0 : i32
        %dma_wait3A_160 = tpu.memref_slice %arg3[%dma_wait3A_152, %dma_wait3A_158, %dma_wait3A_159] : memref<2x2504x128xi32, #tpu.memory_space<hbm>> -> memref<1x8x128xi32, #tpu.memory_space<hbm>>
        %dma_wait3A_161 = tpu.memref_squeeze %dma_wait3A_160 : memref<1x8x128xi32, #tpu.memory_space<hbm>> -> memref<8x128xi32, #tpu.memory_space<hbm>>
        %dma_wait3A_162 = tpu.memref_slice %arg12[%rem3A_94] : memref<2x!tpu.dma_semaphore, #tpu.memory_space<semaphore_mem>> -> memref<1x!tpu.dma_semaphore, #tpu.memory_space<semaphore_mem>>
        %dma_wait3A_163 = tpu.memref_squeeze %dma_wait3A_162 : memref<1x!tpu.dma_semaphore, #tpu.memory_space<semaphore_mem>> -> memref<!tpu.dma_semaphore, #tpu.memory_space<semaphore_mem>>
        %dma_wait3A_164 = arith.constant 0 : i32
        %dma_wait3A_165 = arith.constant 0 : i32
        %dma_wait3A_166 = tpu.memref_slice %arg7[%dma_wait3A_153, %dma_wait3A_164, %dma_wait3A_165] : memref<2x8x128xi32, #tpu.memory_space<vmem>> -> memref<1x8x128xi32, #tpu.memory_space<vmem>>
        %dma_wait3A_167 = tpu.memref_squeeze %dma_wait3A_166 : memref<1x8x128xi32, #tpu.memory_space<vmem>> -> memref<8x128xi32, #tpu.memory_space<vmem>>
        %dma_wait3A_168 = arith.constant 0 : i32
        %dma_wait3A_169 = arith.constant 0 : i32
        %dma_wait3A_170 = tpu.memref_slice %arg3[%dma_wait3A_152, %dma_wait3A_168, %dma_wait3A_169] : memref<2x2504x128xi32, #tpu.memory_space<hbm>> -> memref<1x8x128xi32, #tpu.memory_space<hbm>>
        %dma_wait3A_171 = tpu.memref_squeeze %dma_wait3A_170 : memref<1x8x128xi32, #tpu.memory_space<hbm>> -> memref<8x128xi32, #tpu.memory_space<hbm>>
        tpu.wait_dma2 semaphore(%dma_wait3A_163 : memref<!tpu.dma_semaphore, #tpu.memory_space<semaphore_mem>>) src(%dma_wait3A_171 : memref<8x128xi32, #tpu.memory_space<hbm>>) dst(%dma_wait3A_167 : memref<8x128xi32, #tpu.memory_space<vmem>>)
        %dma_wait3A_172 = arith.constant 1 : i32
        %dma_wait3A_173 = arith.constant 0 : i32
        %dma_wait3A_174 = arith.constant 0 : i32
        %dma_wait3A_175 = arith.constant 0 : i32
        %dma_wait3A_176 = tpu.memref_slice %arg8[%dma_wait3A_173, %dma_wait3A_174, %dma_wait3A_175] : memref<2x8x128xi32, #tpu.memory_space<vmem>> -> memref<1x8x128xi32, #tpu.memory_space<vmem>>
        %dma_wait3A_177 = tpu.memref_squeeze %dma_wait3A_176 : memref<1x8x128xi32, #tpu.memory_space<vmem>> -> memref<8x128xi32, #tpu.memory_space<vmem>>
        %dma_wait3A_178 = arith.constant 0 : i32
        %dma_wait3A_179 = arith.constant 0 : i32
        %dma_wait3A_180 = tpu.memref_slice %arg3[%dma_wait3A_172, %dma_wait3A_178, %dma_wait3A_179] : memref<2x2504x128xi32, #tpu.memory_space<hbm>> -> memref<1x8x128xi32, #tpu.memory_space<hbm>>
        %dma_wait3A_181 = tpu.memref_squeeze %dma_wait3A_180 : memref<1x8x128xi32, #tpu.memory_space<hbm>> -> memref<8x128xi32, #tpu.memory_space<hbm>>
        %dma_wait3A_182 = tpu.memref_slice %arg13[%rem3A_94] : memref<2x!tpu.dma_semaphore, #tpu.memory_space<semaphore_mem>> -> memref<1x!tpu.dma_semaphore, #tpu.memory_space<semaphore_mem>>
        %dma_wait3A_183 = tpu.memref_squeeze %dma_wait3A_182 : memref<1x!tpu.dma_semaphore, #tpu.memory_space<semaphore_mem>> -> memref<!tpu.dma_semaphore, #tpu.memory_space<semaphore_mem>>
        %dma_wait3A_184 = arith.constant 0 : i32
        %dma_wait3A_185 = arith.constant 0 : i32
        %dma_wait3A_186 = tpu.memref_slice %arg8[%dma_wait3A_173, %dma_wait3A_184, %dma_wait3A_185] : memref<2x8x128xi32, #tpu.memory_space<vmem>> -> memref<1x8x128xi32, #tpu.memory_space<vmem>>
        %dma_wait3A_187 = tpu.memref_squeeze %dma_wait3A_186 : memref<1x8x128xi32, #tpu.memory_space<vmem>> -> memref<8x128xi32, #tpu.memory_space<vmem>>
        %dma_wait3A_188 = arith.constant 0 : i32
        %dma_wait3A_189 = arith.constant 0 : i32
        %dma_wait3A_190 = tpu.memref_slice %arg3[%dma_wait3A_172, %dma_wait3A_188, %dma_wait3A_189] : memref<2x2504x128xi32, #tpu.memory_space<hbm>> -> memref<1x8x128xi32, #tpu.memory_space<hbm>>
        %dma_wait3A_191 = tpu.memref_squeeze %dma_wait3A_190 : memref<1x8x128xi32, #tpu.memory_space<hbm>> -> memref<8x128xi32, #tpu.memory_space<hbm>>
        tpu.wait_dma2 semaphore(%dma_wait3A_183 : memref<!tpu.dma_semaphore, #tpu.memory_space<semaphore_mem>>) src(%dma_wait3A_191 : memref<8x128xi32, #tpu.memory_space<hbm>>) dst(%dma_wait3A_187 : memref<8x128xi32, #tpu.memory_space<vmem>>)
      } else {
      }
      %add3A_117 = arith.constant 1 : i32
      %add3A_118 = arith.addi %while3A_79, %add3A_117 : i32
      %lt3A_119 = arith.cmpi slt, %add3A_118, %add3A_8 : i32
      %convert_element_type3A_120 = arith.extui %lt3A_119 : i1 to i32
      %cond3A_121 = arith.constant 0 : i32
      %cond3A_122 = arith.cmpi ne, %convert_element_type3A_120, %cond3A_121 : i32
      scf.if %cond3A_122 {
        %add3A_152 = arith.constant 1 : i32
        %add3A_153 = arith.addi %while3A_79, %add3A_152 : i32
        %rem3A_154 = arith.constant 8 : i32
        %rem3A_155 = arith.remsi %add3A_153, %rem3A_154 : i32
        %div3A_156 = arith.constant 8 : i32
        %div3A_157 = arith.divsi %add3A_153, %div3A_156 : i32
        %rem3A_158 = arith.constant 2 : i32
        %rem3A_159 = arith.remsi %div3A_157, %rem3A_158 : i32
        %dma_start3A_160 = arith.constant 0 : i32
        %dma_start3A_161 = arith.constant 0 : i32
        %dma_start3A_162 = tpu.memref_slice %arg6[%rem3A_85, %dma_start3A_160, %dma_start3A_161] : memref<2x128x128xf32, #tpu.memory_space<vmem>> -> memref<1x128x128xf32, #tpu.memory_space<vmem>>
        %dma_start3A_163 = tpu.memref_squeeze %dma_start3A_162 : memref<1x128x128xf32, #tpu.memory_space<vmem>> -> memref<128x128xf32, #tpu.memory_space<vmem>>
        %dma_start3A_164 = arith.constant 0 : i32
        %dma_start3A_165 = tpu.memref_slice %arg7[%rem3A_159, %rem3A_155, %dma_start3A_164] : memref<2x8x128xi32, #tpu.memory_space<vmem>> -> memref<1x1x128xi32, #tpu.memory_space<vmem>>
        %dma_start3A_166 = tpu.memref_squeeze %dma_start3A_165 : memref<1x1x128xi32, #tpu.memory_space<vmem>> -> memref<128xi32, #tpu.memory_space<vmem>>
        %dma_start3A_167 = arith.constant 0 : i32
        %dma_start3A_168 = arith.constant 0 : i32
        %dma_start3A_169 = tpu.memref_slice %arg2[%dma_start3A_167, %dma_start3A_168] : memref<10240x128xf32, #tpu.memory_space<hbm>> -> memref<10240x128xf32, #tpu.memory_space<hbm>>
        %dma_start3A_170 = tpu.memref_slice %arg10[%rem3A_85] : memref<2x!tpu.dma_semaphore, #tpu.memory_space<semaphore_mem>> -> memref<1x!tpu.dma_semaphore, #tpu.memory_space<semaphore_mem>>
        %dma_start3A_171 = tpu.memref_squeeze %dma_start3A_170 : memref<1x!tpu.dma_semaphore, #tpu.memory_space<semaphore_mem>> -> memref<!tpu.dma_semaphore, #tpu.memory_space<semaphore_mem>>
        tpu.enqueue_indirect_dma source(%dma_start3A_169 : memref<10240x128xf32, #tpu.memory_space<hbm>>) target(%dma_start3A_163 : memref<128x128xf32, #tpu.memory_space<vmem>>) offsets(%dma_start3A_166 : memref<128xi32, #tpu.memory_space<vmem>>) semaphore(%dma_start3A_171 : memref<!tpu.dma_semaphore, #tpu.memory_space<semaphore_mem>>)
      } else {
      }
      %dma_wait3A_123 = arith.constant 0 : i32
      %dma_wait3A_124 = arith.constant 0 : i32
      %dma_wait3A_125 = arith.constant 0 : i32
      %dma_wait3A_126 = tpu.memref_slice %arg6[%dma_wait3A_123, %dma_wait3A_124, %dma_wait3A_125] : memref<2x128x128xf32, #tpu.memory_space<vmem>> -> memref<1x128x128xf32, #tpu.memory_space<vmem>>
      %dma_wait3A_127 = tpu.memref_squeeze %dma_wait3A_126 : memref<1x128x128xf32, #tpu.memory_space<vmem>> -> memref<128x128xf32, #tpu.memory_space<vmem>>
      %dma_wait3A_128 = arith.constant 0 : i32
      %dma_wait3A_129 = arith.constant 0 : i32
      %dma_wait3A_130 = tpu.memref_slice %arg2[%dma_wait3A_128, %dma_wait3A_129] : memref<10240x128xf32, #tpu.memory_space<hbm>> -> memref<128x128xf32, #tpu.memory_space<hbm>>
      %dma_wait3A_131 = tpu.memref_slice %arg10[%rem3A_81] : memref<2x!tpu.dma_semaphore, #tpu.memory_space<semaphore_mem>> -> memref<1x!tpu.dma_semaphore, #tpu.memory_space<semaphore_mem>>
      %dma_wait3A_132 = tpu.memref_squeeze %dma_wait3A_131 : memref<1x!tpu.dma_semaphore, #tpu.memory_space<semaphore_mem>> -> memref<!tpu.dma_semaphore, #tpu.memory_space<semaphore_mem>>
      %dma_wait3A_133 = arith.constant 0 : i32
      %dma_wait3A_134 = arith.constant 0 : i32
      %dma_wait3A_135 = tpu.memref_slice %arg6[%dma_wait3A_123, %dma_wait3A_133, %dma_wait3A_134] : memref<2x128x128xf32, #tpu.memory_space<vmem>> -> memref<1x128x128xf32, #tpu.memory_space<vmem>>
      %dma_wait3A_136 = tpu.memref_squeeze %dma_wait3A_135 : memref<1x128x128xf32, #tpu.memory_space<vmem>> -> memref<128x128xf32, #tpu.memory_space<vmem>>
      %dma_wait3A_137 = arith.constant 0 : i32
      %dma_wait3A_138 = arith.constant 0 : i32
      %dma_wait3A_139 = tpu.memref_slice %arg2[%dma_wait3A_137, %dma_wait3A_138] : memref<10240x128xf32, #tpu.memory_space<hbm>> -> memref<128x128xf32, #tpu.memory_space<hbm>>
      tpu.wait_dma2 semaphore(%dma_wait3A_132 : memref<!tpu.dma_semaphore, #tpu.memory_space<semaphore_mem>>) src(%dma_wait3A_139 : memref<128x128xf32, #tpu.memory_space<hbm>>) dst(%dma_wait3A_136 : memref<128x128xf32, #tpu.memory_space<vmem>>)
      %dma_start3A_140 = arith.constant 0 : i32
      %dma_start3A_141 = arith.constant 0 : i32
      %dma_start3A_142 = tpu.memref_slice %arg6[%rem3A_81, %dma_start3A_140, %dma_start3A_141] : memref<2x128x128xf32, #tpu.memory_space<vmem>> -> memref<1x128x128xf32, #tpu.memory_space<vmem>>
      %dma_start3A_143 = tpu.memref_squeeze %dma_start3A_142 : memref<1x128x128xf32, #tpu.memory_space<vmem>> -> memref<128x128xf32, #tpu.memory_space<vmem>>
      %dma_start3A_144 = arith.constant 0 : i32
      %dma_start3A_145 = tpu.memref_slice %arg8[%rem3A_90, %rem3A_87, %dma_start3A_144] : memref<2x8x128xi32, #tpu.memory_space<vmem>> -> memref<1x1x128xi32, #tpu.memory_space<vmem>>
      %dma_start3A_146 = tpu.memref_squeeze %dma_start3A_145 : memref<1x1x128xi32, #tpu.memory_space<vmem>> -> memref<128xi32, #tpu.memory_space<vmem>>
      %dma_start3A_147 = arith.constant 0 : i32
      %dma_start3A_148 = arith.constant 0 : i32
      %dma_start3A_149 = tpu.memref_slice %arg5[%dma_start3A_147, %dma_start3A_148] : memref<10016x128xf32, #tpu.memory_space<vmem_shared>> -> memref<10016x128xf32, #tpu.memory_space<vmem_shared>>
      %dma_start3A_150 = tpu.memref_slice %arg11[%rem3A_81] : memref<2x!tpu.dma_semaphore, #tpu.memory_space<semaphore_mem>> -> memref<1x!tpu.dma_semaphore, #tpu.memory_space<semaphore_mem>>
      %dma_start3A_151 = tpu.memref_squeeze %dma_start3A_150 : memref<1x!tpu.dma_semaphore, #tpu.memory_space<semaphore_mem>> -> memref<!tpu.dma_semaphore, #tpu.memory_space<semaphore_mem>>
      tpu.enqueue_indirect_dma source(%dma_start3A_143 : memref<128x128xf32, #tpu.memory_space<vmem>>) target(%dma_start3A_149 : memref<10016x128xf32, #tpu.memory_space<vmem_shared>>) offsets(%dma_start3A_146 : memref<128xi32, #tpu.memory_space<vmem>>) semaphore(%dma_start3A_151 : memref<!tpu.dma_semaphore, #tpu.memory_space<semaphore_mem>>) {add = true}
    }
    %while3A_51 = arith.constant 1 : i32
    scf.for %while3A_79 = %while3A_49 to %while3A_45 step %while3A_51  : i32 {
      %rem3A_80 = arith.constant 2 : i32
      %rem3A_81 = arith.remsi %while3A_79, %rem3A_80 : i32
      %add3A_82 = arith.constant 1 : i32
      %add3A_83 = arith.addi %while3A_79, %add3A_82 : i32
      %rem3A_84 = arith.constant 2 : i32
      %rem3A_85 = arith.remsi %add3A_83, %rem3A_84 : i32
      %rem3A_86 = arith.constant 8 : i32
      %rem3A_87 = arith.remsi %while3A_79, %rem3A_86 : i32
      %div3A = arith.constant 8 : i32
      %div3A_88 = arith.divsi %while3A_79, %div3A : i32
      %rem3A_89 = arith.constant 2 : i32
      %rem3A_90 = arith.remsi %div3A_88, %rem3A_89 : i32
      %add3A_91 = arith.constant 1 : i32
      %add3A_92 = arith.addi %div3A_88, %add3A_91 : i32
      %rem3A_93 = arith.constant 2 : i32
      %rem3A_94 = arith.remsi %add3A_92, %rem3A_93 : i32
      %ge3A = arith.constant 1 : i32
      %ge3A_95 = arith.cmpi sge, %while3A_79, %ge3A : i32
      %convert_element_type3A_96 = arith.extui %ge3A_95 : i1 to i32
      %cond3A_97 = arith.constant 0 : i32
      %cond3A_98 = arith.cmpi ne, %convert_element_type3A_96, %cond3A_97 : i32
      scf.if %cond3A_98 {
        %dma_wait3A_152 = arith.constant 0 : i32
        %dma_wait3A_153 = arith.constant 0 : i32
        %dma_wait3A_154 = arith.constant 0 : i32
        %dma_wait3A_155 = tpu.memref_slice %arg6[%dma_wait3A_152, %dma_wait3A_153, %dma_wait3A_154] : memref<2x128x128xf32, #tpu.memory_space<vmem>> -> memref<1x128x128xf32, #tpu.memory_space<vmem>>
        %dma_wait3A_156 = tpu.memref_squeeze %dma_wait3A_155 : memref<1x128x128xf32, #tpu.memory_space<vmem>> -> memref<128x128xf32, #tpu.memory_space<vmem>>
        %dma_wait3A_157 = arith.constant 0 : i32
        %dma_wait3A_158 = arith.constant 0 : i32
        %dma_wait3A_159 = tpu.memref_slice %arg2[%dma_wait3A_157, %dma_wait3A_158] : memref<10240x128xf32, #tpu.memory_space<hbm>> -> memref<128x128xf32, #tpu.memory_space<hbm>>
        %dma_wait3A_160 = tpu.memref_slice %arg11[%rem3A_85] : memref<2x!tpu.dma_semaphore, #tpu.memory_space<semaphore_mem>> -> memref<1x!tpu.dma_semaphore, #tpu.memory_space<semaphore_mem>>
        %dma_wait3A_161 = tpu.memref_squeeze %dma_wait3A_160 : memref<1x!tpu.dma_semaphore, #tpu.memory_space<semaphore_mem>> -> memref<!tpu.dma_semaphore, #tpu.memory_space<semaphore_mem>>
        %dma_wait3A_162 = arith.constant 0 : i32
        %dma_wait3A_163 = arith.constant 0 : i32
        %dma_wait3A_164 = tpu.memref_slice %arg6[%dma_wait3A_152, %dma_wait3A_162, %dma_wait3A_163] : memref<2x128x128xf32, #tpu.memory_space<vmem>> -> memref<1x128x128xf32, #tpu.memory_space<vmem>>
        %dma_wait3A_165 = tpu.memref_squeeze %dma_wait3A_164 : memref<1x128x128xf32, #tpu.memory_space<vmem>> -> memref<128x128xf32, #tpu.memory_space<vmem>>
        %dma_wait3A_166 = arith.constant 0 : i32
        %dma_wait3A_167 = arith.constant 0 : i32
        %dma_wait3A_168 = tpu.memref_slice %arg2[%dma_wait3A_166, %dma_wait3A_167] : memref<10240x128xf32, #tpu.memory_space<hbm>> -> memref<128x128xf32, #tpu.memory_space<hbm>>
        tpu.wait_dma2 semaphore(%dma_wait3A_161 : memref<!tpu.dma_semaphore, #tpu.memory_space<semaphore_mem>>) src(%dma_wait3A_168 : memref<128x128xf32, #tpu.memory_space<hbm>>) dst(%dma_wait3A_165 : memref<128x128xf32, #tpu.memory_space<vmem>>)
      } else {
      }
      %eq3A = arith.constant 0 : i32
      %eq3A_99 = arith.cmpi eq, %rem3A_87, %eq3A : i32
      %add3A_100 = arith.constant 1 : i32
      %add3A_101 = arith.addi %div3A_88, %add3A_100 : i32
      %mul3A_102 = arith.constant 8 : i32
      %mul3A_103 = arith.muli %add3A_101, %mul3A_102 : i32
      %lt3A_104 = arith.cmpi slt, %mul3A_103, %add3A_8 : i32
      %and3A = arith.andi %eq3A_99, %lt3A_104 : i1
      %convert_element_type3A_105 = arith.extui %and3A : i1 to i32
      %cond3A_106 = arith.constant 0 : i32
      %cond3A_107 = arith.cmpi ne, %convert_element_type3A_105, %cond3A_106 : i32
      scf.if %cond3A_107 {
        %add3A_152 = arith.constant 1 : i32
        %add3A_153 = arith.addi %div3A_88, %add3A_152 : i32
        %mul3A_154 = arith.constant 8 : i32
        %mul3A_155 = arith.muli %add3A_153, %mul3A_154 : i32
        %add3A_156 = arith.addi %add3A_4, %mul3A_155 : i32
        %dma_start3A_157 = arith.constant 0 : i32
        %dma_start3A_158 = arith.constant 0 : i32
        %dma_start3A_159 = arith.constant 0 : i32
        %dma_start3A_160 = tpu.memref_slice %arg7[%rem3A_94, %dma_start3A_158, %dma_start3A_159] : memref<2x8x128xi32, #tpu.memory_space<vmem>> -> memref<1x8x128xi32, #tpu.memory_space<vmem>>
        %dma_start3A_161 = tpu.memref_squeeze %dma_start3A_160 : memref<1x8x128xi32, #tpu.memory_space<vmem>> -> memref<8x128xi32, #tpu.memory_space<vmem>>
        %dma_start3A_162 = arith.constant 0 : i32
        %dma_start3A_163 = tpu.memref_slice %arg3[%dma_start3A_157, %add3A_156, %dma_start3A_162] : memref<2x2504x128xi32, #tpu.memory_space<hbm>> -> memref<1x8x128xi32, #tpu.memory_space<hbm>>
        %dma_start3A_164 = tpu.memref_squeeze %dma_start3A_163 : memref<1x8x128xi32, #tpu.memory_space<hbm>> -> memref<8x128xi32, #tpu.memory_space<hbm>>
        %dma_start3A_165 = tpu.memref_slice %arg12[%rem3A_94] : memref<2x!tpu.dma_semaphore, #tpu.memory_space<semaphore_mem>> -> memref<1x!tpu.dma_semaphore, #tpu.memory_space<semaphore_mem>>
        %dma_start3A_166 = tpu.memref_squeeze %dma_start3A_165 : memref<1x!tpu.dma_semaphore, #tpu.memory_space<semaphore_mem>> -> memref<!tpu.dma_semaphore, #tpu.memory_space<semaphore_mem>>
        %dma_start3A_167 = arith.constant 0 : i32
        %dma_start3A_168 = arith.constant 0 : i32
        %dma_start3A_169 = tpu.memref_slice %arg7[%rem3A_94, %dma_start3A_167, %dma_start3A_168] : memref<2x8x128xi32, #tpu.memory_space<vmem>> -> memref<1x8x128xi32, #tpu.memory_space<vmem>>
        %dma_start3A_170 = tpu.memref_squeeze %dma_start3A_169 : memref<1x8x128xi32, #tpu.memory_space<vmem>> -> memref<8x128xi32, #tpu.memory_space<vmem>>
        %dma_start3A_171 = arith.constant 0 : i32
        %dma_start3A_172 = tpu.memref_slice %arg3[%dma_start3A_157, %add3A_156, %dma_start3A_171] : memref<2x2504x128xi32, #tpu.memory_space<hbm>> -> memref<1x8x128xi32, #tpu.memory_space<hbm>>
        %dma_start3A_173 = tpu.memref_squeeze %dma_start3A_172 : memref<1x8x128xi32, #tpu.memory_space<hbm>> -> memref<8x128xi32, #tpu.memory_space<hbm>>
        tpu.enqueue_dma source(%dma_start3A_173 : memref<8x128xi32, #tpu.memory_space<hbm>>) target(%dma_start3A_170 : memref<8x128xi32, #tpu.memory_space<vmem>>) target_semaphore(%dma_start3A_166 : memref<!tpu.dma_semaphore, #tpu.memory_space<semaphore_mem>>)
        %dma_start3A_174 = arith.constant 1 : i32
        %dma_start3A_175 = arith.constant 0 : i32
        %dma_start3A_176 = arith.constant 0 : i32
        %dma_start3A_177 = tpu.memref_slice %arg8[%rem3A_94, %dma_start3A_175, %dma_start3A_176] : memref<2x8x128xi32, #tpu.memory_space<vmem>> -> memref<1x8x128xi32, #tpu.memory_space<vmem>>
        %dma_start3A_178 = tpu.memref_squeeze %dma_start3A_177 : memref<1x8x128xi32, #tpu.memory_space<vmem>> -> memref<8x128xi32, #tpu.memory_space<vmem>>
        %dma_start3A_179 = arith.constant 0 : i32
        %dma_start3A_180 = tpu.memref_slice %arg3[%dma_start3A_174, %add3A_156, %dma_start3A_179] : memref<2x2504x128xi32, #tpu.memory_space<hbm>> -> memref<1x8x128xi32, #tpu.memory_space<hbm>>
        %dma_start3A_181 = tpu.memref_squeeze %dma_start3A_180 : memref<1x8x128xi32, #tpu.memory_space<hbm>> -> memref<8x128xi32, #tpu.memory_space<hbm>>
        %dma_start3A_182 = tpu.memref_slice %arg13[%rem3A_94] : memref<2x!tpu.dma_semaphore, #tpu.memory_space<semaphore_mem>> -> memref<1x!tpu.dma_semaphore, #tpu.memory_space<semaphore_mem>>
        %dma_start3A_183 = tpu.memref_squeeze %dma_start3A_182 : memref<1x!tpu.dma_semaphore, #tpu.memory_space<semaphore_mem>> -> memref<!tpu.dma_semaphore, #tpu.memory_space<semaphore_mem>>
        %dma_start3A_184 = arith.constant 0 : i32
        %dma_start3A_185 = arith.constant 0 : i32
        %dma_start3A_186 = tpu.memref_slice %arg8[%rem3A_94, %dma_start3A_184, %dma_start3A_185] : memref<2x8x128xi32, #tpu.memory_space<vmem>> -> memref<1x8x128xi32, #tpu.memory_space<vmem>>
        %dma_start3A_187 = tpu.memref_squeeze %dma_start3A_186 : memref<1x8x128xi32, #tpu.memory_space<vmem>> -> memref<8x128xi32, #tpu.memory_space<vmem>>
        %dma_start3A_188 = arith.constant 0 : i32
        %dma_start3A_189 = tpu.memref_slice %arg3[%dma_start3A_174, %add3A_156, %dma_start3A_188] : memref<2x2504x128xi32, #tpu.memory_space<hbm>> -> memref<1x8x128xi32, #tpu.memory_space<hbm>>
        %dma_start3A_190 = tpu.memref_squeeze %dma_start3A_189 : memref<1x8x128xi32, #tpu.memory_space<hbm>> -> memref<8x128xi32, #tpu.memory_space<hbm>>
        tpu.enqueue_dma source(%dma_start3A_190 : memref<8x128xi32, #tpu.memory_space<hbm>>) target(%dma_start3A_187 : memref<8x128xi32, #tpu.memory_space<vmem>>) target_semaphore(%dma_start3A_183 : memref<!tpu.dma_semaphore, #tpu.memory_space<semaphore_mem>>)
      } else {
      }
      %eq3A_108 = arith.constant 7 : i32
      %eq3A_109 = arith.cmpi eq, %rem3A_87, %eq3A_108 : i32
      %add3A_110 = arith.constant 1 : i32
      %add3A_111 = arith.addi %while3A_79, %add3A_110 : i32
      %lt3A_112 = arith.cmpi slt, %add3A_111, %add3A_8 : i32
      %and3A_113 = arith.andi %eq3A_109, %lt3A_112 : i1
      %convert_element_type3A_114 = arith.extui %and3A_113 : i1 to i32
      %cond3A_115 = arith.constant 0 : i32
      %cond3A_116 = arith.cmpi ne, %convert_element_type3A_114, %cond3A_115 : i32
      scf.if %cond3A_116 {
        %dma_wait3A_152 = arith.constant 0 : i32
        %dma_wait3A_153 = arith.constant 0 : i32
        %dma_wait3A_154 = arith.constant 0 : i32
        %dma_wait3A_155 = arith.constant 0 : i32
        %dma_wait3A_156 = tpu.memref_slice %arg7[%dma_wait3A_153, %dma_wait3A_154, %dma_wait3A_155] : memref<2x8x128xi32, #tpu.memory_space<vmem>> -> memref<1x8x128xi32, #tpu.memory_space<vmem>>
        %dma_wait3A_157 = tpu.memref_squeeze %dma_wait3A_156 : memref<1x8x128xi32, #tpu.memory_space<vmem>> -> memref<8x128xi32, #tpu.memory_space<vmem>>
        %dma_wait3A_158 = arith.constant 0 : i32
        %dma_wait3A_159 = arith.constant 0 : i32
        %dma_wait3A_160 = tpu.memref_slice %arg3[%dma_wait3A_152, %dma_wait3A_158, %dma_wait3A_159] : memref<2x2504x128xi32, #tpu.memory_space<hbm>> -> memref<1x8x128xi32, #tpu.memory_space<hbm>>
        %dma_wait3A_161 = tpu.memref_squeeze %dma_wait3A_160 : memref<1x8x128xi32, #tpu.memory_space<hbm>> -> memref<8x128xi32, #tpu.memory_space<hbm>>
        %dma_wait3A_162 = tpu.memref_slice %arg12[%rem3A_94] : memref<2x!tpu.dma_semaphore, #tpu.memory_space<semaphore_mem>> -> memref<1x!tpu.dma_semaphore, #tpu.memory_space<semaphore_mem>>
        %dma_wait3A_163 = tpu.memref_squeeze %dma_wait3A_162 : memref<1x!tpu.dma_semaphore, #tpu.memory_space<semaphore_mem>> -> memref<!tpu.dma_semaphore, #tpu.memory_space<semaphore_mem>>
        %dma_wait3A_164 = arith.constant 0 : i32
        %dma_wait3A_165 = arith.constant 0 : i32
        %dma_wait3A_166 = tpu.memref_slice %arg7[%dma_wait3A_153, %dma_wait3A_164, %dma_wait3A_165] : memref<2x8x128xi32, #tpu.memory_space<vmem>> -> memref<1x8x128xi32, #tpu.memory_space<vmem>>
        %dma_wait3A_167 = tpu.memref_squeeze %dma_wait3A_166 : memref<1x8x128xi32, #tpu.memory_space<vmem>> -> memref<8x128xi32, #tpu.memory_space<vmem>>
        %dma_wait3A_168 = arith.constant 0 : i32
        %dma_wait3A_169 = arith.constant 0 : i32
        %dma_wait3A_170 = tpu.memref_slice %arg3[%dma_wait3A_152, %dma_wait3A_168, %dma_wait3A_169] : memref<2x2504x128xi32, #tpu.memory_space<hbm>> -> memref<1x8x128xi32, #tpu.memory_space<hbm>>
        %dma_wait3A_171 = tpu.memref_squeeze %dma_wait3A_170 : memref<1x8x128xi32, #tpu.memory_space<hbm>> -> memref<8x128xi32, #tpu.memory_space<hbm>>
        tpu.wait_dma2 semaphore(%dma_wait3A_163 : memref<!tpu.dma_semaphore, #tpu.memory_space<semaphore_mem>>) src(%dma_wait3A_171 : memref<8x128xi32, #tpu.memory_space<hbm>>) dst(%dma_wait3A_167 : memref<8x128xi32, #tpu.memory_space<vmem>>)
        %dma_wait3A_172 = arith.constant 1 : i32
        %dma_wait3A_173 = arith.constant 0 : i32
        %dma_wait3A_174 = arith.constant 0 : i32
        %dma_wait3A_175 = arith.constant 0 : i32
        %dma_wait3A_176 = tpu.memref_slice %arg8[%dma_wait3A_173, %dma_wait3A_174, %dma_wait3A_175] : memref<2x8x128xi32, #tpu.memory_space<vmem>> -> memref<1x8x128xi32, #tpu.memory_space<vmem>>
        %dma_wait3A_177 = tpu.memref_squeeze %dma_wait3A_176 : memref<1x8x128xi32, #tpu.memory_space<vmem>> -> memref<8x128xi32, #tpu.memory_space<vmem>>
        %dma_wait3A_178 = arith.constant 0 : i32
        %dma_wait3A_179 = arith.constant 0 : i32
        %dma_wait3A_180 = tpu.memref_slice %arg3[%dma_wait3A_172, %dma_wait3A_178, %dma_wait3A_179] : memref<2x2504x128xi32, #tpu.memory_space<hbm>> -> memref<1x8x128xi32, #tpu.memory_space<hbm>>
        %dma_wait3A_181 = tpu.memref_squeeze %dma_wait3A_180 : memref<1x8x128xi32, #tpu.memory_space<hbm>> -> memref<8x128xi32, #tpu.memory_space<hbm>>
        %dma_wait3A_182 = tpu.memref_slice %arg13[%rem3A_94] : memref<2x!tpu.dma_semaphore, #tpu.memory_space<semaphore_mem>> -> memref<1x!tpu.dma_semaphore, #tpu.memory_space<semaphore_mem>>
        %dma_wait3A_183 = tpu.memref_squeeze %dma_wait3A_182 : memref<1x!tpu.dma_semaphore, #tpu.memory_space<semaphore_mem>> -> memref<!tpu.dma_semaphore, #tpu.memory_space<semaphore_mem>>
        %dma_wait3A_184 = arith.constant 0 : i32
        %dma_wait3A_185 = arith.constant 0 : i32
        %dma_wait3A_186 = tpu.memref_slice %arg8[%dma_wait3A_173, %dma_wait3A_184, %dma_wait3A_185] : memref<2x8x128xi32, #tpu.memory_space<vmem>> -> memref<1x8x128xi32, #tpu.memory_space<vmem>>
        %dma_wait3A_187 = tpu.memref_squeeze %dma_wait3A_186 : memref<1x8x128xi32, #tpu.memory_space<vmem>> -> memref<8x128xi32, #tpu.memory_space<vmem>>
        %dma_wait3A_188 = arith.constant 0 : i32
        %dma_wait3A_189 = arith.constant 0 : i32
        %dma_wait3A_190 = tpu.memref_slice %arg3[%dma_wait3A_172, %dma_wait3A_188, %dma_wait3A_189] : memref<2x2504x128xi32, #tpu.memory_space<hbm>> -> memref<1x8x128xi32, #tpu.memory_space<hbm>>
        %dma_wait3A_191 = tpu.memref_squeeze %dma_wait3A_190 : memref<1x8x128xi32, #tpu.memory_space<hbm>> -> memref<8x128xi32, #tpu.memory_space<hbm>>
        tpu.wait_dma2 semaphore(%dma_wait3A_183 : memref<!tpu.dma_semaphore, #tpu.memory_space<semaphore_mem>>) src(%dma_wait3A_191 : memref<8x128xi32, #tpu.memory_space<hbm>>) dst(%dma_wait3A_187 : memref<8x128xi32, #tpu.memory_space<vmem>>)
      } else {
      }
      %add3A_117 = arith.constant 1 : i32
      %add3A_118 = arith.addi %while3A_79, %add3A_117 : i32
      %lt3A_119 = arith.cmpi slt, %add3A_118, %add3A_8 : i32
      %convert_element_type3A_120 = arith.extui %lt3A_119 : i1 to i32
      %cond3A_121 = arith.constant 0 : i32
      %cond3A_122 = arith.cmpi ne, %convert_element_type3A_120, %cond3A_121 : i32
      scf.if %cond3A_122 {
        %add3A_152 = arith.constant 1 : i32
        %add3A_153 = arith.addi %while3A_79, %add3A_152 : i32
        %rem3A_154 = arith.constant 8 : i32
        %rem3A_155 = arith.remsi %add3A_153, %rem3A_154 : i32
        %div3A_156 = arith.constant 8 : i32
        %div3A_157 = arith.divsi %add3A_153, %div3A_156 : i32
        %rem3A_158 = arith.constant 2 : i32
        %rem3A_159 = arith.remsi %div3A_157, %rem3A_158 : i32
        %dma_start3A_160 = arith.constant 0 : i32
        %dma_start3A_161 = arith.constant 0 : i32
        %dma_start3A_162 = tpu.memref_slice %arg6[%rem3A_85, %dma_start3A_160, %dma_start3A_161] : memref<2x128x128xf32, #tpu.memory_space<vmem>> -> memref<1x128x128xf32, #tpu.memory_space<vmem>>
        %dma_start3A_163 = tpu.memref_squeeze %dma_start3A_162 : memref<1x128x128xf32, #tpu.memory_space<vmem>> -> memref<128x128xf32, #tpu.memory_space<vmem>>
        %dma_start3A_164 = arith.constant 0 : i32
        %dma_start3A_165 = tpu.memref_slice %arg7[%rem3A_159, %rem3A_155, %dma_start3A_164] : memref<2x8x128xi32, #tpu.memory_space<vmem>> -> memref<1x1x128xi32, #tpu.memory_space<vmem>>
        %dma_start3A_166 = tpu.memref_squeeze %dma_start3A_165 : memref<1x1x128xi32, #tpu.memory_space<vmem>> -> memref<128xi32, #tpu.memory_space<vmem>>
        %dma_start3A_167 = arith.constant 0 : i32
        %dma_start3A_168 = arith.constant 0 : i32
        %dma_start3A_169 = tpu.memref_slice %arg2[%dma_start3A_167, %dma_start3A_168] : memref<10240x128xf32, #tpu.memory_space<hbm>> -> memref<10240x128xf32, #tpu.memory_space<hbm>>
        %dma_start3A_170 = tpu.memref_slice %arg10[%rem3A_85] : memref<2x!tpu.dma_semaphore, #tpu.memory_space<semaphore_mem>> -> memref<1x!tpu.dma_semaphore, #tpu.memory_space<semaphore_mem>>
        %dma_start3A_171 = tpu.memref_squeeze %dma_start3A_170 : memref<1x!tpu.dma_semaphore, #tpu.memory_space<semaphore_mem>> -> memref<!tpu.dma_semaphore, #tpu.memory_space<semaphore_mem>>
        tpu.enqueue_indirect_dma source(%dma_start3A_169 : memref<10240x128xf32, #tpu.memory_space<hbm>>) target(%dma_start3A_163 : memref<128x128xf32, #tpu.memory_space<vmem>>) offsets(%dma_start3A_166 : memref<128xi32, #tpu.memory_space<vmem>>) semaphore(%dma_start3A_171 : memref<!tpu.dma_semaphore, #tpu.memory_space<semaphore_mem>>)
      } else {
      }
      %dma_wait3A_123 = arith.constant 0 : i32
      %dma_wait3A_124 = arith.constant 0 : i32
      %dma_wait3A_125 = arith.constant 0 : i32
      %dma_wait3A_126 = tpu.memref_slice %arg6[%dma_wait3A_123, %dma_wait3A_124, %dma_wait3A_125] : memref<2x128x128xf32, #tpu.memory_space<vmem>> -> memref<1x128x128xf32, #tpu.memory_space<vmem>>
      %dma_wait3A_127 = tpu.memref_squeeze %dma_wait3A_126 : memref<1x128x128xf32, #tpu.memory_space<vmem>> -> memref<128x128xf32, #tpu.memory_space<vmem>>
      %dma_wait3A_128 = arith.constant 0 : i32
      %dma_wait3A_129 = arith.constant 0 : i32
      %dma_wait3A_130 = tpu.memref_slice %arg2[%dma_wait3A_128, %dma_wait3A_129] : memref<10240x128xf32, #tpu.memory_space<hbm>> -> memref<128x128xf32, #tpu.memory_space<hbm>>
      %dma_wait3A_131 = tpu.memref_slice %arg10[%rem3A_81] : memref<2x!tpu.dma_semaphore, #tpu.memory_space<semaphore_mem>> -> memref<1x!tpu.dma_semaphore, #tpu.memory_space<semaphore_mem>>
      %dma_wait3A_132 = tpu.memref_squeeze %dma_wait3A_131 : memref<1x!tpu.dma_semaphore, #tpu.memory_space<semaphore_mem>> -> memref<!tpu.dma_semaphore, #tpu.memory_space<semaphore_mem>>
      %dma_wait3A_133 = arith.constant 0 : i32
      %dma_wait3A_134 = arith.constant 0 : i32
      %dma_wait3A_135 = tpu.memref_slice %arg6[%dma_wait3A_123, %dma_wait3A_133, %dma_wait3A_134] : memref<2x128x128xf32, #tpu.memory_space<vmem>> -> memref<1x128x128xf32, #tpu.memory_space<vmem>>
      %dma_wait3A_136 = tpu.memref_squeeze %dma_wait3A_135 : memref<1x128x128xf32, #tpu.memory_space<vmem>> -> memref<128x128xf32, #tpu.memory_space<vmem>>
      %dma_wait3A_137 = arith.constant 0 : i32
      %dma_wait3A_138 = arith.constant 0 : i32
      %dma_wait3A_139 = tpu.memref_slice %arg2[%dma_wait3A_137, %dma_wait3A_138] : memref<10240x128xf32, #tpu.memory_space<hbm>> -> memref<128x128xf32, #tpu.memory_space<hbm>>
      tpu.wait_dma2 semaphore(%dma_wait3A_132 : memref<!tpu.dma_semaphore, #tpu.memory_space<semaphore_mem>>) src(%dma_wait3A_139 : memref<128x128xf32, #tpu.memory_space<hbm>>) dst(%dma_wait3A_136 : memref<128x128xf32, #tpu.memory_space<vmem>>)
      %dma_start3A_140 = arith.constant 0 : i32
      %dma_start3A_141 = arith.constant 0 : i32
      %dma_start3A_142 = tpu.memref_slice %arg6[%rem3A_81, %dma_start3A_140, %dma_start3A_141] : memref<2x128x128xf32, #tpu.memory_space<vmem>> -> memref<1x128x128xf32, #tpu.memory_space<vmem>>
      %dma_start3A_143 = tpu.memref_squeeze %dma_start3A_142 : memref<1x128x128xf32, #tpu.memory_space<vmem>> -> memref<128x128xf32, #tpu.memory_space<vmem>>
      %dma_start3A_144 = arith.constant 0 : i32
      %dma_start3A_145 = tpu.memref_slice %arg8[%rem3A_90, %rem3A_87, %dma_start3A_144] : memref<2x8x128xi32, #tpu.memory_space<vmem>> -> memref<1x1x128xi32, #tpu.memory_space<vmem>>
      %dma_start3A_146 = tpu.memref_squeeze %dma_start3A_145 : memref<1x1x128xi32, #tpu.memory_space<vmem>> -> memref<128xi32, #tpu.memory_space<vmem>>
      %dma_start3A_147 = arith.constant 0 : i32
      %dma_start3A_148 = arith.constant 0 : i32
      %dma_start3A_149 = tpu.memref_slice %arg5[%dma_start3A_147, %dma_start3A_148] : memref<10016x128xf32, #tpu.memory_space<vmem_shared>> -> memref<10016x128xf32, #tpu.memory_space<vmem_shared>>
      %dma_start3A_150 = tpu.memref_slice %arg11[%rem3A_81] : memref<2x!tpu.dma_semaphore, #tpu.memory_space<semaphore_mem>> -> memref<1x!tpu.dma_semaphore, #tpu.memory_space<semaphore_mem>>
      %dma_start3A_151 = tpu.memref_squeeze %dma_start3A_150 : memref<1x!tpu.dma_semaphore, #tpu.memory_space<semaphore_mem>> -> memref<!tpu.dma_semaphore, #tpu.memory_space<semaphore_mem>>
      tpu.enqueue_indirect_dma source(%dma_start3A_143 : memref<128x128xf32, #tpu.memory_space<vmem>>) target(%dma_start3A_149 : memref<10016x128xf32, #tpu.memory_space<vmem_shared>>) offsets(%dma_start3A_146 : memref<128xi32, #tpu.memory_space<vmem>>) semaphore(%dma_start3A_151 : memref<!tpu.dma_semaphore, #tpu.memory_space<semaphore_mem>>) {add = true}
    }
    %sub3A_52 = arith.constant 1 : i32
    %sub3A_53 = arith.subi %add3A_8, %sub3A_52 : i32
    %rem3A = arith.constant 2 : i32
    %rem3A_54 = arith.remsi %sub3A_53, %rem3A : i32
    %dma_wait3A = arith.constant 0 : i32
    %dma_wait3A_55 = arith.constant 0 : i32
    %dma_wait3A_56 = arith.constant 0 : i32
    %dma_wait3A_57 = tpu.memref_slice %arg6[%dma_wait3A, %dma_wait3A_55, %dma_wait3A_56] : memref<2x128x128xf32, #tpu.memory_space<vmem>> -> memref<1x128x128xf32, #tpu.memory_space<vmem>>
    %dma_wait3A_58 = tpu.memref_squeeze %dma_wait3A_57 : memref<1x128x128xf32, #tpu.memory_space<vmem>> -> memref<128x128xf32, #tpu.memory_space<vmem>>
    %dma_wait3A_59 = arith.constant 0 : i32
    %dma_wait3A_60 = arith.constant 0 : i32
    %dma_wait3A_61 = tpu.memref_slice %arg2[%dma_wait3A_59, %dma_wait3A_60] : memref<10240x128xf32, #tpu.memory_space<hbm>> -> memref<128x128xf32, #tpu.memory_space<hbm>>
    %dma_wait3A_62 = tpu.memref_slice %arg11[%rem3A_54] : memref<2x!tpu.dma_semaphore, #tpu.memory_space<semaphore_mem>> -> memref<1x!tpu.dma_semaphore, #tpu.memory_space<semaphore_mem>>
    %dma_wait3A_63 = tpu.memref_squeeze %dma_wait3A_62 : memref<1x!tpu.dma_semaphore, #tpu.memory_space<semaphore_mem>> -> memref<!tpu.dma_semaphore, #tpu.memory_space<semaphore_mem>>
    %dma_wait3A_64 = arith.constant 0 : i32
    %dma_wait3A_65 = arith.constant 0 : i32
    %dma_wait3A_66 = tpu.memref_slice %arg6[%dma_wait3A, %dma_wait3A_64, %dma_wait3A_65] : memref<2x128x128xf32, #tpu.memory_space<vmem>> -> memref<1x128x128xf32, #tpu.memory_space<vmem>>
    %dma_wait3A_67 = tpu.memref_squeeze %dma_wait3A_66 : memref<1x128x128xf32, #tpu.memory_space<vmem>> -> memref<128x128xf32, #tpu.memory_space<vmem>>
    %dma_wait3A_68 = arith.constant 0 : i32
    %dma_wait3A_69 = arith.constant 0 : i32
    %dma_wait3A_70 = tpu.memref_slice %arg2[%dma_wait3A_68, %dma_wait3A_69] : memref<10240x128xf32, #tpu.memory_space<hbm>> -> memref<128x128xf32, #tpu.memory_space<hbm>>
    tpu.wait_dma2 semaphore(%dma_wait3A_63 : memref<!tpu.dma_semaphore, #tpu.memory_space<semaphore_mem>>) src(%dma_wait3A_70 : memref<128x128xf32, #tpu.memory_space<hbm>>) dst(%dma_wait3A_67 : memref<128x128xf32, #tpu.memory_space<vmem>>)
    %barrier3A_71 = arith.constant 0 : index
    tpu.barrier barrier_id(%barrier3A_71)
    %mul3A_72 = arith.constant 625 : i32
    %mul3A_73 = arith.muli %arg1, %mul3A_72 : i32
    %mul3A_74 = arith.constant 625 : i32
    %mul3A_75 = arith.muli %arg1, %mul3A_74 : i32
    "tpu.region"() ({
      %run_scoped3A_79 = tpu.sem_alloc : memref<!tpu.dma_semaphore, #tpu.memory_space<semaphore_mem>>
      %dma_start3A_80 = arith.constant 0 : i32
      %dma_start3A_81 = tpu.memref_slice %arg4[%arg0, %mul3A_75, %dma_start3A_80] : memref<2x10240x128xf32, #tpu.memory_space<hbm>> -> memref<1x625x128xf32, #tpu.memory_space<hbm>>
      %dma_start3A_82 = tpu.memref_squeeze %dma_start3A_81 : memref<1x625x128xf32, #tpu.memory_space<hbm>> -> memref<625x128xf32, #tpu.memory_space<hbm>>
      %dma_start3A_83 = arith.constant 0 : i32
      %dma_start3A_84 = tpu.memref_slice %arg5[%mul3A_73, %dma_start3A_83] : memref<10016x128xf32, #tpu.memory_space<vmem_shared>> -> memref<625x128xf32, #tpu.memory_space<vmem_shared>>
      tpu.enqueue_dma source(%dma_start3A_84 : memref<625x128xf32, #tpu.memory_space<vmem_shared>>) target(%dma_start3A_82 : memref<625x128xf32, #tpu.memory_space<hbm>>) target_semaphore(%run_scoped3A_79 : memref<!tpu.dma_semaphore, #tpu.memory_space<semaphore_mem>>)
      %dma_wait3A_85 = arith.constant 0 : i32
      %dma_wait3A_86 = tpu.memref_slice %arg4[%arg0, %mul3A_75, %dma_wait3A_85] : memref<2x10240x128xf32, #tpu.memory_space<hbm>> -> memref<1x625x128xf32, #tpu.memory_space<hbm>>
      %dma_wait3A_87 = tpu.memref_squeeze %dma_wait3A_86 : memref<1x625x128xf32, #tpu.memory_space<hbm>> -> memref<625x128xf32, #tpu.memory_space<hbm>>
      %dma_wait3A_88 = arith.constant 0 : i32
      %dma_wait3A_89 = tpu.memref_slice %arg5[%mul3A_73, %dma_wait3A_88] : memref<10016x128xf32, #tpu.memory_space<vmem_shared>> -> memref<625x128xf32, #tpu.memory_space<vmem_shared>>
      tpu.wait_dma2 semaphore(%run_scoped3A_79 : memref<!tpu.dma_semaphore, #tpu.memory_space<semaphore_mem>>) src(%dma_wait3A_89 : memref<625x128xf32, #tpu.memory_space<vmem_shared>>) dst(%dma_wait3A_87 : memref<625x128xf32, #tpu.memory_space<hbm>>)
      tpu.yield
    }) : () -> ()
    %lt3A_76 = arith.constant 15 : i32
    %lt3A_77 = arith.cmpi slt, %arg1, %lt3A_76 : i32
    %convert_element_type3A = arith.extui %lt3A_77 : i1 to i32
    %cond3A = arith.constant 0 : i32
    %cond3A_78 = arith.cmpi ne, %convert_element_type3A, %cond3A : i32
    scf.if %cond3A_78 {
      %mul3A_79 = arith.constant 16 : i32
      %mul3A_80 = arith.muli %arg1, %mul3A_79 : i32
      %add3A_81 = arith.constant 10000 : i32
      %add3A_82 = arith.addi %add3A_81, %mul3A_80 : i32
      "tpu.region"() ({
        %run_scoped3A_83 = tpu.sem_alloc : memref<!tpu.dma_semaphore, #tpu.memory_space<semaphore_mem>>
        %dma_start3A_84 = arith.constant 0 : i32
        %dma_start3A_85 = tpu.memref_slice %arg4[%arg0, %add3A_82, %dma_start3A_84] : memref<2x10240x128xf32, #tpu.memory_space<hbm>> -> memref<1x16x128xf32, #tpu.memory_space<hbm>>
        %dma_start3A_86 = tpu.memref_squeeze %dma_start3A_85 : memref<1x16x128xf32, #tpu.memory_space<hbm>> -> memref<16x128xf32, #tpu.memory_space<hbm>>
        %dma_start3A_87 = arith.constant 0 : i32
        %dma_start3A_88 = tpu.memref_slice %arg4[%arg0, %add3A_82, %dma_start3A_87] : memref<2x10240x128xf32, #tpu.memory_space<hbm>> -> memref<1x16x128xf32, #tpu.memory_space<hbm>>
        %dma_start3A_89 = tpu.memref_squeeze %dma_start3A_88 : memref<1x16x128xf32, #tpu.memory_space<hbm>> -> memref<16x128xf32, #tpu.memory_space<hbm>>
        tpu.enqueue_dma source(%arg9 : memref<16x128xf32, #tpu.memory_space<vmem>>) target(%dma_start3A_89 : memref<16x128xf32, #tpu.memory_space<hbm>>) target_semaphore(%run_scoped3A_83 : memref<!tpu.dma_semaphore, #tpu.memory_space<semaphore_mem>>)
        %dma_wait3A_90 = arith.constant 0 : i32
        %dma_wait3A_91 = tpu.memref_slice %arg4[%arg0, %add3A_82, %dma_wait3A_90] : memref<2x10240x128xf32, #tpu.memory_space<hbm>> -> memref<1x16x128xf32, #tpu.memory_space<hbm>>
        %dma_wait3A_92 = tpu.memref_squeeze %dma_wait3A_91 : memref<1x16x128xf32, #tpu.memory_space<hbm>> -> memref<16x128xf32, #tpu.memory_space<hbm>>
        %dma_wait3A_93 = arith.constant 0 : i32
        %dma_wait3A_94 = tpu.memref_slice %arg4[%arg0, %add3A_82, %dma_wait3A_93] : memref<2x10240x128xf32, #tpu.memory_space<hbm>> -> memref<1x16x128xf32, #tpu.memory_space<hbm>>
        %dma_wait3A_95 = tpu.memref_squeeze %dma_wait3A_94 : memref<1x16x128xf32, #tpu.memory_space<hbm>> -> memref<16x128xf32, #tpu.memory_space<hbm>>
        tpu.wait_dma2 semaphore(%run_scoped3A_83 : memref<!tpu.dma_semaphore, #tpu.memory_space<semaphore_mem>>) src(%arg9 : memref<16x128xf32, #tpu.memory_space<vmem>>) dst(%dma_wait3A_95 : memref<16x128xf32, #tpu.memory_space<hbm>>)
        tpu.yield
      }) : () -> ()
    } else {
    }
    return
  }
}

#map = affine_map<(d0, d1) -> (0, 0)>
#map1 = affine_map<(d0, d1) -> (0, 0, 0)>
module attributes {stable_mosaic.version = 14 : i64} {
  func.func @body(%arg0: i32, %arg1: i32, %arg2: memref<10240x128xf32, #tpu.memory_space<hbm>>, %arg3: memref<2x2504x128xi32, #tpu.memory_space<hbm>>, %arg4: memref<2x10240x128xf32, #tpu.memory_space<hbm>>, %arg5: memref<32x10240xf32, #tpu.memory_space<hbm>>, %arg6: memref<10016x128xf32, #tpu.memory_space<vmem_shared>>, %arg7: memref<2x128x128xf32, #tpu.memory_space<vmem>>, %arg8: memref<2x8x128xi32, #tpu.memory_space<vmem>>, %arg9: memref<2x8x128xi32, #tpu.memory_space<vmem>>, %arg10: memref<16x128xf32, #tpu.memory_space<vmem>>, %arg11: memref<2x!tpu.dma_semaphore, #tpu.memory_space<semaphore_mem>>, %arg12: memref<2x!tpu.dma_semaphore, #tpu.memory_space<semaphore_mem>>, %arg13: memref<2x!tpu.dma_semaphore, #tpu.memory_space<semaphore_mem>>, %arg14: memref<2x!tpu.dma_semaphore, #tpu.memory_space<semaphore_mem>>, %arg15: memref<10240xf32, #tpu.memory_space<vmem>>) attributes {dimension_semantics = [#tpu.dimension_semantics<core_parallel>, #tpu.dimension_semantics<subcore_parallel>], iteration_bounds = array<i64: 2, 16>, scalar_prefetch = 0 : i64, scratch_operands = 10 : i64, tpu.core_type = #tpu.core_type<sc_vector_subcore>, window_params = [{transform_indices = #map}, {transform_indices = #map1}, {transform_indices = #map1}, {transform_indices = #map}]} {
    %mul3A = arith.constant 16 : i32
    %mul3A_0 = arith.muli %arg0, %mul3A : i32
    %add3A = arith.addi %mul3A_0, %arg1 : i32
    %mul3A_1 = arith.constant 78 : i32
    %mul3A_2 = arith.muli %add3A, %mul3A_1 : i32
    %min3A = arith.constant 4 : i32
    %min3A_3 = arith.minsi %add3A, %min3A : i32
    %add3A_4 = arith.addi %mul3A_2, %min3A_3 : i32
    %lt3A = arith.constant 4 : i32
    %lt3A_5 = arith.cmpi slt, %add3A, %lt3A : i32
    %jit3A = arith.constant 1 : i32
    %jit3A_6 = arith.constant 0 : i32
    %select_n3A = arith.select %lt3A_5, %jit3A, %jit3A_6 : i32
    %add3A_7 = arith.constant 78 : i32
    %add3A_8 = arith.addi %add3A_7, %select_n3A : i32
    %run_scoped3A = arith.constant 0 : i32
    %run_scoped3A_9 = arith.constant 0 : i32
    "tpu.region"() ({
      %run_scoped3A_85 = tpu.sem_alloc : memref<!tpu.dma_semaphore, #tpu.memory_space<semaphore_mem>>
      %dma_start3A_86 = arith.constant 0 : i32
      %dma_start3A_87 = arith.constant 0 : i32
      %dma_start3A_88 = tpu.memref_slice %arg8[%run_scoped3A_9, %dma_start3A_86, %dma_start3A_87] : memref<2x8x128xi32, #tpu.memory_space<vmem>> -> memref<1x8x128xi32, #tpu.memory_space<vmem>>
      %dma_start3A_89 = tpu.memref_squeeze %dma_start3A_88 : memref<1x8x128xi32, #tpu.memory_space<vmem>> -> memref<8x128xi32, #tpu.memory_space<vmem>>
      %dma_start3A_90 = arith.constant 0 : i32
      %dma_start3A_91 = tpu.memref_slice %arg3[%run_scoped3A, %add3A_4, %dma_start3A_90] : memref<2x2504x128xi32, #tpu.memory_space<hbm>> -> memref<1x8x128xi32, #tpu.memory_space<hbm>>
      %dma_start3A_92 = tpu.memref_squeeze %dma_start3A_91 : memref<1x8x128xi32, #tpu.memory_space<hbm>> -> memref<8x128xi32, #tpu.memory_space<hbm>>
      %dma_start3A_93 = arith.constant 0 : i32
      %dma_start3A_94 = arith.constant 0 : i32
      %dma_start3A_95 = tpu.memref_slice %arg8[%run_scoped3A_9, %dma_start3A_93, %dma_start3A_94] : memref<2x8x128xi32, #tpu.memory_space<vmem>> -> memref<1x8x128xi32, #tpu.memory_space<vmem>>
      %dma_start3A_96 = tpu.memref_squeeze %dma_start3A_95 : memref<1x8x128xi32, #tpu.memory_space<vmem>> -> memref<8x128xi32, #tpu.memory_space<vmem>>
      %dma_start3A_97 = arith.constant 0 : i32
      %dma_start3A_98 = tpu.memref_slice %arg3[%run_scoped3A, %add3A_4, %dma_start3A_97] : memref<2x2504x128xi32, #tpu.memory_space<hbm>> -> memref<1x8x128xi32, #tpu.memory_space<hbm>>
      %dma_start3A_99 = tpu.memref_squeeze %dma_start3A_98 : memref<1x8x128xi32, #tpu.memory_space<hbm>> -> memref<8x128xi32, #tpu.memory_space<hbm>>
      tpu.enqueue_dma source(%dma_start3A_99 : memref<8x128xi32, #tpu.memory_space<hbm>>) target(%dma_start3A_96 : memref<8x128xi32, #tpu.memory_space<vmem>>) target_semaphore(%run_scoped3A_85 : memref<!tpu.dma_semaphore, #tpu.memory_space<semaphore_mem>>)
      %dma_wait3A_100 = arith.constant 0 : i32
      %dma_wait3A_101 = arith.constant 0 : i32
      %dma_wait3A_102 = tpu.memref_slice %arg8[%run_scoped3A_9, %dma_wait3A_100, %dma_wait3A_101] : memref<2x8x128xi32, #tpu.memory_space<vmem>> -> memref<1x8x128xi32, #tpu.memory_space<vmem>>
      %dma_wait3A_103 = tpu.memref_squeeze %dma_wait3A_102 : memref<1x8x128xi32, #tpu.memory_space<vmem>> -> memref<8x128xi32, #tpu.memory_space<vmem>>
      %dma_wait3A_104 = arith.constant 0 : i32
      %dma_wait3A_105 = tpu.memref_slice %arg3[%run_scoped3A, %add3A_4, %dma_wait3A_104] : memref<2x2504x128xi32, #tpu.memory_space<hbm>> -> memref<1x8x128xi32, #tpu.memory_space<hbm>>
      %dma_wait3A_106 = tpu.memref_squeeze %dma_wait3A_105 : memref<1x8x128xi32, #tpu.memory_space<hbm>> -> memref<8x128xi32, #tpu.memory_space<hbm>>
      %dma_wait3A_107 = arith.constant 0 : i32
      %dma_wait3A_108 = arith.constant 0 : i32
      %dma_wait3A_109 = tpu.memref_slice %arg8[%run_scoped3A_9, %dma_wait3A_107, %dma_wait3A_108] : memref<2x8x128xi32, #tpu.memory_space<vmem>> -> memref<1x8x128xi32, #tpu.memory_space<vmem>>
      %dma_wait3A_110 = tpu.memref_squeeze %dma_wait3A_109 : memref<1x8x128xi32, #tpu.memory_space<vmem>> -> memref<8x128xi32, #tpu.memory_space<vmem>>
      %dma_wait3A_111 = arith.constant 0 : i32
      %dma_wait3A_112 = tpu.memref_slice %arg3[%run_scoped3A, %add3A_4, %dma_wait3A_111] : memref<2x2504x128xi32, #tpu.memory_space<hbm>> -> memref<1x8x128xi32, #tpu.memory_space<hbm>>
      %dma_wait3A_113 = tpu.memref_squeeze %dma_wait3A_112 : memref<1x8x128xi32, #tpu.memory_space<hbm>> -> memref<8x128xi32, #tpu.memory_space<hbm>>
      tpu.wait_dma2 semaphore(%run_scoped3A_85 : memref<!tpu.dma_semaphore, #tpu.memory_space<semaphore_mem>>) src(%dma_wait3A_113 : memref<8x128xi32, #tpu.memory_space<hbm>>) dst(%dma_wait3A_110 : memref<8x128xi32, #tpu.memory_space<vmem>>)
      tpu.yield
    }) : () -> ()
    %run_scoped3A_10 = arith.constant 1 : i32
    %run_scoped3A_11 = arith.constant 0 : i32
    "tpu.region"() ({
      %run_scoped3A_85 = tpu.sem_alloc : memref<!tpu.dma_semaphore, #tpu.memory_space<semaphore_mem>>
      %dma_start3A_86 = arith.constant 0 : i32
      %dma_start3A_87 = arith.constant 0 : i32
      %dma_start3A_88 = tpu.memref_slice %arg9[%run_scoped3A_11, %dma_start3A_86, %dma_start3A_87] : memref<2x8x128xi32, #tpu.memory_space<vmem>> -> memref<1x8x128xi32, #tpu.memory_space<vmem>>
      %dma_start3A_89 = tpu.memref_squeeze %dma_start3A_88 : memref<1x8x128xi32, #tpu.memory_space<vmem>> -> memref<8x128xi32, #tpu.memory_space<vmem>>
      %dma_start3A_90 = arith.constant 0 : i32
      %dma_start3A_91 = tpu.memref_slice %arg3[%run_scoped3A_10, %add3A_4, %dma_start3A_90] : memref<2x2504x128xi32, #tpu.memory_space<hbm>> -> memref<1x8x128xi32, #tpu.memory_space<hbm>>
      %dma_start3A_92 = tpu.memref_squeeze %dma_start3A_91 : memref<1x8x128xi32, #tpu.memory_space<hbm>> -> memref<8x128xi32, #tpu.memory_space<hbm>>
      %dma_start3A_93 = arith.constant 0 : i32
      %dma_start3A_94 = arith.constant 0 : i32
      %dma_start3A_95 = tpu.memref_slice %arg9[%run_scoped3A_11, %dma_start3A_93, %dma_start3A_94] : memref<2x8x128xi32, #tpu.memory_space<vmem>> -> memref<1x8x128xi32, #tpu.memory_space<vmem>>
      %dma_start3A_96 = tpu.memref_squeeze %dma_start3A_95 : memref<1x8x128xi32, #tpu.memory_space<vmem>> -> memref<8x128xi32, #tpu.memory_space<vmem>>
      %dma_start3A_97 = arith.constant 0 : i32
      %dma_start3A_98 = tpu.memref_slice %arg3[%run_scoped3A_10, %add3A_4, %dma_start3A_97] : memref<2x2504x128xi32, #tpu.memory_space<hbm>> -> memref<1x8x128xi32, #tpu.memory_space<hbm>>
      %dma_start3A_99 = tpu.memref_squeeze %dma_start3A_98 : memref<1x8x128xi32, #tpu.memory_space<hbm>> -> memref<8x128xi32, #tpu.memory_space<hbm>>
      tpu.enqueue_dma source(%dma_start3A_99 : memref<8x128xi32, #tpu.memory_space<hbm>>) target(%dma_start3A_96 : memref<8x128xi32, #tpu.memory_space<vmem>>) target_semaphore(%run_scoped3A_85 : memref<!tpu.dma_semaphore, #tpu.memory_space<semaphore_mem>>)
      %dma_wait3A_100 = arith.constant 0 : i32
      %dma_wait3A_101 = arith.constant 0 : i32
      %dma_wait3A_102 = tpu.memref_slice %arg9[%run_scoped3A_11, %dma_wait3A_100, %dma_wait3A_101] : memref<2x8x128xi32, #tpu.memory_space<vmem>> -> memref<1x8x128xi32, #tpu.memory_space<vmem>>
      %dma_wait3A_103 = tpu.memref_squeeze %dma_wait3A_102 : memref<1x8x128xi32, #tpu.memory_space<vmem>> -> memref<8x128xi32, #tpu.memory_space<vmem>>
      %dma_wait3A_104 = arith.constant 0 : i32
      %dma_wait3A_105 = tpu.memref_slice %arg3[%run_scoped3A_10, %add3A_4, %dma_wait3A_104] : memref<2x2504x128xi32, #tpu.memory_space<hbm>> -> memref<1x8x128xi32, #tpu.memory_space<hbm>>
      %dma_wait3A_106 = tpu.memref_squeeze %dma_wait3A_105 : memref<1x8x128xi32, #tpu.memory_space<hbm>> -> memref<8x128xi32, #tpu.memory_space<hbm>>
      %dma_wait3A_107 = arith.constant 0 : i32
      %dma_wait3A_108 = arith.constant 0 : i32
      %dma_wait3A_109 = tpu.memref_slice %arg9[%run_scoped3A_11, %dma_wait3A_107, %dma_wait3A_108] : memref<2x8x128xi32, #tpu.memory_space<vmem>> -> memref<1x8x128xi32, #tpu.memory_space<vmem>>
      %dma_wait3A_110 = tpu.memref_squeeze %dma_wait3A_109 : memref<1x8x128xi32, #tpu.memory_space<vmem>> -> memref<8x128xi32, #tpu.memory_space<vmem>>
      %dma_wait3A_111 = arith.constant 0 : i32
      %dma_wait3A_112 = tpu.memref_slice %arg3[%run_scoped3A_10, %add3A_4, %dma_wait3A_111] : memref<2x2504x128xi32, #tpu.memory_space<hbm>> -> memref<1x8x128xi32, #tpu.memory_space<hbm>>
      %dma_wait3A_113 = tpu.memref_squeeze %dma_wait3A_112 : memref<1x8x128xi32, #tpu.memory_space<hbm>> -> memref<8x128xi32, #tpu.memory_space<hbm>>
      tpu.wait_dma2 semaphore(%run_scoped3A_85 : memref<!tpu.dma_semaphore, #tpu.memory_space<semaphore_mem>>) src(%dma_wait3A_113 : memref<8x128xi32, #tpu.memory_space<hbm>>) dst(%dma_wait3A_110 : memref<8x128xi32, #tpu.memory_space<vmem>>)
      tpu.yield
    }) : () -> ()
    %scan3A = arith.constant 0 : i32
    %scan3A_12 = arith.constant 0 : i32
    %scan3A_13 = arith.constant 16 : i32
    %scan3A_14 = arith.addi %scan3A_12, %scan3A_13 : i32
    %scan3A_15 = arith.constant 1 : i32
    scf.for %scan3A_85 = %scan3A_12 to %scan3A_14 step %scan3A_15  : i32 {
      %scan3A_86 = arith.constant 0 : i32
      %scan3A_87 = arith.constant 8 : i32
      %scan3A_88 = arith.addi %scan3A_86, %scan3A_87 : i32
      %scan3A_89 = arith.constant 1 : i32
      scf.for %scan3A_91 = %scan3A_86 to %scan3A_88 step %scan3A_89  : i32 {
        %broadcast_in_dim3A = arith.constant 0.000000e+00 : f32
        %broadcast_in_dim3A_92 = vector.broadcast %broadcast_in_dim3A : f32 to vector<16xf32>
        %mul3A_93 = arith.constant 16 : i32
        %mul3A_94 = arith.muli %scan3A_91, %mul3A_93 : i32
        %swap3A = arith.index_cast %scan3A_85 : i32 to index
        %swap3A_95 = arith.index_cast %mul3A_94 : i32 to index
        %swap3A_96 = tpu.vector_load %arg10[%swap3A, %swap3A_95] {strides = array<i32>} : memref<16x128xf32, #tpu.memory_space<vmem>>, vector<16xf32>,
        tpu.vector_store %arg10[%swap3A, %swap3A_95], %broadcast_in_dim3A_92 {strides = array<i32>} : memref<16x128xf32, #tpu.memory_space<vmem>>, vector<16xf32>,
      }
      %scan3A_90 = arith.constant 8 : i32
    }
    %scan3A_16 = arith.constant 16 : i32
    %scan3A_17 = arith.constant 0 : i32
    %scan3A_18 = arith.constant 0 : i32
    %scan3A_19 = arith.constant 39 : i32
    %scan3A_20 = arith.addi %scan3A_18, %scan3A_19 : i32
    %scan3A_21 = arith.constant 1 : i32
    scf.for %scan3A_85 = %scan3A_18 to %scan3A_20 step %scan3A_21  : i32 {
      %mul3A_86 = arith.constant 626 : i32
      %mul3A_87 = arith.muli %arg1, %mul3A_86 : i32
      %mul3A_88 = arith.constant 16 : i32
      %mul3A_89 = arith.muli %scan3A_85, %mul3A_88 : i32
      %add3A_90 = arith.addi %mul3A_87, %mul3A_89 : i32
      "tpu.region"() ({
        %run_scoped3A_91 = tpu.sem_alloc : memref<!tpu.dma_semaphore, #tpu.memory_space<semaphore_mem>>
        %dma_start3A_92 = arith.constant 0 : i32
        %dma_start3A_93 = tpu.memref_slice %arg6[%add3A_90, %dma_start3A_92] : memref<10016x128xf32, #tpu.memory_space<vmem_shared>> -> memref<16x128xf32, #tpu.memory_space<vmem_shared>>
        %dma_start3A_94 = arith.constant 0 : i32
        %dma_start3A_95 = tpu.memref_slice %arg6[%add3A_90, %dma_start3A_94] : memref<10016x128xf32, #tpu.memory_space<vmem_shared>> -> memref<16x128xf32, #tpu.memory_space<vmem_shared>>
        tpu.enqueue_dma source(%arg10 : memref<16x128xf32, #tpu.memory_space<vmem>>) target(%dma_start3A_95 : memref<16x128xf32, #tpu.memory_space<vmem_shared>>) target_semaphore(%run_scoped3A_91 : memref<!tpu.dma_semaphore, #tpu.memory_space<semaphore_mem>>)
        %dma_wait3A_96 = arith.constant 0 : i32
        %dma_wait3A_97 = tpu.memref_slice %arg6[%add3A_90, %dma_wait3A_96] : memref<10016x128xf32, #tpu.memory_space<vmem_shared>> -> memref<16x128xf32, #tpu.memory_space<vmem_shared>>
        %dma_wait3A_98 = arith.constant 0 : i32
        %dma_wait3A_99 = tpu.memref_slice %arg6[%add3A_90, %dma_wait3A_98] : memref<10016x128xf32, #tpu.memory_space<vmem_shared>> -> memref<16x128xf32, #tpu.memory_space<vmem_shared>>
        tpu.wait_dma2 semaphore(%run_scoped3A_91 : memref<!tpu.dma_semaphore, #tpu.memory_space<semaphore_mem>>) src(%arg10 : memref<16x128xf32, #tpu.memory_space<vmem>>) dst(%dma_wait3A_99 : memref<16x128xf32, #tpu.memory_space<vmem_shared>>)
        tpu.yield
      }) : () -> ()
    }
    %scan3A_22 = arith.constant 39 : i32
    %mul3A_23 = arith.constant 626 : i32
    %mul3A_24 = arith.muli %arg1, %mul3A_23 : i32
    %add3A_25 = arith.constant 626 : i32
    %add3A_26 = arith.addi %mul3A_24, %add3A_25 : i32
    %sub3A = arith.constant 2 : i32
    %sub3A_27 = arith.subi %add3A_26, %sub3A : i32
    "tpu.region"() ({
      %run_scoped3A_85 = tpu.sem_alloc : memref<!tpu.dma_semaphore, #tpu.memory_space<semaphore_mem>>
      %dma_start3A_86 = arith.constant 0 : i32
      %dma_start3A_87 = arith.constant 0 : i32
      %dma_start3A_88 = tpu.memref_slice %arg10[%dma_start3A_86, %dma_start3A_87] : memref<16x128xf32, #tpu.memory_space<vmem>> -> memref<2x128xf32, #tpu.memory_space<vmem>>
      %dma_start3A_89 = arith.constant 0 : i32
      %dma_start3A_90 = tpu.memref_slice %arg6[%sub3A_27, %dma_start3A_89] : memref<10016x128xf32, #tpu.memory_space<vmem_shared>> -> memref<2x128xf32, #tpu.memory_space<vmem_shared>>
      %dma_start3A_91 = arith.constant 0 : i32
      %dma_start3A_92 = tpu.memref_slice %arg6[%sub3A_27, %dma_start3A_91] : memref<10016x128xf32, #tpu.memory_space<vmem_shared>> -> memref<2x128xf32, #tpu.memory_space<vmem_shared>>
      %dma_start3A_93 = arith.constant 0 : i32
      %dma_start3A_94 = arith.constant 0 : i32
      %dma_start3A_95 = tpu.memref_slice %arg10[%dma_start3A_93, %dma_start3A_94] : memref<16x128xf32, #tpu.memory_space<vmem>> -> memref<2x128xf32, #tpu.memory_space<vmem>>
      tpu.enqueue_dma source(%dma_start3A_95 : memref<2x128xf32, #tpu.memory_space<vmem>>) target(%dma_start3A_92 : memref<2x128xf32, #tpu.memory_space<vmem_shared>>) target_semaphore(%run_scoped3A_85 : memref<!tpu.dma_semaphore, #tpu.memory_space<semaphore_mem>>)
      %dma_wait3A_96 = arith.constant 0 : i32
      %dma_wait3A_97 = arith.constant 0 : i32
      %dma_wait3A_98 = tpu.memref_slice %arg10[%dma_wait3A_96, %dma_wait3A_97] : memref<16x128xf32, #tpu.memory_space<vmem>> -> memref<2x128xf32, #tpu.memory_space<vmem>>
      %dma_wait3A_99 = arith.constant 0 : i32
      %dma_wait3A_100 = tpu.memref_slice %arg6[%sub3A_27, %dma_wait3A_99] : memref<10016x128xf32, #tpu.memory_space<vmem_shared>> -> memref<2x128xf32, #tpu.memory_space<vmem_shared>>
      %dma_wait3A_101 = arith.constant 0 : i32
      %dma_wait3A_102 = tpu.memref_slice %arg6[%sub3A_27, %dma_wait3A_101] : memref<10016x128xf32, #tpu.memory_space<vmem_shared>> -> memref<2x128xf32, #tpu.memory_space<vmem_shared>>
      %dma_wait3A_103 = arith.constant 0 : i32
      %dma_wait3A_104 = arith.constant 0 : i32
      %dma_wait3A_105 = tpu.memref_slice %arg10[%dma_wait3A_103, %dma_wait3A_104] : memref<16x128xf32, #tpu.memory_space<vmem>> -> memref<2x128xf32, #tpu.memory_space<vmem>>
      tpu.wait_dma2 semaphore(%run_scoped3A_85 : memref<!tpu.dma_semaphore, #tpu.memory_space<semaphore_mem>>) src(%dma_wait3A_105 : memref<2x128xf32, #tpu.memory_space<vmem>>) dst(%dma_wait3A_102 : memref<2x128xf32, #tpu.memory_space<vmem_shared>>)
      tpu.yield
    }) : () -> ()
    %scan3A_28 = arith.constant 0 : i32
    %scan3A_29 = arith.constant 0 : i32
    %scan3A_30 = arith.constant 640 : i32
    %scan3A_31 = arith.addi %scan3A_29, %scan3A_30 : i32
    %scan3A_32 = arith.constant 1 : i32
    scf.for %scan3A_85 = %scan3A_29 to %scan3A_31 step %scan3A_32  : i32 {
      %broadcast_in_dim3A = arith.constant 0.000000e+00 : f32
      %broadcast_in_dim3A_86 = vector.broadcast %broadcast_in_dim3A : f32 to vector<16xf32>
      %mul3A_87 = arith.constant 16 : i32
      %mul3A_88 = arith.muli %scan3A_85, %mul3A_87 : i32
      %swap3A = arith.index_cast %mul3A_88 : i32 to index
      %swap3A_89 = tpu.vector_load %arg15[%swap3A] {strides = array<i32>} : memref<10240xf32, #tpu.memory_space<vmem>>, vector<16xf32>,
      tpu.vector_store %arg15[%swap3A], %broadcast_in_dim3A_86 {strides = array<i32>} : memref<10240xf32, #tpu.memory_space<vmem>>, vector<16xf32>,
    }
    %scan3A_33 = arith.constant 640 : i32
    %barrier3A = arith.constant 0 : index
    tpu.barrier barrier_id(%barrier3A)
    %dma_start3A = arith.constant 0 : i32
    %dma_start3A_34 = arith.constant 0 : i32
    %dma_start3A_35 = arith.constant 0 : i32
    %dma_start3A_36 = arith.constant 0 : i32
    %dma_start3A_37 = arith.constant 0 : i32
    %dma_start3A_38 = arith.constant 0 : i32
    %dma_start3A_39 = tpu.memref_slice %arg7[%dma_start3A_35, %dma_start3A_37, %dma_start3A_38] : memref<2x128x128xf32, #tpu.memory_space<vmem>> -> memref<1x128x128xf32, #tpu.memory_space<vmem>>
    %dma_start3A_40 = tpu.memref_squeeze %dma_start3A_39 : memref<1x128x128xf32, #tpu.memory_space<vmem>> -> memref<128x128xf32, #tpu.memory_space<vmem>>
    %dma_start3A_41 = arith.constant 0 : i32
    %dma_start3A_42 = tpu.memref_slice %arg8[%dma_start3A, %dma_start3A_34, %dma_start3A_41] : memref<2x8x128xi32, #tpu.memory_space<vmem>> -> memref<1x1x128xi32, #tpu.memory_space<vmem>>
    %dma_start3A_43 = tpu.memref_squeeze %dma_start3A_42 : memref<1x1x128xi32, #tpu.memory_space<vmem>> -> memref<128xi32, #tpu.memory_space<vmem>>
    %dma_start3A_44 = arith.constant 0 : i32
    %dma_start3A_45 = arith.constant 0 : i32
    %dma_start3A_46 = tpu.memref_slice %arg2[%dma_start3A_44, %dma_start3A_45] : memref<10240x128xf32, #tpu.memory_space<hbm>> -> memref<10240x128xf32, #tpu.memory_space<hbm>>
    %dma_start3A_47 = tpu.memref_slice %arg11[%dma_start3A_36] : memref<2x!tpu.dma_semaphore, #tpu.memory_space<semaphore_mem>> -> memref<1x!tpu.dma_semaphore, #tpu.memory_space<semaphore_mem>>
    %dma_start3A_48 = tpu.memref_squeeze %dma_start3A_47 : memref<1x!tpu.dma_semaphore, #tpu.memory_space<semaphore_mem>> -> memref<!tpu.dma_semaphore, #tpu.memory_space<semaphore_mem>>
    tpu.enqueue_indirect_dma source(%dma_start3A_46 : memref<10240x128xf32, #tpu.memory_space<hbm>>) target(%dma_start3A_40 : memref<128x128xf32, #tpu.memory_space<vmem>>) offsets(%dma_start3A_43 : memref<128xi32, #tpu.memory_space<vmem>>) semaphore(%dma_start3A_48 : memref<!tpu.dma_semaphore, #tpu.memory_space<semaphore_mem>>)
    %while3A = arith.constant 0 : i32
    %while3A_49 = arith.constant 0 : i32
    %while3A_50 = arith.subi %add3A_8, %while3A_49 : i32
    %while3A_51 = arith.addi %while3A_49, %while3A_50 : i32
    %while3A_52 = arith.constant 1 : i32
    %while3A_53 = arith.divsi %while3A_50, %while3A_52 : i32
    %while3A_54 = arith.muli %while3A_53, %while3A_52 : i32
    %while3A_55 = arith.addi %while3A_49, %while3A_54 : i32
    %while3A_56 = arith.constant 1 : i32
    scf.for %while3A_85 = %while3A_49 to %while3A_55 step %while3A_56  : i32 {
      %rem3A_86 = arith.constant 2 : i32
      %rem3A_87 = arith.remsi %while3A_85, %rem3A_86 : i32
      %add3A_88 = arith.constant 1 : i32
      %add3A_89 = arith.addi %while3A_85, %add3A_88 : i32
      %rem3A_90 = arith.constant 2 : i32
      %rem3A_91 = arith.remsi %add3A_89, %rem3A_90 : i32
      %rem3A_92 = arith.constant 8 : i32
      %rem3A_93 = arith.remsi %while3A_85, %rem3A_92 : i32
      %div3A = arith.constant 8 : i32
      %div3A_94 = arith.divsi %while3A_85, %div3A : i32
      %rem3A_95 = arith.constant 2 : i32
      %rem3A_96 = arith.remsi %div3A_94, %rem3A_95 : i32
      %add3A_97 = arith.constant 1 : i32
      %add3A_98 = arith.addi %div3A_94, %add3A_97 : i32
      %rem3A_99 = arith.constant 2 : i32
      %rem3A_100 = arith.remsi %add3A_98, %rem3A_99 : i32
      %ge3A = arith.constant 1 : i32
      %ge3A_101 = arith.cmpi sge, %while3A_85, %ge3A : i32
      %convert_element_type3A_102 = arith.extui %ge3A_101 : i1 to i32
      %cond3A_103 = arith.constant 0 : i32
      %cond3A_104 = arith.cmpi ne, %convert_element_type3A_102, %cond3A_103 : i32
      scf.if %cond3A_104 {
        %dma_wait3A_227 = arith.constant 0 : i32
        %dma_wait3A_228 = arith.constant 0 : i32
        %dma_wait3A_229 = arith.constant 0 : i32
        %dma_wait3A_230 = tpu.memref_slice %arg7[%dma_wait3A_227, %dma_wait3A_228, %dma_wait3A_229] : memref<2x128x128xf32, #tpu.memory_space<vmem>> -> memref<1x128x128xf32, #tpu.memory_space<vmem>>
        %dma_wait3A_231 = tpu.memref_squeeze %dma_wait3A_230 : memref<1x128x128xf32, #tpu.memory_space<vmem>> -> memref<128x128xf32, #tpu.memory_space<vmem>>
        %dma_wait3A_232 = arith.constant 0 : i32
        %dma_wait3A_233 = arith.constant 0 : i32
        %dma_wait3A_234 = tpu.memref_slice %arg2[%dma_wait3A_232, %dma_wait3A_233] : memref<10240x128xf32, #tpu.memory_space<hbm>> -> memref<128x128xf32, #tpu.memory_space<hbm>>
        %dma_wait3A_235 = tpu.memref_slice %arg12[%rem3A_91] : memref<2x!tpu.dma_semaphore, #tpu.memory_space<semaphore_mem>> -> memref<1x!tpu.dma_semaphore, #tpu.memory_space<semaphore_mem>>
        %dma_wait3A_236 = tpu.memref_squeeze %dma_wait3A_235 : memref<1x!tpu.dma_semaphore, #tpu.memory_space<semaphore_mem>> -> memref<!tpu.dma_semaphore, #tpu.memory_space<semaphore_mem>>
        %dma_wait3A_237 = arith.constant 0 : i32
        %dma_wait3A_238 = arith.constant 0 : i32
        %dma_wait3A_239 = tpu.memref_slice %arg7[%dma_wait3A_227, %dma_wait3A_237, %dma_wait3A_238] : memref<2x128x128xf32, #tpu.memory_space<vmem>> -> memref<1x128x128xf32, #tpu.memory_space<vmem>>
        %dma_wait3A_240 = tpu.memref_squeeze %dma_wait3A_239 : memref<1x128x128xf32, #tpu.memory_space<vmem>> -> memref<128x128xf32, #tpu.memory_space<vmem>>
        %dma_wait3A_241 = arith.constant 0 : i32
        %dma_wait3A_242 = arith.constant 0 : i32
        %dma_wait3A_243 = tpu.memref_slice %arg2[%dma_wait3A_241, %dma_wait3A_242] : memref<10240x128xf32, #tpu.memory_space<hbm>> -> memref<128x128xf32, #tpu.memory_space<hbm>>
        tpu.wait_dma2 semaphore(%dma_wait3A_236 : memref<!tpu.dma_semaphore, #tpu.memory_space<semaphore_mem>>) src(%dma_wait3A_243 : memref<128x128xf32, #tpu.memory_space<hbm>>) dst(%dma_wait3A_240 : memref<128x128xf32, #tpu.memory_space<vmem>>)
      } else {
      }
      %eq3A = arith.constant 0 : i32
      %eq3A_105 = arith.cmpi eq, %rem3A_93, %eq3A : i32
      %add3A_106 = arith.constant 1 : i32
      %add3A_107 = arith.addi %div3A_94, %add3A_106 : i32
      %mul3A_108 = arith.constant 8 : i32
      %mul3A_109 = arith.muli %add3A_107, %mul3A_108 : i32
      %lt3A_110 = arith.cmpi slt, %mul3A_109, %add3A_8 : i32
      %and3A = arith.andi %eq3A_105, %lt3A_110 : i1
      %convert_element_type3A_111 = arith.extui %and3A : i1 to i32
      %cond3A_112 = arith.constant 0 : i32
      %cond3A_113 = arith.cmpi ne, %convert_element_type3A_111, %cond3A_112 : i32
      scf.if %cond3A_113 {
        %add3A_227 = arith.constant 1 : i32
        %add3A_228 = arith.addi %div3A_94, %add3A_227 : i32
        %mul3A_229 = arith.constant 8 : i32
        %mul3A_230 = arith.muli %add3A_228, %mul3A_229 : i32
        %add3A_231 = arith.addi %add3A_4, %mul3A_230 : i32
        %dma_start3A_232 = arith.constant 0 : i32
        %dma_start3A_233 = arith.constant 0 : i32
        %dma_start3A_234 = arith.constant 0 : i32
        %dma_start3A_235 = tpu.memref_slice %arg8[%rem3A_100, %dma_start3A_233, %dma_start3A_234] : memref<2x8x128xi32, #tpu.memory_space<vmem>> -> memref<1x8x128xi32, #tpu.memory_space<vmem>>
        %dma_start3A_236 = tpu.memref_squeeze %dma_start3A_235 : memref<1x8x128xi32, #tpu.memory_space<vmem>> -> memref<8x128xi32, #tpu.memory_space<vmem>>
        %dma_start3A_237 = arith.constant 0 : i32
        %dma_start3A_238 = tpu.memref_slice %arg3[%dma_start3A_232, %add3A_231, %dma_start3A_237] : memref<2x2504x128xi32, #tpu.memory_space<hbm>> -> memref<1x8x128xi32, #tpu.memory_space<hbm>>
        %dma_start3A_239 = tpu.memref_squeeze %dma_start3A_238 : memref<1x8x128xi32, #tpu.memory_space<hbm>> -> memref<8x128xi32, #tpu.memory_space<hbm>>
        %dma_start3A_240 = tpu.memref_slice %arg13[%rem3A_100] : memref<2x!tpu.dma_semaphore, #tpu.memory_space<semaphore_mem>> -> memref<1x!tpu.dma_semaphore, #tpu.memory_space<semaphore_mem>>
        %dma_start3A_241 = tpu.memref_squeeze %dma_start3A_240 : memref<1x!tpu.dma_semaphore, #tpu.memory_space<semaphore_mem>> -> memref<!tpu.dma_semaphore, #tpu.memory_space<semaphore_mem>>
        %dma_start3A_242 = arith.constant 0 : i32
        %dma_start3A_243 = arith.constant 0 : i32
        %dma_start3A_244 = tpu.memref_slice %arg8[%rem3A_100, %dma_start3A_242, %dma_start3A_243] : memref<2x8x128xi32, #tpu.memory_space<vmem>> -> memref<1x8x128xi32, #tpu.memory_space<vmem>>
        %dma_start3A_245 = tpu.memref_squeeze %dma_start3A_244 : memref<1x8x128xi32, #tpu.memory_space<vmem>> -> memref<8x128xi32, #tpu.memory_space<vmem>>
        %dma_start3A_246 = arith.constant 0 : i32
        %dma_start3A_247 = tpu.memref_slice %arg3[%dma_start3A_232, %add3A_231, %dma_start3A_246] : memref<2x2504x128xi32, #tpu.memory_space<hbm>> -> memref<1x8x128xi32, #tpu.memory_space<hbm>>
        %dma_start3A_248 = tpu.memref_squeeze %dma_start3A_247 : memref<1x8x128xi32, #tpu.memory_space<hbm>> -> memref<8x128xi32, #tpu.memory_space<hbm>>
        tpu.enqueue_dma source(%dma_start3A_248 : memref<8x128xi32, #tpu.memory_space<hbm>>) target(%dma_start3A_245 : memref<8x128xi32, #tpu.memory_space<vmem>>) target_semaphore(%dma_start3A_241 : memref<!tpu.dma_semaphore, #tpu.memory_space<semaphore_mem>>)
        %dma_start3A_249 = arith.constant 1 : i32
        %dma_start3A_250 = arith.constant 0 : i32
        %dma_start3A_251 = arith.constant 0 : i32
        %dma_start3A_252 = tpu.memref_slice %arg9[%rem3A_100, %dma_start3A_250, %dma_start3A_251] : memref<2x8x128xi32, #tpu.memory_space<vmem>> -> memref<1x8x128xi32, #tpu.memory_space<vmem>>
        %dma_start3A_253 = tpu.memref_squeeze %dma_start3A_252 : memref<1x8x128xi32, #tpu.memory_space<vmem>> -> memref<8x128xi32, #tpu.memory_space<vmem>>
        %dma_start3A_254 = arith.constant 0 : i32
        %dma_start3A_255 = tpu.memref_slice %arg3[%dma_start3A_249, %add3A_231, %dma_start3A_254] : memref<2x2504x128xi32, #tpu.memory_space<hbm>> -> memref<1x8x128xi32, #tpu.memory_space<hbm>>
        %dma_start3A_256 = tpu.memref_squeeze %dma_start3A_255 : memref<1x8x128xi32, #tpu.memory_space<hbm>> -> memref<8x128xi32, #tpu.memory_space<hbm>>
        %dma_start3A_257 = tpu.memref_slice %arg14[%rem3A_100] : memref<2x!tpu.dma_semaphore, #tpu.memory_space<semaphore_mem>> -> memref<1x!tpu.dma_semaphore, #tpu.memory_space<semaphore_mem>>
        %dma_start3A_258 = tpu.memref_squeeze %dma_start3A_257 : memref<1x!tpu.dma_semaphore, #tpu.memory_space<semaphore_mem>> -> memref<!tpu.dma_semaphore, #tpu.memory_space<semaphore_mem>>
        %dma_start3A_259 = arith.constant 0 : i32
        %dma_start3A_260 = arith.constant 0 : i32
        %dma_start3A_261 = tpu.memref_slice %arg9[%rem3A_100, %dma_start3A_259, %dma_start3A_260] : memref<2x8x128xi32, #tpu.memory_space<vmem>> -> memref<1x8x128xi32, #tpu.memory_space<vmem>>
        %dma_start3A_262 = tpu.memref_squeeze %dma_start3A_261 : memref<1x8x128xi32, #tpu.memory_space<vmem>> -> memref<8x128xi32, #tpu.memory_space<vmem>>
        %dma_start3A_263 = arith.constant 0 : i32
        %dma_start3A_264 = tpu.memref_slice %arg3[%dma_start3A_249, %add3A_231, %dma_start3A_263] : memref<2x2504x128xi32, #tpu.memory_space<hbm>> -> memref<1x8x128xi32, #tpu.memory_space<hbm>>
        %dma_start3A_265 = tpu.memref_squeeze %dma_start3A_264 : memref<1x8x128xi32, #tpu.memory_space<hbm>> -> memref<8x128xi32, #tpu.memory_space<hbm>>
        tpu.enqueue_dma source(%dma_start3A_265 : memref<8x128xi32, #tpu.memory_space<hbm>>) target(%dma_start3A_262 : memref<8x128xi32, #tpu.memory_space<vmem>>) target_semaphore(%dma_start3A_258 : memref<!tpu.dma_semaphore, #tpu.memory_space<semaphore_mem>>)
      } else {
      }
      %eq3A_114 = arith.constant 7 : i32
      %eq3A_115 = arith.cmpi eq, %rem3A_93, %eq3A_114 : i32
      %add3A_116 = arith.constant 1 : i32
      %add3A_117 = arith.addi %while3A_85, %add3A_116 : i32
      %lt3A_118 = arith.cmpi slt, %add3A_117, %add3A_8 : i32
      %and3A_119 = arith.andi %eq3A_115, %lt3A_118 : i1
      %convert_element_type3A_120 = arith.extui %and3A_119 : i1 to i32
      %cond3A_121 = arith.constant 0 : i32
      %cond3A_122 = arith.cmpi ne, %convert_element_type3A_120, %cond3A_121 : i32
      scf.if %cond3A_122 {
        %dma_wait3A_227 = arith.constant 0 : i32
        %dma_wait3A_228 = arith.constant 0 : i32
        %dma_wait3A_229 = arith.constant 0 : i32
        %dma_wait3A_230 = arith.constant 0 : i32
        %dma_wait3A_231 = tpu.memref_slice %arg8[%dma_wait3A_228, %dma_wait3A_229, %dma_wait3A_230] : memref<2x8x128xi32, #tpu.memory_space<vmem>> -> memref<1x8x128xi32, #tpu.memory_space<vmem>>
        %dma_wait3A_232 = tpu.memref_squeeze %dma_wait3A_231 : memref<1x8x128xi32, #tpu.memory_space<vmem>> -> memref<8x128xi32, #tpu.memory_space<vmem>>
        %dma_wait3A_233 = arith.constant 0 : i32
        %dma_wait3A_234 = arith.constant 0 : i32
        %dma_wait3A_235 = tpu.memref_slice %arg3[%dma_wait3A_227, %dma_wait3A_233, %dma_wait3A_234] : memref<2x2504x128xi32, #tpu.memory_space<hbm>> -> memref<1x8x128xi32, #tpu.memory_space<hbm>>
        %dma_wait3A_236 = tpu.memref_squeeze %dma_wait3A_235 : memref<1x8x128xi32, #tpu.memory_space<hbm>> -> memref<8x128xi32, #tpu.memory_space<hbm>>
        %dma_wait3A_237 = tpu.memref_slice %arg13[%rem3A_100] : memref<2x!tpu.dma_semaphore, #tpu.memory_space<semaphore_mem>> -> memref<1x!tpu.dma_semaphore, #tpu.memory_space<semaphore_mem>>
        %dma_wait3A_238 = tpu.memref_squeeze %dma_wait3A_237 : memref<1x!tpu.dma_semaphore, #tpu.memory_space<semaphore_mem>> -> memref<!tpu.dma_semaphore, #tpu.memory_space<semaphore_mem>>
        %dma_wait3A_239 = arith.constant 0 : i32
        %dma_wait3A_240 = arith.constant 0 : i32
        %dma_wait3A_241 = tpu.memref_slice %arg8[%dma_wait3A_228, %dma_wait3A_239, %dma_wait3A_240] : memref<2x8x128xi32, #tpu.memory_space<vmem>> -> memref<1x8x128xi32, #tpu.memory_space<vmem>>
        %dma_wait3A_242 = tpu.memref_squeeze %dma_wait3A_241 : memref<1x8x128xi32, #tpu.memory_space<vmem>> -> memref<8x128xi32, #tpu.memory_space<vmem>>
        %dma_wait3A_243 = arith.constant 0 : i32
        %dma_wait3A_244 = arith.constant 0 : i32
        %dma_wait3A_245 = tpu.memref_slice %arg3[%dma_wait3A_227, %dma_wait3A_243, %dma_wait3A_244] : memref<2x2504x128xi32, #tpu.memory_space<hbm>> -> memref<1x8x128xi32, #tpu.memory_space<hbm>>
        %dma_wait3A_246 = tpu.memref_squeeze %dma_wait3A_245 : memref<1x8x128xi32, #tpu.memory_space<hbm>> -> memref<8x128xi32, #tpu.memory_space<hbm>>
        tpu.wait_dma2 semaphore(%dma_wait3A_238 : memref<!tpu.dma_semaphore, #tpu.memory_space<semaphore_mem>>) src(%dma_wait3A_246 : memref<8x128xi32, #tpu.memory_space<hbm>>) dst(%dma_wait3A_242 : memref<8x128xi32, #tpu.memory_space<vmem>>)
        %dma_wait3A_247 = arith.constant 1 : i32
        %dma_wait3A_248 = arith.constant 0 : i32
        %dma_wait3A_249 = arith.constant 0 : i32
        %dma_wait3A_250 = arith.constant 0 : i32
        %dma_wait3A_251 = tpu.memref_slice %arg9[%dma_wait3A_248, %dma_wait3A_249, %dma_wait3A_250] : memref<2x8x128xi32, #tpu.memory_space<vmem>> -> memref<1x8x128xi32, #tpu.memory_space<vmem>>
        %dma_wait3A_252 = tpu.memref_squeeze %dma_wait3A_251 : memref<1x8x128xi32, #tpu.memory_space<vmem>> -> memref<8x128xi32, #tpu.memory_space<vmem>>
        %dma_wait3A_253 = arith.constant 0 : i32
        %dma_wait3A_254 = arith.constant 0 : i32
        %dma_wait3A_255 = tpu.memref_slice %arg3[%dma_wait3A_247, %dma_wait3A_253, %dma_wait3A_254] : memref<2x2504x128xi32, #tpu.memory_space<hbm>> -> memref<1x8x128xi32, #tpu.memory_space<hbm>>
        %dma_wait3A_256 = tpu.memref_squeeze %dma_wait3A_255 : memref<1x8x128xi32, #tpu.memory_space<hbm>> -> memref<8x128xi32, #tpu.memory_space<hbm>>
        %dma_wait3A_257 = tpu.memref_slice %arg14[%rem3A_100] : memref<2x!tpu.dma_semaphore, #tpu.memory_space<semaphore_mem>> -> memref<1x!tpu.dma_semaphore, #tpu.memory_space<semaphore_mem>>
        %dma_wait3A_258 = tpu.memref_squeeze %dma_wait3A_257 : memref<1x!tpu.dma_semaphore, #tpu.memory_space<semaphore_mem>> -> memref<!tpu.dma_semaphore, #tpu.memory_space<semaphore_mem>>
        %dma_wait3A_259 = arith.constant 0 : i32
        %dma_wait3A_260 = arith.constant 0 : i32
        %dma_wait3A_261 = tpu.memref_slice %arg9[%dma_wait3A_248, %dma_wait3A_259, %dma_wait3A_260] : memref<2x8x128xi32, #tpu.memory_space<vmem>> -> memref<1x8x128xi32, #tpu.memory_space<vmem>>
        %dma_wait3A_262 = tpu.memref_squeeze %dma_wait3A_261 : memref<1x8x128xi32, #tpu.memory_space<vmem>> -> memref<8x128xi32, #tpu.memory_space<vmem>>
        %dma_wait3A_263 = arith.constant 0 : i32
        %dma_wait3A_264 = arith.constant 0 : i32
        %dma_wait3A_265 = tpu.memref_slice %arg3[%dma_wait3A_247, %dma_wait3A_263, %dma_wait3A_264] : memref<2x2504x128xi32, #tpu.memory_space<hbm>> -> memref<1x8x128xi32, #tpu.memory_space<hbm>>
        %dma_wait3A_266 = tpu.memref_squeeze %dma_wait3A_265 : memref<1x8x128xi32, #tpu.memory_space<hbm>> -> memref<8x128xi32, #tpu.memory_space<hbm>>
        tpu.wait_dma2 semaphore(%dma_wait3A_258 : memref<!tpu.dma_semaphore, #tpu.memory_space<semaphore_mem>>) src(%dma_wait3A_266 : memref<8x128xi32, #tpu.memory_space<hbm>>) dst(%dma_wait3A_262 : memref<8x128xi32, #tpu.memory_space<vmem>>)
      } else {
      }
      %add3A_123 = arith.constant 1 : i32
      %add3A_124 = arith.addi %while3A_85, %add3A_123 : i32
      %lt3A_125 = arith.cmpi slt, %add3A_124, %add3A_8 : i32
      %convert_element_type3A_126 = arith.extui %lt3A_125 : i1 to i32
      %cond3A_127 = arith.constant 0 : i32
      %cond3A_128 = arith.cmpi ne, %convert_element_type3A_126, %cond3A_127 : i32
      scf.if %cond3A_128 {
        %add3A_227 = arith.constant 1 : i32
        %add3A_228 = arith.addi %while3A_85, %add3A_227 : i32
        %rem3A_229 = arith.constant 8 : i32
        %rem3A_230 = arith.remsi %add3A_228, %rem3A_229 : i32
        %div3A_231 = arith.constant 8 : i32
        %div3A_232 = arith.divsi %add3A_228, %div3A_231 : i32
        %rem3A_233 = arith.constant 2 : i32
        %rem3A_234 = arith.remsi %div3A_232, %rem3A_233 : i32
        %dma_start3A_235 = arith.constant 0 : i32
        %dma_start3A_236 = arith.constant 0 : i32
        %dma_start3A_237 = tpu.memref_slice %arg7[%rem3A_91, %dma_start3A_235, %dma_start3A_236] : memref<2x128x128xf32, #tpu.memory_space<vmem>> -> memref<1x128x128xf32, #tpu.memory_space<vmem>>
        %dma_start3A_238 = tpu.memref_squeeze %dma_start3A_237 : memref<1x128x128xf32, #tpu.memory_space<vmem>> -> memref<128x128xf32, #tpu.memory_space<vmem>>
        %dma_start3A_239 = arith.constant 0 : i32
        %dma_start3A_240 = tpu.memref_slice %arg8[%rem3A_234, %rem3A_230, %dma_start3A_239] : memref<2x8x128xi32, #tpu.memory_space<vmem>> -> memref<1x1x128xi32, #tpu.memory_space<vmem>>
        %dma_start3A_241 = tpu.memref_squeeze %dma_start3A_240 : memref<1x1x128xi32, #tpu.memory_space<vmem>> -> memref<128xi32, #tpu.memory_space<vmem>>
        %dma_start3A_242 = arith.constant 0 : i32
        %dma_start3A_243 = arith.constant 0 : i32
        %dma_start3A_244 = tpu.memref_slice %arg2[%dma_start3A_242, %dma_start3A_243] : memref<10240x128xf32, #tpu.memory_space<hbm>> -> memref<10240x128xf32, #tpu.memory_space<hbm>>
        %dma_start3A_245 = tpu.memref_slice %arg11[%rem3A_91] : memref<2x!tpu.dma_semaphore, #tpu.memory_space<semaphore_mem>> -> memref<1x!tpu.dma_semaphore, #tpu.memory_space<semaphore_mem>>
        %dma_start3A_246 = tpu.memref_squeeze %dma_start3A_245 : memref<1x!tpu.dma_semaphore, #tpu.memory_space<semaphore_mem>> -> memref<!tpu.dma_semaphore, #tpu.memory_space<semaphore_mem>>
        tpu.enqueue_indirect_dma source(%dma_start3A_244 : memref<10240x128xf32, #tpu.memory_space<hbm>>) target(%dma_start3A_238 : memref<128x128xf32, #tpu.memory_space<vmem>>) offsets(%dma_start3A_241 : memref<128xi32, #tpu.memory_space<vmem>>) semaphore(%dma_start3A_246 : memref<!tpu.dma_semaphore, #tpu.memory_space<semaphore_mem>>)
      } else {
      }
      %dma_wait3A_129 = arith.constant 0 : i32
      %dma_wait3A_130 = arith.constant 0 : i32
      %dma_wait3A_131 = arith.constant 0 : i32
      %dma_wait3A_132 = tpu.memref_slice %arg7[%dma_wait3A_129, %dma_wait3A_130, %dma_wait3A_131] : memref<2x128x128xf32, #tpu.memory_space<vmem>> -> memref<1x128x128xf32, #tpu.memory_space<vmem>>
      %dma_wait3A_133 = tpu.memref_squeeze %dma_wait3A_132 : memref<1x128x128xf32, #tpu.memory_space<vmem>> -> memref<128x128xf32, #tpu.memory_space<vmem>>
      %dma_wait3A_134 = arith.constant 0 : i32
      %dma_wait3A_135 = arith.constant 0 : i32
      %dma_wait3A_136 = tpu.memref_slice %arg2[%dma_wait3A_134, %dma_wait3A_135] : memref<10240x128xf32, #tpu.memory_space<hbm>> -> memref<128x128xf32, #tpu.memory_space<hbm>>
      %dma_wait3A_137 = tpu.memref_slice %arg11[%rem3A_87] : memref<2x!tpu.dma_semaphore, #tpu.memory_space<semaphore_mem>> -> memref<1x!tpu.dma_semaphore, #tpu.memory_space<semaphore_mem>>
      %dma_wait3A_138 = tpu.memref_squeeze %dma_wait3A_137 : memref<1x!tpu.dma_semaphore, #tpu.memory_space<semaphore_mem>> -> memref<!tpu.dma_semaphore, #tpu.memory_space<semaphore_mem>>
      %dma_wait3A_139 = arith.constant 0 : i32
      %dma_wait3A_140 = arith.constant 0 : i32
      %dma_wait3A_141 = tpu.memref_slice %arg7[%dma_wait3A_129, %dma_wait3A_139, %dma_wait3A_140] : memref<2x128x128xf32, #tpu.memory_space<vmem>> -> memref<1x128x128xf32, #tpu.memory_space<vmem>>
      %dma_wait3A_142 = tpu.memref_squeeze %dma_wait3A_141 : memref<1x128x128xf32, #tpu.memory_space<vmem>> -> memref<128x128xf32, #tpu.memory_space<vmem>>
      %dma_wait3A_143 = arith.constant 0 : i32
      %dma_wait3A_144 = arith.constant 0 : i32
      %dma_wait3A_145 = tpu.memref_slice %arg2[%dma_wait3A_143, %dma_wait3A_144] : memref<10240x128xf32, #tpu.memory_space<hbm>> -> memref<128x128xf32, #tpu.memory_space<hbm>>
      tpu.wait_dma2 semaphore(%dma_wait3A_138 : memref<!tpu.dma_semaphore, #tpu.memory_space<semaphore_mem>>) src(%dma_wait3A_145 : memref<128x128xf32, #tpu.memory_space<hbm>>) dst(%dma_wait3A_142 : memref<128x128xf32, #tpu.memory_space<vmem>>)
      %dma_start3A_146 = arith.constant 0 : i32
      %dma_start3A_147 = arith.constant 0 : i32
      %dma_start3A_148 = tpu.memref_slice %arg7[%rem3A_87, %dma_start3A_146, %dma_start3A_147] : memref<2x128x128xf32, #tpu.memory_space<vmem>> -> memref<1x128x128xf32, #tpu.memory_space<vmem>>
      %dma_start3A_149 = tpu.memref_squeeze %dma_start3A_148 : memref<1x128x128xf32, #tpu.memory_space<vmem>> -> memref<128x128xf32, #tpu.memory_space<vmem>>
      %dma_start3A_150 = arith.constant 0 : i32
      %dma_start3A_151 = tpu.memref_slice %arg9[%rem3A_96, %rem3A_93, %dma_start3A_150] : memref<2x8x128xi32, #tpu.memory_space<vmem>> -> memref<1x1x128xi32, #tpu.memory_space<vmem>>
      %dma_start3A_152 = tpu.memref_squeeze %dma_start3A_151 : memref<1x1x128xi32, #tpu.memory_space<vmem>> -> memref<128xi32, #tpu.memory_space<vmem>>
      %dma_start3A_153 = arith.constant 0 : i32
      %dma_start3A_154 = arith.constant 0 : i32
      %dma_start3A_155 = tpu.memref_slice %arg6[%dma_start3A_153, %dma_start3A_154] : memref<10016x128xf32, #tpu.memory_space<vmem_shared>> -> memref<10016x128xf32, #tpu.memory_space<vmem_shared>>
      %dma_start3A_156 = tpu.memref_slice %arg12[%rem3A_87] : memref<2x!tpu.dma_semaphore, #tpu.memory_space<semaphore_mem>> -> memref<1x!tpu.dma_semaphore, #tpu.memory_space<semaphore_mem>>
      %dma_start3A_157 = tpu.memref_squeeze %dma_start3A_156 : memref<1x!tpu.dma_semaphore, #tpu.memory_space<semaphore_mem>> -> memref<!tpu.dma_semaphore, #tpu.memory_space<semaphore_mem>>
      tpu.enqueue_indirect_dma source(%dma_start3A_149 : memref<128x128xf32, #tpu.memory_space<vmem>>) target(%dma_start3A_155 : memref<10016x128xf32, #tpu.memory_space<vmem_shared>>) offsets(%dma_start3A_152 : memref<128xi32, #tpu.memory_space<vmem>>) semaphore(%dma_start3A_157 : memref<!tpu.dma_semaphore, #tpu.memory_space<semaphore_mem>>) {add = true}
      %get3A = arith.index_cast %rem3A_96 : i32 to index
      %get3A_158 = arith.index_cast %rem3A_93 : i32 to index
      %get3A_159 = arith.constant 0 : index
      %get3A_160 = tpu.vector_load %arg9[%get3A, %get3A_158, %get3A_159] {strides = array<i32>} : memref<2x8x128xi32, #tpu.memory_space<vmem>>, vector<16xi32>,
      %broadcast_in_dim3A = arith.constant true
      %broadcast_in_dim3A_161 = vector.broadcast %broadcast_in_dim3A : i1 to vector<16xi1>
      %unique3A, %unique3A_162 = tpu.scan_count mask(%broadcast_in_dim3A_161 : vector<16xi1>) value(%get3A_160 : vector<16xi32>) : vector<16xi1>, vector<16xi32>
      %convert_element_type3A_163 = arith.sitofp %unique3A_162 : vector<16xi32> to vector<16xf32>
      tpu.vector_store_idx %arg15[%get3A_160], %convert_element_type3A_163 masked %unique3A {add = true} : memref<10240xf32, #tpu.memory_space<vmem>>[vector<16xi32>], vector<16xf32>, vector<16xi1>
      %get3A_164 = arith.index_cast %rem3A_96 : i32 to index
      %get3A_165 = arith.index_cast %rem3A_93 : i32 to index
      %get3A_166 = arith.constant 16 : index
      %get3A_167 = tpu.vector_load %arg9[%get3A_164, %get3A_165, %get3A_166] {strides = array<i32>} : memref<2x8x128xi32, #tpu.memory_space<vmem>>, vector<16xi32>,
      %broadcast_in_dim3A_168 = arith.constant true
      %broadcast_in_dim3A_169 = vector.broadcast %broadcast_in_dim3A_168 : i1 to vector<16xi1>
      %unique3A_170, %unique3A_171 = tpu.scan_count mask(%broadcast_in_dim3A_169 : vector<16xi1>) value(%get3A_167 : vector<16xi32>) : vector<16xi1>, vector<16xi32>
      %convert_element_type3A_172 = arith.sitofp %unique3A_171 : vector<16xi32> to vector<16xf32>
      tpu.vector_store_idx %arg15[%get3A_167], %convert_element_type3A_172 masked %unique3A_170 {add = true} : memref<10240xf32, #tpu.memory_space<vmem>>[vector<16xi32>], vector<16xf32>, vector<16xi1>
      %get3A_173 = arith.index_cast %rem3A_96 : i32 to index
      %get3A_174 = arith.index_cast %rem3A_93 : i32 to index
      %get3A_175 = arith.constant 32 : index
      %get3A_176 = tpu.vector_load %arg9[%get3A_173, %get3A_174, %get3A_175] {strides = array<i32>} : memref<2x8x128xi32, #tpu.memory_space<vmem>>, vector<16xi32>,
      %broadcast_in_dim3A_177 = arith.constant true
      %broadcast_in_dim3A_178 = vector.broadcast %broadcast_in_dim3A_177 : i1 to vector<16xi1>
      %unique3A_179, %unique3A_180 = tpu.scan_count mask(%broadcast_in_dim3A_178 : vector<16xi1>) value(%get3A_176 : vector<16xi32>) : vector<16xi1>, vector<16xi32>
      %convert_element_type3A_181 = arith.sitofp %unique3A_180 : vector<16xi32> to vector<16xf32>
      tpu.vector_store_idx %arg15[%get3A_176], %convert_element_type3A_181 masked %unique3A_179 {add = true} : memref<10240xf32, #tpu.memory_space<vmem>>[vector<16xi32>], vector<16xf32>, vector<16xi1>
      %get3A_182 = arith.index_cast %rem3A_96 : i32 to index
      %get3A_183 = arith.index_cast %rem3A_93 : i32 to index
      %get3A_184 = arith.constant 48 : index
      %get3A_185 = tpu.vector_load %arg9[%get3A_182, %get3A_183, %get3A_184] {strides = array<i32>} : memref<2x8x128xi32, #tpu.memory_space<vmem>>, vector<16xi32>,
      %broadcast_in_dim3A_186 = arith.constant true
      %broadcast_in_dim3A_187 = vector.broadcast %broadcast_in_dim3A_186 : i1 to vector<16xi1>
      %unique3A_188, %unique3A_189 = tpu.scan_count mask(%broadcast_in_dim3A_187 : vector<16xi1>) value(%get3A_185 : vector<16xi32>) : vector<16xi1>, vector<16xi32>
      %convert_element_type3A_190 = arith.sitofp %unique3A_189 : vector<16xi32> to vector<16xf32>
      tpu.vector_store_idx %arg15[%get3A_185], %convert_element_type3A_190 masked %unique3A_188 {add = true} : memref<10240xf32, #tpu.memory_space<vmem>>[vector<16xi32>], vector<16xf32>, vector<16xi1>
      %get3A_191 = arith.index_cast %rem3A_96 : i32 to index
      %get3A_192 = arith.index_cast %rem3A_93 : i32 to index
      %get3A_193 = arith.constant 64 : index
      %get3A_194 = tpu.vector_load %arg9[%get3A_191, %get3A_192, %get3A_193] {strides = array<i32>} : memref<2x8x128xi32, #tpu.memory_space<vmem>>, vector<16xi32>,
      %broadcast_in_dim3A_195 = arith.constant true
      %broadcast_in_dim3A_196 = vector.broadcast %broadcast_in_dim3A_195 : i1 to vector<16xi1>
      %unique3A_197, %unique3A_198 = tpu.scan_count mask(%broadcast_in_dim3A_196 : vector<16xi1>) value(%get3A_194 : vector<16xi32>) : vector<16xi1>, vector<16xi32>
      %convert_element_type3A_199 = arith.sitofp %unique3A_198 : vector<16xi32> to vector<16xf32>
      tpu.vector_store_idx %arg15[%get3A_194], %convert_element_type3A_199 masked %unique3A_197 {add = true} : memref<10240xf32, #tpu.memory_space<vmem>>[vector<16xi32>], vector<16xf32>, vector<16xi1>
      %get3A_200 = arith.index_cast %rem3A_96 : i32 to index
      %get3A_201 = arith.index_cast %rem3A_93 : i32 to index
      %get3A_202 = arith.constant 80 : index
      %get3A_203 = tpu.vector_load %arg9[%get3A_200, %get3A_201, %get3A_202] {strides = array<i32>} : memref<2x8x128xi32, #tpu.memory_space<vmem>>, vector<16xi32>,
      %broadcast_in_dim3A_204 = arith.constant true
      %broadcast_in_dim3A_205 = vector.broadcast %broadcast_in_dim3A_204 : i1 to vector<16xi1>
      %unique3A_206, %unique3A_207 = tpu.scan_count mask(%broadcast_in_dim3A_205 : vector<16xi1>) value(%get3A_203 : vector<16xi32>) : vector<16xi1>, vector<16xi32>
      %convert_element_type3A_208 = arith.sitofp %unique3A_207 : vector<16xi32> to vector<16xf32>
      tpu.vector_store_idx %arg15[%get3A_203], %convert_element_type3A_208 masked %unique3A_206 {add = true} : memref<10240xf32, #tpu.memory_space<vmem>>[vector<16xi32>], vector<16xf32>, vector<16xi1>
      %get3A_209 = arith.index_cast %rem3A_96 : i32 to index
      %get3A_210 = arith.index_cast %rem3A_93 : i32 to index
      %get3A_211 = arith.constant 96 : index
      %get3A_212 = tpu.vector_load %arg9[%get3A_209, %get3A_210, %get3A_211] {strides = array<i32>} : memref<2x8x128xi32, #tpu.memory_space<vmem>>, vector<16xi32>,
      %broadcast_in_dim3A_213 = arith.constant true
      %broadcast_in_dim3A_214 = vector.broadcast %broadcast_in_dim3A_213 : i1 to vector<16xi1>
      %unique3A_215, %unique3A_216 = tpu.scan_count mask(%broadcast_in_dim3A_214 : vector<16xi1>) value(%get3A_212 : vector<16xi32>) : vector<16xi1>, vector<16xi32>
      %convert_element_type3A_217 = arith.sitofp %unique3A_216 : vector<16xi32> to vector<16xf32>
      tpu.vector_store_idx %arg15[%get3A_212], %convert_element_type3A_217 masked %unique3A_215 {add = true} : memref<10240xf32, #tpu.memory_space<vmem>>[vector<16xi32>], vector<16xf32>, vector<16xi1>
      %get3A_218 = arith.index_cast %rem3A_96 : i32 to index
      %get3A_219 = arith.index_cast %rem3A_93 : i32 to index
      %get3A_220 = arith.constant 112 : index
      %get3A_221 = tpu.vector_load %arg9[%get3A_218, %get3A_219, %get3A_220] {strides = array<i32>} : memref<2x8x128xi32, #tpu.memory_space<vmem>>, vector<16xi32>,
      %broadcast_in_dim3A_222 = arith.constant true
      %broadcast_in_dim3A_223 = vector.broadcast %broadcast_in_dim3A_222 : i1 to vector<16xi1>
      %unique3A_224, %unique3A_225 = tpu.scan_count mask(%broadcast_in_dim3A_223 : vector<16xi1>) value(%get3A_221 : vector<16xi32>) : vector<16xi1>, vector<16xi32>
      %convert_element_type3A_226 = arith.sitofp %unique3A_225 : vector<16xi32> to vector<16xf32>
      tpu.vector_store_idx %arg15[%get3A_221], %convert_element_type3A_226 masked %unique3A_224 {add = true} : memref<10240xf32, #tpu.memory_space<vmem>>[vector<16xi32>], vector<16xf32>, vector<16xi1>
    }
    %while3A_57 = arith.constant 1 : i32
    scf.for %while3A_85 = %while3A_55 to %while3A_51 step %while3A_57  : i32 {
      %rem3A_86 = arith.constant 2 : i32
      %rem3A_87 = arith.remsi %while3A_85, %rem3A_86 : i32
      %add3A_88 = arith.constant 1 : i32
      %add3A_89 = arith.addi %while3A_85, %add3A_88 : i32
      %rem3A_90 = arith.constant 2 : i32
      %rem3A_91 = arith.remsi %add3A_89, %rem3A_90 : i32
      %rem3A_92 = arith.constant 8 : i32
      %rem3A_93 = arith.remsi %while3A_85, %rem3A_92 : i32
      %div3A = arith.constant 8 : i32
      %div3A_94 = arith.divsi %while3A_85, %div3A : i32
      %rem3A_95 = arith.constant 2 : i32
      %rem3A_96 = arith.remsi %div3A_94, %rem3A_95 : i32
      %add3A_97 = arith.constant 1 : i32
      %add3A_98 = arith.addi %div3A_94, %add3A_97 : i32
      %rem3A_99 = arith.constant 2 : i32
      %rem3A_100 = arith.remsi %add3A_98, %rem3A_99 : i32
      %ge3A = arith.constant 1 : i32
      %ge3A_101 = arith.cmpi sge, %while3A_85, %ge3A : i32
      %convert_element_type3A_102 = arith.extui %ge3A_101 : i1 to i32
      %cond3A_103 = arith.constant 0 : i32
      %cond3A_104 = arith.cmpi ne, %convert_element_type3A_102, %cond3A_103 : i32
      scf.if %cond3A_104 {
        %dma_wait3A_227 = arith.constant 0 : i32
        %dma_wait3A_228 = arith.constant 0 : i32
        %dma_wait3A_229 = arith.constant 0 : i32
        %dma_wait3A_230 = tpu.memref_slice %arg7[%dma_wait3A_227, %dma_wait3A_228, %dma_wait3A_229] : memref<2x128x128xf32, #tpu.memory_space<vmem>> -> memref<1x128x128xf32, #tpu.memory_space<vmem>>
        %dma_wait3A_231 = tpu.memref_squeeze %dma_wait3A_230 : memref<1x128x128xf32, #tpu.memory_space<vmem>> -> memref<128x128xf32, #tpu.memory_space<vmem>>
        %dma_wait3A_232 = arith.constant 0 : i32
        %dma_wait3A_233 = arith.constant 0 : i32
        %dma_wait3A_234 = tpu.memref_slice %arg2[%dma_wait3A_232, %dma_wait3A_233] : memref<10240x128xf32, #tpu.memory_space<hbm>> -> memref<128x128xf32, #tpu.memory_space<hbm>>
        %dma_wait3A_235 = tpu.memref_slice %arg12[%rem3A_91] : memref<2x!tpu.dma_semaphore, #tpu.memory_space<semaphore_mem>> -> memref<1x!tpu.dma_semaphore, #tpu.memory_space<semaphore_mem>>
        %dma_wait3A_236 = tpu.memref_squeeze %dma_wait3A_235 : memref<1x!tpu.dma_semaphore, #tpu.memory_space<semaphore_mem>> -> memref<!tpu.dma_semaphore, #tpu.memory_space<semaphore_mem>>
        %dma_wait3A_237 = arith.constant 0 : i32
        %dma_wait3A_238 = arith.constant 0 : i32
        %dma_wait3A_239 = tpu.memref_slice %arg7[%dma_wait3A_227, %dma_wait3A_237, %dma_wait3A_238] : memref<2x128x128xf32, #tpu.memory_space<vmem>> -> memref<1x128x128xf32, #tpu.memory_space<vmem>>
        %dma_wait3A_240 = tpu.memref_squeeze %dma_wait3A_239 : memref<1x128x128xf32, #tpu.memory_space<vmem>> -> memref<128x128xf32, #tpu.memory_space<vmem>>
        %dma_wait3A_241 = arith.constant 0 : i32
        %dma_wait3A_242 = arith.constant 0 : i32
        %dma_wait3A_243 = tpu.memref_slice %arg2[%dma_wait3A_241, %dma_wait3A_242] : memref<10240x128xf32, #tpu.memory_space<hbm>> -> memref<128x128xf32, #tpu.memory_space<hbm>>
        tpu.wait_dma2 semaphore(%dma_wait3A_236 : memref<!tpu.dma_semaphore, #tpu.memory_space<semaphore_mem>>) src(%dma_wait3A_243 : memref<128x128xf32, #tpu.memory_space<hbm>>) dst(%dma_wait3A_240 : memref<128x128xf32, #tpu.memory_space<vmem>>)
      } else {
      }
      %eq3A = arith.constant 0 : i32
      %eq3A_105 = arith.cmpi eq, %rem3A_93, %eq3A : i32
      %add3A_106 = arith.constant 1 : i32
      %add3A_107 = arith.addi %div3A_94, %add3A_106 : i32
      %mul3A_108 = arith.constant 8 : i32
      %mul3A_109 = arith.muli %add3A_107, %mul3A_108 : i32
      %lt3A_110 = arith.cmpi slt, %mul3A_109, %add3A_8 : i32
      %and3A = arith.andi %eq3A_105, %lt3A_110 : i1
      %convert_element_type3A_111 = arith.extui %and3A : i1 to i32
      %cond3A_112 = arith.constant 0 : i32
      %cond3A_113 = arith.cmpi ne, %convert_element_type3A_111, %cond3A_112 : i32
      scf.if %cond3A_113 {
        %add3A_227 = arith.constant 1 : i32
        %add3A_228 = arith.addi %div3A_94, %add3A_227 : i32
        %mul3A_229 = arith.constant 8 : i32
        %mul3A_230 = arith.muli %add3A_228, %mul3A_229 : i32
        %add3A_231 = arith.addi %add3A_4, %mul3A_230 : i32
        %dma_start3A_232 = arith.constant 0 : i32
        %dma_start3A_233 = arith.constant 0 : i32
        %dma_start3A_234 = arith.constant 0 : i32
        %dma_start3A_235 = tpu.memref_slice %arg8[%rem3A_100, %dma_start3A_233, %dma_start3A_234] : memref<2x8x128xi32, #tpu.memory_space<vmem>> -> memref<1x8x128xi32, #tpu.memory_space<vmem>>
        %dma_start3A_236 = tpu.memref_squeeze %dma_start3A_235 : memref<1x8x128xi32, #tpu.memory_space<vmem>> -> memref<8x128xi32, #tpu.memory_space<vmem>>
        %dma_start3A_237 = arith.constant 0 : i32
        %dma_start3A_238 = tpu.memref_slice %arg3[%dma_start3A_232, %add3A_231, %dma_start3A_237] : memref<2x2504x128xi32, #tpu.memory_space<hbm>> -> memref<1x8x128xi32, #tpu.memory_space<hbm>>
        %dma_start3A_239 = tpu.memref_squeeze %dma_start3A_238 : memref<1x8x128xi32, #tpu.memory_space<hbm>> -> memref<8x128xi32, #tpu.memory_space<hbm>>
        %dma_start3A_240 = tpu.memref_slice %arg13[%rem3A_100] : memref<2x!tpu.dma_semaphore, #tpu.memory_space<semaphore_mem>> -> memref<1x!tpu.dma_semaphore, #tpu.memory_space<semaphore_mem>>
        %dma_start3A_241 = tpu.memref_squeeze %dma_start3A_240 : memref<1x!tpu.dma_semaphore, #tpu.memory_space<semaphore_mem>> -> memref<!tpu.dma_semaphore, #tpu.memory_space<semaphore_mem>>
        %dma_start3A_242 = arith.constant 0 : i32
        %dma_start3A_243 = arith.constant 0 : i32
        %dma_start3A_244 = tpu.memref_slice %arg8[%rem3A_100, %dma_start3A_242, %dma_start3A_243] : memref<2x8x128xi32, #tpu.memory_space<vmem>> -> memref<1x8x128xi32, #tpu.memory_space<vmem>>
        %dma_start3A_245 = tpu.memref_squeeze %dma_start3A_244 : memref<1x8x128xi32, #tpu.memory_space<vmem>> -> memref<8x128xi32, #tpu.memory_space<vmem>>
        %dma_start3A_246 = arith.constant 0 : i32
        %dma_start3A_247 = tpu.memref_slice %arg3[%dma_start3A_232, %add3A_231, %dma_start3A_246] : memref<2x2504x128xi32, #tpu.memory_space<hbm>> -> memref<1x8x128xi32, #tpu.memory_space<hbm>>
        %dma_start3A_248 = tpu.memref_squeeze %dma_start3A_247 : memref<1x8x128xi32, #tpu.memory_space<hbm>> -> memref<8x128xi32, #tpu.memory_space<hbm>>
        tpu.enqueue_dma source(%dma_start3A_248 : memref<8x128xi32, #tpu.memory_space<hbm>>) target(%dma_start3A_245 : memref<8x128xi32, #tpu.memory_space<vmem>>) target_semaphore(%dma_start3A_241 : memref<!tpu.dma_semaphore, #tpu.memory_space<semaphore_mem>>)
        %dma_start3A_249 = arith.constant 1 : i32
        %dma_start3A_250 = arith.constant 0 : i32
        %dma_start3A_251 = arith.constant 0 : i32
        %dma_start3A_252 = tpu.memref_slice %arg9[%rem3A_100, %dma_start3A_250, %dma_start3A_251] : memref<2x8x128xi32, #tpu.memory_space<vmem>> -> memref<1x8x128xi32, #tpu.memory_space<vmem>>
        %dma_start3A_253 = tpu.memref_squeeze %dma_start3A_252 : memref<1x8x128xi32, #tpu.memory_space<vmem>> -> memref<8x128xi32, #tpu.memory_space<vmem>>
        %dma_start3A_254 = arith.constant 0 : i32
        %dma_start3A_255 = tpu.memref_slice %arg3[%dma_start3A_249, %add3A_231, %dma_start3A_254] : memref<2x2504x128xi32, #tpu.memory_space<hbm>> -> memref<1x8x128xi32, #tpu.memory_space<hbm>>
        %dma_start3A_256 = tpu.memref_squeeze %dma_start3A_255 : memref<1x8x128xi32, #tpu.memory_space<hbm>> -> memref<8x128xi32, #tpu.memory_space<hbm>>
        %dma_start3A_257 = tpu.memref_slice %arg14[%rem3A_100] : memref<2x!tpu.dma_semaphore, #tpu.memory_space<semaphore_mem>> -> memref<1x!tpu.dma_semaphore, #tpu.memory_space<semaphore_mem>>
        %dma_start3A_258 = tpu.memref_squeeze %dma_start3A_257 : memref<1x!tpu.dma_semaphore, #tpu.memory_space<semaphore_mem>> -> memref<!tpu.dma_semaphore, #tpu.memory_space<semaphore_mem>>
        %dma_start3A_259 = arith.constant 0 : i32
        %dma_start3A_260 = arith.constant 0 : i32
        %dma_start3A_261 = tpu.memref_slice %arg9[%rem3A_100, %dma_start3A_259, %dma_start3A_260] : memref<2x8x128xi32, #tpu.memory_space<vmem>> -> memref<1x8x128xi32, #tpu.memory_space<vmem>>
        %dma_start3A_262 = tpu.memref_squeeze %dma_start3A_261 : memref<1x8x128xi32, #tpu.memory_space<vmem>> -> memref<8x128xi32, #tpu.memory_space<vmem>>
        %dma_start3A_263 = arith.constant 0 : i32
        %dma_start3A_264 = tpu.memref_slice %arg3[%dma_start3A_249, %add3A_231, %dma_start3A_263] : memref<2x2504x128xi32, #tpu.memory_space<hbm>> -> memref<1x8x128xi32, #tpu.memory_space<hbm>>
        %dma_start3A_265 = tpu.memref_squeeze %dma_start3A_264 : memref<1x8x128xi32, #tpu.memory_space<hbm>> -> memref<8x128xi32, #tpu.memory_space<hbm>>
        tpu.enqueue_dma source(%dma_start3A_265 : memref<8x128xi32, #tpu.memory_space<hbm>>) target(%dma_start3A_262 : memref<8x128xi32, #tpu.memory_space<vmem>>) target_semaphore(%dma_start3A_258 : memref<!tpu.dma_semaphore, #tpu.memory_space<semaphore_mem>>)
      } else {
      }
      %eq3A_114 = arith.constant 7 : i32
      %eq3A_115 = arith.cmpi eq, %rem3A_93, %eq3A_114 : i32
      %add3A_116 = arith.constant 1 : i32
      %add3A_117 = arith.addi %while3A_85, %add3A_116 : i32
      %lt3A_118 = arith.cmpi slt, %add3A_117, %add3A_8 : i32
      %and3A_119 = arith.andi %eq3A_115, %lt3A_118 : i1
      %convert_element_type3A_120 = arith.extui %and3A_119 : i1 to i32
      %cond3A_121 = arith.constant 0 : i32
      %cond3A_122 = arith.cmpi ne, %convert_element_type3A_120, %cond3A_121 : i32
      scf.if %cond3A_122 {
        %dma_wait3A_227 = arith.constant 0 : i32
        %dma_wait3A_228 = arith.constant 0 : i32
        %dma_wait3A_229 = arith.constant 0 : i32
        %dma_wait3A_230 = arith.constant 0 : i32
        %dma_wait3A_231 = tpu.memref_slice %arg8[%dma_wait3A_228, %dma_wait3A_229, %dma_wait3A_230] : memref<2x8x128xi32, #tpu.memory_space<vmem>> -> memref<1x8x128xi32, #tpu.memory_space<vmem>>
        %dma_wait3A_232 = tpu.memref_squeeze %dma_wait3A_231 : memref<1x8x128xi32, #tpu.memory_space<vmem>> -> memref<8x128xi32, #tpu.memory_space<vmem>>
        %dma_wait3A_233 = arith.constant 0 : i32
        %dma_wait3A_234 = arith.constant 0 : i32
        %dma_wait3A_235 = tpu.memref_slice %arg3[%dma_wait3A_227, %dma_wait3A_233, %dma_wait3A_234] : memref<2x2504x128xi32, #tpu.memory_space<hbm>> -> memref<1x8x128xi32, #tpu.memory_space<hbm>>
        %dma_wait3A_236 = tpu.memref_squeeze %dma_wait3A_235 : memref<1x8x128xi32, #tpu.memory_space<hbm>> -> memref<8x128xi32, #tpu.memory_space<hbm>>
        %dma_wait3A_237 = tpu.memref_slice %arg13[%rem3A_100] : memref<2x!tpu.dma_semaphore, #tpu.memory_space<semaphore_mem>> -> memref<1x!tpu.dma_semaphore, #tpu.memory_space<semaphore_mem>>
        %dma_wait3A_238 = tpu.memref_squeeze %dma_wait3A_237 : memref<1x!tpu.dma_semaphore, #tpu.memory_space<semaphore_mem>> -> memref<!tpu.dma_semaphore, #tpu.memory_space<semaphore_mem>>
        %dma_wait3A_239 = arith.constant 0 : i32
        %dma_wait3A_240 = arith.constant 0 : i32
        %dma_wait3A_241 = tpu.memref_slice %arg8[%dma_wait3A_228, %dma_wait3A_239, %dma_wait3A_240] : memref<2x8x128xi32, #tpu.memory_space<vmem>> -> memref<1x8x128xi32, #tpu.memory_space<vmem>>
        %dma_wait3A_242 = tpu.memref_squeeze %dma_wait3A_241 : memref<1x8x128xi32, #tpu.memory_space<vmem>> -> memref<8x128xi32, #tpu.memory_space<vmem>>
        %dma_wait3A_243 = arith.constant 0 : i32
        %dma_wait3A_244 = arith.constant 0 : i32
        %dma_wait3A_245 = tpu.memref_slice %arg3[%dma_wait3A_227, %dma_wait3A_243, %dma_wait3A_244] : memref<2x2504x128xi32, #tpu.memory_space<hbm>> -> memref<1x8x128xi32, #tpu.memory_space<hbm>>
        %dma_wait3A_246 = tpu.memref_squeeze %dma_wait3A_245 : memref<1x8x128xi32, #tpu.memory_space<hbm>> -> memref<8x128xi32, #tpu.memory_space<hbm>>
        tpu.wait_dma2 semaphore(%dma_wait3A_238 : memref<!tpu.dma_semaphore, #tpu.memory_space<semaphore_mem>>) src(%dma_wait3A_246 : memref<8x128xi32, #tpu.memory_space<hbm>>) dst(%dma_wait3A_242 : memref<8x128xi32, #tpu.memory_space<vmem>>)
        %dma_wait3A_247 = arith.constant 1 : i32
        %dma_wait3A_248 = arith.constant 0 : i32
        %dma_wait3A_249 = arith.constant 0 : i32
        %dma_wait3A_250 = arith.constant 0 : i32
        %dma_wait3A_251 = tpu.memref_slice %arg9[%dma_wait3A_248, %dma_wait3A_249, %dma_wait3A_250] : memref<2x8x128xi32, #tpu.memory_space<vmem>> -> memref<1x8x128xi32, #tpu.memory_space<vmem>>
        %dma_wait3A_252 = tpu.memref_squeeze %dma_wait3A_251 : memref<1x8x128xi32, #tpu.memory_space<vmem>> -> memref<8x128xi32, #tpu.memory_space<vmem>>
        %dma_wait3A_253 = arith.constant 0 : i32
        %dma_wait3A_254 = arith.constant 0 : i32
        %dma_wait3A_255 = tpu.memref_slice %arg3[%dma_wait3A_247, %dma_wait3A_253, %dma_wait3A_254] : memref<2x2504x128xi32, #tpu.memory_space<hbm>> -> memref<1x8x128xi32, #tpu.memory_space<hbm>>
        %dma_wait3A_256 = tpu.memref_squeeze %dma_wait3A_255 : memref<1x8x128xi32, #tpu.memory_space<hbm>> -> memref<8x128xi32, #tpu.memory_space<hbm>>
        %dma_wait3A_257 = tpu.memref_slice %arg14[%rem3A_100] : memref<2x!tpu.dma_semaphore, #tpu.memory_space<semaphore_mem>> -> memref<1x!tpu.dma_semaphore, #tpu.memory_space<semaphore_mem>>
        %dma_wait3A_258 = tpu.memref_squeeze %dma_wait3A_257 : memref<1x!tpu.dma_semaphore, #tpu.memory_space<semaphore_mem>> -> memref<!tpu.dma_semaphore, #tpu.memory_space<semaphore_mem>>
        %dma_wait3A_259 = arith.constant 0 : i32
        %dma_wait3A_260 = arith.constant 0 : i32
        %dma_wait3A_261 = tpu.memref_slice %arg9[%dma_wait3A_248, %dma_wait3A_259, %dma_wait3A_260] : memref<2x8x128xi32, #tpu.memory_space<vmem>> -> memref<1x8x128xi32, #tpu.memory_space<vmem>>
        %dma_wait3A_262 = tpu.memref_squeeze %dma_wait3A_261 : memref<1x8x128xi32, #tpu.memory_space<vmem>> -> memref<8x128xi32, #tpu.memory_space<vmem>>
        %dma_wait3A_263 = arith.constant 0 : i32
        %dma_wait3A_264 = arith.constant 0 : i32
        %dma_wait3A_265 = tpu.memref_slice %arg3[%dma_wait3A_247, %dma_wait3A_263, %dma_wait3A_264] : memref<2x2504x128xi32, #tpu.memory_space<hbm>> -> memref<1x8x128xi32, #tpu.memory_space<hbm>>
        %dma_wait3A_266 = tpu.memref_squeeze %dma_wait3A_265 : memref<1x8x128xi32, #tpu.memory_space<hbm>> -> memref<8x128xi32, #tpu.memory_space<hbm>>
        tpu.wait_dma2 semaphore(%dma_wait3A_258 : memref<!tpu.dma_semaphore, #tpu.memory_space<semaphore_mem>>) src(%dma_wait3A_266 : memref<8x128xi32, #tpu.memory_space<hbm>>) dst(%dma_wait3A_262 : memref<8x128xi32, #tpu.memory_space<vmem>>)
      } else {
      }
      %add3A_123 = arith.constant 1 : i32
      %add3A_124 = arith.addi %while3A_85, %add3A_123 : i32
      %lt3A_125 = arith.cmpi slt, %add3A_124, %add3A_8 : i32
      %convert_element_type3A_126 = arith.extui %lt3A_125 : i1 to i32
      %cond3A_127 = arith.constant 0 : i32
      %cond3A_128 = arith.cmpi ne, %convert_element_type3A_126, %cond3A_127 : i32
      scf.if %cond3A_128 {
        %add3A_227 = arith.constant 1 : i32
        %add3A_228 = arith.addi %while3A_85, %add3A_227 : i32
        %rem3A_229 = arith.constant 8 : i32
        %rem3A_230 = arith.remsi %add3A_228, %rem3A_229 : i32
        %div3A_231 = arith.constant 8 : i32
        %div3A_232 = arith.divsi %add3A_228, %div3A_231 : i32
        %rem3A_233 = arith.constant 2 : i32
        %rem3A_234 = arith.remsi %div3A_232, %rem3A_233 : i32
        %dma_start3A_235 = arith.constant 0 : i32
        %dma_start3A_236 = arith.constant 0 : i32
        %dma_start3A_237 = tpu.memref_slice %arg7[%rem3A_91, %dma_start3A_235, %dma_start3A_236] : memref<2x128x128xf32, #tpu.memory_space<vmem>> -> memref<1x128x128xf32, #tpu.memory_space<vmem>>
        %dma_start3A_238 = tpu.memref_squeeze %dma_start3A_237 : memref<1x128x128xf32, #tpu.memory_space<vmem>> -> memref<128x128xf32, #tpu.memory_space<vmem>>
        %dma_start3A_239 = arith.constant 0 : i32
        %dma_start3A_240 = tpu.memref_slice %arg8[%rem3A_234, %rem3A_230, %dma_start3A_239] : memref<2x8x128xi32, #tpu.memory_space<vmem>> -> memref<1x1x128xi32, #tpu.memory_space<vmem>>
        %dma_start3A_241 = tpu.memref_squeeze %dma_start3A_240 : memref<1x1x128xi32, #tpu.memory_space<vmem>> -> memref<128xi32, #tpu.memory_space<vmem>>
        %dma_start3A_242 = arith.constant 0 : i32
        %dma_start3A_243 = arith.constant 0 : i32
        %dma_start3A_244 = tpu.memref_slice %arg2[%dma_start3A_242, %dma_start3A_243] : memref<10240x128xf32, #tpu.memory_space<hbm>> -> memref<10240x128xf32, #tpu.memory_space<hbm>>
        %dma_start3A_245 = tpu.memref_slice %arg11[%rem3A_91] : memref<2x!tpu.dma_semaphore, #tpu.memory_space<semaphore_mem>> -> memref<1x!tpu.dma_semaphore, #tpu.memory_space<semaphore_mem>>
        %dma_start3A_246 = tpu.memref_squeeze %dma_start3A_245 : memref<1x!tpu.dma_semaphore, #tpu.memory_space<semaphore_mem>> -> memref<!tpu.dma_semaphore, #tpu.memory_space<semaphore_mem>>
        tpu.enqueue_indirect_dma source(%dma_start3A_244 : memref<10240x128xf32, #tpu.memory_space<hbm>>) target(%dma_start3A_238 : memref<128x128xf32, #tpu.memory_space<vmem>>) offsets(%dma_start3A_241 : memref<128xi32, #tpu.memory_space<vmem>>) semaphore(%dma_start3A_246 : memref<!tpu.dma_semaphore, #tpu.memory_space<semaphore_mem>>)
      } else {
      }
      %dma_wait3A_129 = arith.constant 0 : i32
      %dma_wait3A_130 = arith.constant 0 : i32
      %dma_wait3A_131 = arith.constant 0 : i32
      %dma_wait3A_132 = tpu.memref_slice %arg7[%dma_wait3A_129, %dma_wait3A_130, %dma_wait3A_131] : memref<2x128x128xf32, #tpu.memory_space<vmem>> -> memref<1x128x128xf32, #tpu.memory_space<vmem>>
      %dma_wait3A_133 = tpu.memref_squeeze %dma_wait3A_132 : memref<1x128x128xf32, #tpu.memory_space<vmem>> -> memref<128x128xf32, #tpu.memory_space<vmem>>
      %dma_wait3A_134 = arith.constant 0 : i32
      %dma_wait3A_135 = arith.constant 0 : i32
      %dma_wait3A_136 = tpu.memref_slice %arg2[%dma_wait3A_134, %dma_wait3A_135] : memref<10240x128xf32, #tpu.memory_space<hbm>> -> memref<128x128xf32, #tpu.memory_space<hbm>>
      %dma_wait3A_137 = tpu.memref_slice %arg11[%rem3A_87] : memref<2x!tpu.dma_semaphore, #tpu.memory_space<semaphore_mem>> -> memref<1x!tpu.dma_semaphore, #tpu.memory_space<semaphore_mem>>
      %dma_wait3A_138 = tpu.memref_squeeze %dma_wait3A_137 : memref<1x!tpu.dma_semaphore, #tpu.memory_space<semaphore_mem>> -> memref<!tpu.dma_semaphore, #tpu.memory_space<semaphore_mem>>
      %dma_wait3A_139 = arith.constant 0 : i32
      %dma_wait3A_140 = arith.constant 0 : i32
      %dma_wait3A_141 = tpu.memref_slice %arg7[%dma_wait3A_129, %dma_wait3A_139, %dma_wait3A_140] : memref<2x128x128xf32, #tpu.memory_space<vmem>> -> memref<1x128x128xf32, #tpu.memory_space<vmem>>
      %dma_wait3A_142 = tpu.memref_squeeze %dma_wait3A_141 : memref<1x128x128xf32, #tpu.memory_space<vmem>> -> memref<128x128xf32, #tpu.memory_space<vmem>>
      %dma_wait3A_143 = arith.constant 0 : i32
      %dma_wait3A_144 = arith.constant 0 : i32
      %dma_wait3A_145 = tpu.memref_slice %arg2[%dma_wait3A_143, %dma_wait3A_144] : memref<10240x128xf32, #tpu.memory_space<hbm>> -> memref<128x128xf32, #tpu.memory_space<hbm>>
      tpu.wait_dma2 semaphore(%dma_wait3A_138 : memref<!tpu.dma_semaphore, #tpu.memory_space<semaphore_mem>>) src(%dma_wait3A_145 : memref<128x128xf32, #tpu.memory_space<hbm>>) dst(%dma_wait3A_142 : memref<128x128xf32, #tpu.memory_space<vmem>>)
      %dma_start3A_146 = arith.constant 0 : i32
      %dma_start3A_147 = arith.constant 0 : i32
      %dma_start3A_148 = tpu.memref_slice %arg7[%rem3A_87, %dma_start3A_146, %dma_start3A_147] : memref<2x128x128xf32, #tpu.memory_space<vmem>> -> memref<1x128x128xf32, #tpu.memory_space<vmem>>
      %dma_start3A_149 = tpu.memref_squeeze %dma_start3A_148 : memref<1x128x128xf32, #tpu.memory_space<vmem>> -> memref<128x128xf32, #tpu.memory_space<vmem>>
      %dma_start3A_150 = arith.constant 0 : i32
      %dma_start3A_151 = tpu.memref_slice %arg9[%rem3A_96, %rem3A_93, %dma_start3A_150] : memref<2x8x128xi32, #tpu.memory_space<vmem>> -> memref<1x1x128xi32, #tpu.memory_space<vmem>>
      %dma_start3A_152 = tpu.memref_squeeze %dma_start3A_151 : memref<1x1x128xi32, #tpu.memory_space<vmem>> -> memref<128xi32, #tpu.memory_space<vmem>>
      %dma_start3A_153 = arith.constant 0 : i32
      %dma_start3A_154 = arith.constant 0 : i32
      %dma_start3A_155 = tpu.memref_slice %arg6[%dma_start3A_153, %dma_start3A_154] : memref<10016x128xf32, #tpu.memory_space<vmem_shared>> -> memref<10016x128xf32, #tpu.memory_space<vmem_shared>>
      %dma_start3A_156 = tpu.memref_slice %arg12[%rem3A_87] : memref<2x!tpu.dma_semaphore, #tpu.memory_space<semaphore_mem>> -> memref<1x!tpu.dma_semaphore, #tpu.memory_space<semaphore_mem>>
      %dma_start3A_157 = tpu.memref_squeeze %dma_start3A_156 : memref<1x!tpu.dma_semaphore, #tpu.memory_space<semaphore_mem>> -> memref<!tpu.dma_semaphore, #tpu.memory_space<semaphore_mem>>
      tpu.enqueue_indirect_dma source(%dma_start3A_149 : memref<128x128xf32, #tpu.memory_space<vmem>>) target(%dma_start3A_155 : memref<10016x128xf32, #tpu.memory_space<vmem_shared>>) offsets(%dma_start3A_152 : memref<128xi32, #tpu.memory_space<vmem>>) semaphore(%dma_start3A_157 : memref<!tpu.dma_semaphore, #tpu.memory_space<semaphore_mem>>) {add = true}
      %get3A = arith.index_cast %rem3A_96 : i32 to index
      %get3A_158 = arith.index_cast %rem3A_93 : i32 to index
      %get3A_159 = arith.constant 0 : index
      %get3A_160 = tpu.vector_load %arg9[%get3A, %get3A_158, %get3A_159] {strides = array<i32>} : memref<2x8x128xi32, #tpu.memory_space<vmem>>, vector<16xi32>,
      %broadcast_in_dim3A = arith.constant true
      %broadcast_in_dim3A_161 = vector.broadcast %broadcast_in_dim3A : i1 to vector<16xi1>
      %unique3A, %unique3A_162 = tpu.scan_count mask(%broadcast_in_dim3A_161 : vector<16xi1>) value(%get3A_160 : vector<16xi32>) : vector<16xi1>, vector<16xi32>
      %convert_element_type3A_163 = arith.sitofp %unique3A_162 : vector<16xi32> to vector<16xf32>
      tpu.vector_store_idx %arg15[%get3A_160], %convert_element_type3A_163 masked %unique3A {add = true} : memref<10240xf32, #tpu.memory_space<vmem>>[vector<16xi32>], vector<16xf32>, vector<16xi1>
      %get3A_164 = arith.index_cast %rem3A_96 : i32 to index
      %get3A_165 = arith.index_cast %rem3A_93 : i32 to index
      %get3A_166 = arith.constant 16 : index
      %get3A_167 = tpu.vector_load %arg9[%get3A_164, %get3A_165, %get3A_166] {strides = array<i32>} : memref<2x8x128xi32, #tpu.memory_space<vmem>>, vector<16xi32>,
      %broadcast_in_dim3A_168 = arith.constant true
      %broadcast_in_dim3A_169 = vector.broadcast %broadcast_in_dim3A_168 : i1 to vector<16xi1>
      %unique3A_170, %unique3A_171 = tpu.scan_count mask(%broadcast_in_dim3A_169 : vector<16xi1>) value(%get3A_167 : vector<16xi32>) : vector<16xi1>, vector<16xi32>
      %convert_element_type3A_172 = arith.sitofp %unique3A_171 : vector<16xi32> to vector<16xf32>
      tpu.vector_store_idx %arg15[%get3A_167], %convert_element_type3A_172 masked %unique3A_170 {add = true} : memref<10240xf32, #tpu.memory_space<vmem>>[vector<16xi32>], vector<16xf32>, vector<16xi1>
      %get3A_173 = arith.index_cast %rem3A_96 : i32 to index
      %get3A_174 = arith.index_cast %rem3A_93 : i32 to index
      %get3A_175 = arith.constant 32 : index
      %get3A_176 = tpu.vector_load %arg9[%get3A_173, %get3A_174, %get3A_175] {strides = array<i32>} : memref<2x8x128xi32, #tpu.memory_space<vmem>>, vector<16xi32>,
      %broadcast_in_dim3A_177 = arith.constant true
      %broadcast_in_dim3A_178 = vector.broadcast %broadcast_in_dim3A_177 : i1 to vector<16xi1>
      %unique3A_179, %unique3A_180 = tpu.scan_count mask(%broadcast_in_dim3A_178 : vector<16xi1>) value(%get3A_176 : vector<16xi32>) : vector<16xi1>, vector<16xi32>
      %convert_element_type3A_181 = arith.sitofp %unique3A_180 : vector<16xi32> to vector<16xf32>
      tpu.vector_store_idx %arg15[%get3A_176], %convert_element_type3A_181 masked %unique3A_179 {add = true} : memref<10240xf32, #tpu.memory_space<vmem>>[vector<16xi32>], vector<16xf32>, vector<16xi1>
      %get3A_182 = arith.index_cast %rem3A_96 : i32 to index
      %get3A_183 = arith.index_cast %rem3A_93 : i32 to index
      %get3A_184 = arith.constant 48 : index
      %get3A_185 = tpu.vector_load %arg9[%get3A_182, %get3A_183, %get3A_184] {strides = array<i32>} : memref<2x8x128xi32, #tpu.memory_space<vmem>>, vector<16xi32>,
      %broadcast_in_dim3A_186 = arith.constant true
      %broadcast_in_dim3A_187 = vector.broadcast %broadcast_in_dim3A_186 : i1 to vector<16xi1>
      %unique3A_188, %unique3A_189 = tpu.scan_count mask(%broadcast_in_dim3A_187 : vector<16xi1>) value(%get3A_185 : vector<16xi32>) : vector<16xi1>, vector<16xi32>
      %convert_element_type3A_190 = arith.sitofp %unique3A_189 : vector<16xi32> to vector<16xf32>
      tpu.vector_store_idx %arg15[%get3A_185], %convert_element_type3A_190 masked %unique3A_188 {add = true} : memref<10240xf32, #tpu.memory_space<vmem>>[vector<16xi32>], vector<16xf32>, vector<16xi1>
      %get3A_191 = arith.index_cast %rem3A_96 : i32 to index
      %get3A_192 = arith.index_cast %rem3A_93 : i32 to index
      %get3A_193 = arith.constant 64 : index
      %get3A_194 = tpu.vector_load %arg9[%get3A_191, %get3A_192, %get3A_193] {strides = array<i32>} : memref<2x8x128xi32, #tpu.memory_space<vmem>>, vector<16xi32>,
      %broadcast_in_dim3A_195 = arith.constant true
      %broadcast_in_dim3A_196 = vector.broadcast %broadcast_in_dim3A_195 : i1 to vector<16xi1>
      %unique3A_197, %unique3A_198 = tpu.scan_count mask(%broadcast_in_dim3A_196 : vector<16xi1>) value(%get3A_194 : vector<16xi32>) : vector<16xi1>, vector<16xi32>
      %convert_element_type3A_199 = arith.sitofp %unique3A_198 : vector<16xi32> to vector<16xf32>
      tpu.vector_store_idx %arg15[%get3A_194], %convert_element_type3A_199 masked %unique3A_197 {add = true} : memref<10240xf32, #tpu.memory_space<vmem>>[vector<16xi32>], vector<16xf32>, vector<16xi1>
      %get3A_200 = arith.index_cast %rem3A_96 : i32 to index
      %get3A_201 = arith.index_cast %rem3A_93 : i32 to index
      %get3A_202 = arith.constant 80 : index
      %get3A_203 = tpu.vector_load %arg9[%get3A_200, %get3A_201, %get3A_202] {strides = array<i32>} : memref<2x8x128xi32, #tpu.memory_space<vmem>>, vector<16xi32>,
      %broadcast_in_dim3A_204 = arith.constant true
      %broadcast_in_dim3A_205 = vector.broadcast %broadcast_in_dim3A_204 : i1 to vector<16xi1>
      %unique3A_206, %unique3A_207 = tpu.scan_count mask(%broadcast_in_dim3A_205 : vector<16xi1>) value(%get3A_203 : vector<16xi32>) : vector<16xi1>, vector<16xi32>
      %convert_element_type3A_208 = arith.sitofp %unique3A_207 : vector<16xi32> to vector<16xf32>
      tpu.vector_store_idx %arg15[%get3A_203], %convert_element_type3A_208 masked %unique3A_206 {add = true} : memref<10240xf32, #tpu.memory_space<vmem>>[vector<16xi32>], vector<16xf32>, vector<16xi1>
      %get3A_209 = arith.index_cast %rem3A_96 : i32 to index
      %get3A_210 = arith.index_cast %rem3A_93 : i32 to index
      %get3A_211 = arith.constant 96 : index
      %get3A_212 = tpu.vector_load %arg9[%get3A_209, %get3A_210, %get3A_211] {strides = array<i32>} : memref<2x8x128xi32, #tpu.memory_space<vmem>>, vector<16xi32>,
      %broadcast_in_dim3A_213 = arith.constant true
      %broadcast_in_dim3A_214 = vector.broadcast %broadcast_in_dim3A_213 : i1 to vector<16xi1>
      %unique3A_215, %unique3A_216 = tpu.scan_count mask(%broadcast_in_dim3A_214 : vector<16xi1>) value(%get3A_212 : vector<16xi32>) : vector<16xi1>, vector<16xi32>
      %convert_element_type3A_217 = arith.sitofp %unique3A_216 : vector<16xi32> to vector<16xf32>
      tpu.vector_store_idx %arg15[%get3A_212], %convert_element_type3A_217 masked %unique3A_215 {add = true} : memref<10240xf32, #tpu.memory_space<vmem>>[vector<16xi32>], vector<16xf32>, vector<16xi1>
      %get3A_218 = arith.index_cast %rem3A_96 : i32 to index
      %get3A_219 = arith.index_cast %rem3A_93 : i32 to index
      %get3A_220 = arith.constant 112 : index
      %get3A_221 = tpu.vector_load %arg9[%get3A_218, %get3A_219, %get3A_220] {strides = array<i32>} : memref<2x8x128xi32, #tpu.memory_space<vmem>>, vector<16xi32>,
      %broadcast_in_dim3A_222 = arith.constant true
      %broadcast_in_dim3A_223 = vector.broadcast %broadcast_in_dim3A_222 : i1 to vector<16xi1>
      %unique3A_224, %unique3A_225 = tpu.scan_count mask(%broadcast_in_dim3A_223 : vector<16xi1>) value(%get3A_221 : vector<16xi32>) : vector<16xi1>, vector<16xi32>
      %convert_element_type3A_226 = arith.sitofp %unique3A_225 : vector<16xi32> to vector<16xf32>
      tpu.vector_store_idx %arg15[%get3A_221], %convert_element_type3A_226 masked %unique3A_224 {add = true} : memref<10240xf32, #tpu.memory_space<vmem>>[vector<16xi32>], vector<16xf32>, vector<16xi1>
    }
    %sub3A_58 = arith.constant 1 : i32
    %sub3A_59 = arith.subi %add3A_8, %sub3A_58 : i32
    %rem3A = arith.constant 2 : i32
    %rem3A_60 = arith.remsi %sub3A_59, %rem3A : i32
    %dma_wait3A = arith.constant 0 : i32
    %dma_wait3A_61 = arith.constant 0 : i32
    %dma_wait3A_62 = arith.constant 0 : i32
    %dma_wait3A_63 = tpu.memref_slice %arg7[%dma_wait3A, %dma_wait3A_61, %dma_wait3A_62] : memref<2x128x128xf32, #tpu.memory_space<vmem>> -> memref<1x128x128xf32, #tpu.memory_space<vmem>>
    %dma_wait3A_64 = tpu.memref_squeeze %dma_wait3A_63 : memref<1x128x128xf32, #tpu.memory_space<vmem>> -> memref<128x128xf32, #tpu.memory_space<vmem>>
    %dma_wait3A_65 = arith.constant 0 : i32
    %dma_wait3A_66 = arith.constant 0 : i32
    %dma_wait3A_67 = tpu.memref_slice %arg2[%dma_wait3A_65, %dma_wait3A_66] : memref<10240x128xf32, #tpu.memory_space<hbm>> -> memref<128x128xf32, #tpu.memory_space<hbm>>
    %dma_wait3A_68 = tpu.memref_slice %arg12[%rem3A_60] : memref<2x!tpu.dma_semaphore, #tpu.memory_space<semaphore_mem>> -> memref<1x!tpu.dma_semaphore, #tpu.memory_space<semaphore_mem>>
    %dma_wait3A_69 = tpu.memref_squeeze %dma_wait3A_68 : memref<1x!tpu.dma_semaphore, #tpu.memory_space<semaphore_mem>> -> memref<!tpu.dma_semaphore, #tpu.memory_space<semaphore_mem>>
    %dma_wait3A_70 = arith.constant 0 : i32
    %dma_wait3A_71 = arith.constant 0 : i32
    %dma_wait3A_72 = tpu.memref_slice %arg7[%dma_wait3A, %dma_wait3A_70, %dma_wait3A_71] : memref<2x128x128xf32, #tpu.memory_space<vmem>> -> memref<1x128x128xf32, #tpu.memory_space<vmem>>
    %dma_wait3A_73 = tpu.memref_squeeze %dma_wait3A_72 : memref<1x128x128xf32, #tpu.memory_space<vmem>> -> memref<128x128xf32, #tpu.memory_space<vmem>>
    %dma_wait3A_74 = arith.constant 0 : i32
    %dma_wait3A_75 = arith.constant 0 : i32
    %dma_wait3A_76 = tpu.memref_slice %arg2[%dma_wait3A_74, %dma_wait3A_75] : memref<10240x128xf32, #tpu.memory_space<hbm>> -> memref<128x128xf32, #tpu.memory_space<hbm>>
    tpu.wait_dma2 semaphore(%dma_wait3A_69 : memref<!tpu.dma_semaphore, #tpu.memory_space<semaphore_mem>>) src(%dma_wait3A_76 : memref<128x128xf32, #tpu.memory_space<hbm>>) dst(%dma_wait3A_73 : memref<128x128xf32, #tpu.memory_space<vmem>>)
    "tpu.region"() ({
      %run_scoped3A_85 = tpu.sem_alloc : memref<!tpu.dma_semaphore, #tpu.memory_space<semaphore_mem>>
      %dma_start3A_86 = arith.constant 0 : i32
      %dma_start3A_87 = tpu.memref_slice %arg5[%add3A, %dma_start3A_86] : memref<32x10240xf32, #tpu.memory_space<hbm>> -> memref<1x10240xf32, #tpu.memory_space<hbm>>
      %dma_start3A_88 = tpu.memref_squeeze %dma_start3A_87 : memref<1x10240xf32, #tpu.memory_space<hbm>> -> memref<10240xf32, #tpu.memory_space<hbm>>
      %dma_start3A_89 = arith.constant 0 : i32
      %dma_start3A_90 = tpu.memref_slice %arg5[%add3A, %dma_start3A_89] : memref<32x10240xf32, #tpu.memory_space<hbm>> -> memref<1x10240xf32, #tpu.memory_space<hbm>>
      %dma_start3A_91 = tpu.memref_squeeze %dma_start3A_90 : memref<1x10240xf32, #tpu.memory_space<hbm>> -> memref<10240xf32, #tpu.memory_space<hbm>>
      tpu.enqueue_dma source(%arg15 : memref<10240xf32, #tpu.memory_space<vmem>>) target(%dma_start3A_91 : memref<10240xf32, #tpu.memory_space<hbm>>) target_semaphore(%run_scoped3A_85 : memref<!tpu.dma_semaphore, #tpu.memory_space<semaphore_mem>>)
      %dma_wait3A_92 = arith.constant 0 : i32
      %dma_wait3A_93 = tpu.memref_slice %arg5[%add3A, %dma_wait3A_92] : memref<32x10240xf32, #tpu.memory_space<hbm>> -> memref<1x10240xf32, #tpu.memory_space<hbm>>
      %dma_wait3A_94 = tpu.memref_squeeze %dma_wait3A_93 : memref<1x10240xf32, #tpu.memory_space<hbm>> -> memref<10240xf32, #tpu.memory_space<hbm>>
      %dma_wait3A_95 = arith.constant 0 : i32
      %dma_wait3A_96 = tpu.memref_slice %arg5[%add3A, %dma_wait3A_95] : memref<32x10240xf32, #tpu.memory_space<hbm>> -> memref<1x10240xf32, #tpu.memory_space<hbm>>
      %dma_wait3A_97 = tpu.memref_squeeze %dma_wait3A_96 : memref<1x10240xf32, #tpu.memory_space<hbm>> -> memref<10240xf32, #tpu.memory_space<hbm>>
      tpu.wait_dma2 semaphore(%run_scoped3A_85 : memref<!tpu.dma_semaphore, #tpu.memory_space<semaphore_mem>>) src(%arg15 : memref<10240xf32, #tpu.memory_space<vmem>>) dst(%dma_wait3A_97 : memref<10240xf32, #tpu.memory_space<hbm>>)
      tpu.yield
    }) : () -> ()
    %barrier3A_77 = arith.constant 0 : index
    tpu.barrier barrier_id(%barrier3A_77)
    %mul3A_78 = arith.constant 625 : i32
    %mul3A_79 = arith.muli %arg1, %mul3A_78 : i32
    %mul3A_80 = arith.constant 625 : i32
    %mul3A_81 = arith.muli %arg1, %mul3A_80 : i32
    "tpu.region"() ({
      %run_scoped3A_85 = tpu.sem_alloc : memref<!tpu.dma_semaphore, #tpu.memory_space<semaphore_mem>>
      %dma_start3A_86 = arith.constant 0 : i32
      %dma_start3A_87 = tpu.memref_slice %arg4[%arg0, %mul3A_81, %dma_start3A_86] : memref<2x10240x128xf32, #tpu.memory_space<hbm>> -> memref<1x625x128xf32, #tpu.memory_space<hbm>>
      %dma_start3A_88 = tpu.memref_squeeze %dma_start3A_87 : memref<1x625x128xf32, #tpu.memory_space<hbm>> -> memref<625x128xf32, #tpu.memory_space<hbm>>
      %dma_start3A_89 = arith.constant 0 : i32
      %dma_start3A_90 = tpu.memref_slice %arg6[%mul3A_79, %dma_start3A_89] : memref<10016x128xf32, #tpu.memory_space<vmem_shared>> -> memref<625x128xf32, #tpu.memory_space<vmem_shared>>
      tpu.enqueue_dma source(%dma_start3A_90 : memref<625x128xf32, #tpu.memory_space<vmem_shared>>) target(%dma_start3A_88 : memref<625x128xf32, #tpu.memory_space<hbm>>) target_semaphore(%run_scoped3A_85 : memref<!tpu.dma_semaphore, #tpu.memory_space<semaphore_mem>>)
      %dma_wait3A_91 = arith.constant 0 : i32
      %dma_wait3A_92 = tpu.memref_slice %arg4[%arg0, %mul3A_81, %dma_wait3A_91] : memref<2x10240x128xf32, #tpu.memory_space<hbm>> -> memref<1x625x128xf32, #tpu.memory_space<hbm>>
      %dma_wait3A_93 = tpu.memref_squeeze %dma_wait3A_92 : memref<1x625x128xf32, #tpu.memory_space<hbm>> -> memref<625x128xf32, #tpu.memory_space<hbm>>
      %dma_wait3A_94 = arith.constant 0 : i32
      %dma_wait3A_95 = tpu.memref_slice %arg6[%mul3A_79, %dma_wait3A_94] : memref<10016x128xf32, #tpu.memory_space<vmem_shared>> -> memref<625x128xf32, #tpu.memory_space<vmem_shared>>
      tpu.wait_dma2 semaphore(%run_scoped3A_85 : memref<!tpu.dma_semaphore, #tpu.memory_space<semaphore_mem>>) src(%dma_wait3A_95 : memref<625x128xf32, #tpu.memory_space<vmem_shared>>) dst(%dma_wait3A_93 : memref<625x128xf32, #tpu.memory_space<hbm>>)
      tpu.yield
    }) : () -> ()
    %lt3A_82 = arith.constant 15 : i32
    %lt3A_83 = arith.cmpi slt, %arg1, %lt3A_82 : i32
    %convert_element_type3A = arith.extui %lt3A_83 : i1 to i32
    %cond3A = arith.constant 0 : i32
    %cond3A_84 = arith.cmpi ne, %convert_element_type3A, %cond3A : i32
    scf.if %cond3A_84 {
      %mul3A_85 = arith.constant 16 : i32
      %mul3A_86 = arith.muli %arg1, %mul3A_85 : i32
      %add3A_87 = arith.constant 10000 : i32
      %add3A_88 = arith.addi %add3A_87, %mul3A_86 : i32
      "tpu.region"() ({
        %run_scoped3A_89 = tpu.sem_alloc : memref<!tpu.dma_semaphore, #tpu.memory_space<semaphore_mem>>
        %dma_start3A_90 = arith.constant 0 : i32
        %dma_start3A_91 = tpu.memref_slice %arg4[%arg0, %add3A_88, %dma_start3A_90] : memref<2x10240x128xf32, #tpu.memory_space<hbm>> -> memref<1x16x128xf32, #tpu.memory_space<hbm>>
        %dma_start3A_92 = tpu.memref_squeeze %dma_start3A_91 : memref<1x16x128xf32, #tpu.memory_space<hbm>> -> memref<16x128xf32, #tpu.memory_space<hbm>>
        %dma_start3A_93 = arith.constant 0 : i32
        %dma_start3A_94 = tpu.memref_slice %arg4[%arg0, %add3A_88, %dma_start3A_93] : memref<2x10240x128xf32, #tpu.memory_space<hbm>> -> memref<1x16x128xf32, #tpu.memory_space<hbm>>
        %dma_start3A_95 = tpu.memref_squeeze %dma_start3A_94 : memref<1x16x128xf32, #tpu.memory_space<hbm>> -> memref<16x128xf32, #tpu.memory_space<hbm>>
        tpu.enqueue_dma source(%arg10 : memref<16x128xf32, #tpu.memory_space<vmem>>) target(%dma_start3A_95 : memref<16x128xf32, #tpu.memory_space<hbm>>) target_semaphore(%run_scoped3A_89 : memref<!tpu.dma_semaphore, #tpu.memory_space<semaphore_mem>>)
        %dma_wait3A_96 = arith.constant 0 : i32
        %dma_wait3A_97 = tpu.memref_slice %arg4[%arg0, %add3A_88, %dma_wait3A_96] : memref<2x10240x128xf32, #tpu.memory_space<hbm>> -> memref<1x16x128xf32, #tpu.memory_space<hbm>>
        %dma_wait3A_98 = tpu.memref_squeeze %dma_wait3A_97 : memref<1x16x128xf32, #tpu.memory_space<hbm>> -> memref<16x128xf32, #tpu.memory_space<hbm>>
        %dma_wait3A_99 = arith.constant 0 : i32
        %dma_wait3A_100 = tpu.memref_slice %arg4[%arg0, %add3A_88, %dma_wait3A_99] : memref<2x10240x128xf32, #tpu.memory_space<hbm>> -> memref<1x16x128xf32, #tpu.memory_space<hbm>>
        %dma_wait3A_101 = tpu.memref_squeeze %dma_wait3A_100 : memref<1x16x128xf32, #tpu.memory_space<hbm>> -> memref<16x128xf32, #tpu.memory_space<hbm>>
        tpu.wait_dma2 semaphore(%run_scoped3A_89 : memref<!tpu.dma_semaphore, #tpu.memory_space<semaphore_mem>>) src(%arg10 : memref<16x128xf32, #tpu.memory_space<vmem>>) dst(%dma_wait3A_101 : memref<16x128xf32, #tpu.memory_space<hbm>>)
        tpu.yield
      }) : () -> ()
    } else {
    }
    return
  }
}

module attributes {stable_mosaic.version = 14 : i64} {
  func.func @body(%arg0: i32, %arg1: memref<1280x128xf32, #tpu.memory_space<vmem>>, %arg2: memref<128x128xf32, #tpu.memory_space<vmem>>, %arg3: memref<1x128xf32, #tpu.memory_space<vmem>>, %arg4: memref<1280x128xf32, #tpu.memory_space<vmem>>) attributes {dimension_semantics = [#tpu.dimension_semantics<arbitrary>], iteration_bounds = array<i64: 8>, scalar_prefetch = 0 : i64, scratch_operands = 0 : i64, tpu.core_type = #tpu.core_type<tc>, window_params = [{transform_indices = @transform_0, window_bounds = array<i64: 1280, 128>}, {pipeline_mode = #tpu.pipeline_mode<synchronous>, transform_indices = @transform_1, window_bounds = array<i64: 128, 128>}, {pipeline_mode = #tpu.pipeline_mode<synchronous>, transform_indices = @transform_2, window_bounds = array<i64: 1, 128>}, {transform_indices = @transform_3, window_bounds = array<i64: 1280, 128>}]} {
    %get3A = arith.constant 0 : index
    %get3A_0 = arith.constant 0 : index
    %get3A_1 = vector.load %arg1[%get3A, %get3A_0] : memref<1280x128xf32, #tpu.memory_space<vmem>>, vector<1280x128xf32>
    %get3A_2 = arith.constant 0 : index
    %get3A_3 = arith.constant 0 : index
    %get3A_4 = vector.load %arg2[%get3A_2, %get3A_3] : memref<128x128xf32, #tpu.memory_space<vmem>>, vector<128x128xf32>
    %dot_general3A = arith.constant dense<0.000000e+00> : vector<1280x128xf32>
    %dot_general3A_5 = tpu.matmul %get3A_1, %get3A_4, %dot_general3A {dimension_numbers = #tpu.dot_dimension_numbers<[1], [1], [0], [0], [0, 0, 1, 0], [], []>, transpose_lhs_hint = false} : vector<1280x128xf32>, vector<128x128xf32>, vector<1280x128xf32> -> vector<1280x128xf32>
    %get3A_6 = arith.constant 0 : index
    %get3A_7 = arith.constant 0 : index
    %get3A_8 = vector.load %arg3[%get3A_6, %get3A_7] : memref<1x128xf32, #tpu.memory_space<vmem>>, vector<1x128xf32>
    %add3A = vector.broadcast %get3A_8 : vector<1x128xf32> to vector<1280x128xf32>
    %add3A_9 = arith.addf %dot_general3A_5, %add3A : vector<1280x128xf32>
    %swap3A = arith.constant 0 : index
    %swap3A_10 = arith.constant 0 : index
    %swap3A_11 = vector.load %arg4[%swap3A, %swap3A_10] : memref<1280x128xf32, #tpu.memory_space<vmem>>, vector<1280x128xf32>
    tpu.vector_store %arg4[%swap3A, %swap3A_10], %add3A_9 {strides = array<i32>} : memref<1280x128xf32, #tpu.memory_space<vmem>>, vector<1280x128xf32>,
    return
  }
  func.func @transform_0(%arg0: i32) -> (i32, i32) {
    %c0_i32 = arith.constant 0 : i32
    %c0_i32_0 = arith.constant 0 : i32
    return %arg0, %c0_i32 : i32, i32
  }
  func.func @transform_1(%arg0: i32) -> (i32, i32) {
    %c0_i32 = arith.constant 0 : i32
    %c0_i32_0 = arith.constant 0 : i32
    %c0_i32_1 = arith.constant 0 : i32
    return %c0_i32, %c0_i32_0 : i32, i32
  }
  func.func @transform_2(%arg0: i32) -> (i32, i32) {
    %c0_i32 = arith.constant 0 : i32
    %c0_i32_0 = arith.constant 0 : i32
    %c0_i32_1 = arith.constant 0 : i32
    return %c0_i32, %c0_i32_0 : i32, i32
  }
  func.func @transform_3(%arg0: i32) -> (i32, i32) {
    %c0_i32 = arith.constant 0 : i32
    %c0_i32_0 = arith.constant 0 : i32
    return %arg0, %c0_i32 : i32, i32
  }
}

module attributes {stable_mosaic.version = 14 : i64} {
  func.func @body(%arg0: i32, %arg1: memref<2x1280x128xf32, #tpu.memory_space<vmem>>, %arg2: memref<1280x1xf32, #tpu.memory_space<vmem>>, %arg3: memref<1280x128xf32, #tpu.memory_space<vmem>>, %arg4: memref<128x128xf32, #tpu.memory_space<vmem>>, %arg5: memref<1x128xf32, #tpu.memory_space<vmem>>, %arg6: memref<1x1xf32, #tpu.memory_space<smem>>, %arg7: memref<1280x1xf32, #tpu.memory_space<vmem>>, %arg8: memref<1280x128xf32, #tpu.memory_space<vmem>>) attributes {dimension_semantics = [#tpu.dimension_semantics<arbitrary>], iteration_bounds = array<i64: 8>, scalar_prefetch = 0 : i64, scratch_operands = 0 : i64, tpu.core_type = #tpu.core_type<tc>, window_params = [{transform_indices = @transform_0, window_bounds = array<i64: 2, 1280, 128>}, {transform_indices = @transform_1, window_bounds = array<i64: 1280, 1>}, {transform_indices = @transform_2, window_bounds = array<i64: 1280, 128>}, {pipeline_mode = #tpu.pipeline_mode<synchronous>, transform_indices = @transform_3, window_bounds = array<i64: 128, 128>}, {pipeline_mode = #tpu.pipeline_mode<synchronous>, transform_indices = @transform_4, window_bounds = array<i64: 1, 128>}, {transform_indices = @transform_5, window_bounds = array<i64: 1, 1>}, {transform_indices = @transform_6, window_bounds = array<i64: 1280, 1>}, {transform_indices = @transform_7, window_bounds = array<i64: 1280, 128>}]} {
    %get3A = arith.constant 0 : index
    %get3A_0 = arith.constant 0 : index
    %get3A_1 = arith.constant 0 : index
    %get3A_2 = vector.load %arg1[%get3A, %get3A_0, %get3A_1] : memref<2x1280x128xf32, #tpu.memory_space<vmem>>, vector<1x1280x128xf32>
    %get3A_3 = vector.shape_cast %get3A_2 : vector<1x1280x128xf32> to vector<1280x128xf32>
    %get3A_4 = arith.constant 1 : index
    %get3A_5 = arith.constant 0 : index
    %get3A_6 = arith.constant 0 : index
    %get3A_7 = vector.load %arg1[%get3A_4, %get3A_5, %get3A_6] : memref<2x1280x128xf32, #tpu.memory_space<vmem>>, vector<1x1280x128xf32>
    %get3A_8 = vector.shape_cast %get3A_7 : vector<1x1280x128xf32> to vector<1280x128xf32>
    %add3A = arith.addf %get3A_3, %get3A_8 : vector<1280x128xf32>
    %get3A_9 = arith.constant 0 : index
    %get3A_10 = arith.constant 0 : index
    %get3A_11 = vector.load %arg2[%get3A_9, %get3A_10] : memref<1280x1xf32, #tpu.memory_space<vmem>>, vector<1280x1xf32>
    %mul3A = vector.broadcast %get3A_11 : vector<1280x1xf32> to vector<1280x128xf32>
    %mul3A_12 = arith.mulf %add3A, %mul3A : vector<1280x128xf32>
    %get3A_13 = arith.constant 0 : index
    %get3A_14 = arith.constant 0 : index
    %get3A_15 = vector.load %arg4[%get3A_13, %get3A_14] : memref<128x128xf32, #tpu.memory_space<vmem>>, vector<128x128xf32>
    %dot_general3A = arith.constant dense<0.000000e+00> : vector<1280x128xf32>
    %dot_general3A_16 = tpu.matmul %mul3A_12, %get3A_15, %dot_general3A {dimension_numbers = #tpu.dot_dimension_numbers<[1], [1], [0], [0], [0, 0, 1, 0], [], []>, transpose_lhs_hint = false} : vector<1280x128xf32>, vector<128x128xf32>, vector<1280x128xf32> -> vector<1280x128xf32>
    %get3A_17 = arith.constant 0 : index
    %get3A_18 = arith.constant 0 : index
    %get3A_19 = vector.load %arg3[%get3A_17, %get3A_18] : memref<1280x128xf32, #tpu.memory_space<vmem>>, vector<1280x128xf32>
    %add3A_20 = arith.addf %dot_general3A_16, %get3A_19 : vector<1280x128xf32>
    %max3A = arith.constant 0.000000e+00 : f32
    %max3A_21 = vector.broadcast %max3A : f32 to vector<1280x128xf32>
    %max3A_22 = arith.maximumf %add3A_20, %max3A_21 : vector<1280x128xf32>
    %swap3A = arith.constant 0 : index
    %swap3A_23 = arith.constant 0 : index
    %swap3A_24 = vector.load %arg8[%swap3A, %swap3A_23] : memref<1280x128xf32, #tpu.memory_space<vmem>>, vector<1280x128xf32>
    tpu.vector_store %arg8[%swap3A, %swap3A_23], %max3A_22 {strides = array<i32>} : memref<1280x128xf32, #tpu.memory_space<vmem>>, vector<1280x128xf32>,
    %get3A_25 = arith.constant 0 : index
    %get3A_26 = arith.constant 0 : index
    %get3A_27 = vector.load %arg5[%get3A_25, %get3A_26] : memref<1x128xf32, #tpu.memory_space<vmem>>, vector<1x128xf32>
    %mul3A_28 = vector.broadcast %get3A_27 : vector<1x128xf32> to vector<1280x128xf32>
    %mul3A_29 = arith.mulf %max3A_22, %mul3A_28 : vector<1280x128xf32>
    %reduce_sum3A = arith.constant dense<0.000000e+00> : vector<1280xf32>
    %reduce_sum3A_30 = vector.multi_reduction <add>, %mul3A_29, %reduce_sum3A [1] : vector<1280x128xf32> to vector<1280xf32>
    %broadcast_in_dim3A = vector.shape_cast %reduce_sum3A_30 : vector<1280xf32> to vector<1280x1xf32>
    %get3A_31 = arith.constant 0 : index
    %get3A_32 = arith.constant 0 : index
    %get3A_33 = memref.load %arg6[%get3A_31, %get3A_32] : memref<1x1xf32, #tpu.memory_space<smem>>
    %add3A_34 = vector.broadcast %get3A_33 : f32 to vector<1280x1xf32>
    %add3A_35 = arith.addf %broadcast_in_dim3A, %add3A_34 : vector<1280x1xf32>
    %swap3A_36 = arith.constant 0 : index
    %swap3A_37 = arith.constant 0 : index
    %swap3A_38 = vector.load %arg7[%swap3A_36, %swap3A_37] : memref<1280x1xf32, #tpu.memory_space<vmem>>, vector<1280x1xf32>
    tpu.vector_store %arg7[%swap3A_36, %swap3A_37], %add3A_35 {strides = array<i32>} : memref<1280x1xf32, #tpu.memory_space<vmem>>, vector<1280x1xf32>,
    return
  }
  func.func @transform_0(%arg0: i32) -> (i32, i32, i32) {
    %c0_i32 = arith.constant 0 : i32
    %c0_i32_0 = arith.constant 0 : i32
    %c0_i32_1 = arith.constant 0 : i32
    return %c0_i32, %arg0, %c0_i32_0 : i32, i32, i32
  }
  func.func @transform_1(%arg0: i32) -> (i32, i32) {
    %c0_i32 = arith.constant 0 : i32
    %c0_i32_0 = arith.constant 0 : i32
    return %arg0, %c0_i32 : i32, i32
  }
  func.func @transform_2(%arg0: i32) -> (i32, i32) {
    %c0_i32 = arith.constant 0 : i32
    %c0_i32_0 = arith.constant 0 : i32
    return %arg0, %c0_i32 : i32, i32
  }
  func.func @transform_3(%arg0: i32) -> (i32, i32) {
    %c0_i32 = arith.constant 0 : i32
    %c0_i32_0 = arith.constant 0 : i32
    %c0_i32_1 = arith.constant 0 : i32
    return %c0_i32, %c0_i32_0 : i32, i32
  }
  func.func @transform_4(%arg0: i32) -> (i32, i32) {
    %c0_i32 = arith.constant 0 : i32
    %c0_i32_0 = arith.constant 0 : i32
    %c0_i32_1 = arith.constant 0 : i32
    return %c0_i32, %c0_i32_0 : i32, i32
  }
  func.func @transform_5(%arg0: i32) -> (i32, i32) {
    %c0_i32 = arith.constant 0 : i32
    %c0_i32_0 = arith.constant 0 : i32
    %c0_i32_1 = arith.constant 0 : i32
    return %c0_i32, %c0_i32_0 : i32, i32
  }
  func.func @transform_6(%arg0: i32) -> (i32, i32) {
    %c0_i32 = arith.constant 0 : i32
    %c0_i32_0 = arith.constant 0 : i32
    return %arg0, %c0_i32 : i32, i32
  }
  func.func @transform_7(%arg0: i32) -> (i32, i32) {
    %c0_i32 = arith.constant 0 : i32
    %c0_i32_0 = arith.constant 0 : i32
    return %arg0, %c0_i32 : i32, i32
  }
}

module attributes {stable_mosaic.version = 14 : i64} {
  func.func @body(%arg0: i32, %arg1: memref<2x1280x128xf32, #tpu.memory_space<vmem>>, %arg2: memref<32x1280xf32, #tpu.memory_space<vmem>>, %arg3: memref<1280x128xf32, #tpu.memory_space<vmem>>, %arg4: memref<128x128xf32, #tpu.memory_space<vmem>>, %arg5: memref<1280x128xf32, #tpu.memory_space<vmem>>, %arg6: memref<1280x1xf32, #tpu.memory_space<vmem>>) attributes {dimension_semantics = [#tpu.dimension_semantics<arbitrary>], iteration_bounds = array<i64: 8>, scalar_prefetch = 0 : i64, scratch_operands = 0 : i64, tpu.core_type = #tpu.core_type<tc>, window_params = [{transform_indices = @transform_0, window_bounds = array<i64: 2, 1280, 128>}, {transform_indices = @transform_1, window_bounds = array<i64: 32, 1280>}, {transform_indices = @transform_2, window_bounds = array<i64: 1280, 128>}, {pipeline_mode = #tpu.pipeline_mode<synchronous>, transform_indices = @transform_3, window_bounds = array<i64: 128, 128>}, {transform_indices = @transform_4, window_bounds = array<i64: 1280, 128>}, {transform_indices = @transform_5, window_bounds = array<i64: 1280, 1>}]} {
    %get3A = arith.constant 0 : index
    %get3A_0 = arith.constant 0 : index
    %get3A_1 = arith.constant 0 : index
    %get3A_2 = vector.load %arg1[%get3A, %get3A_0, %get3A_1] : memref<2x1280x128xf32, #tpu.memory_space<vmem>>, vector<1x1280x128xf32>
    %get3A_3 = vector.shape_cast %get3A_2 : vector<1x1280x128xf32> to vector<1280x128xf32>
    %get3A_4 = arith.constant 1 : index
    %get3A_5 = arith.constant 0 : index
    %get3A_6 = arith.constant 0 : index
    %get3A_7 = vector.load %arg1[%get3A_4, %get3A_5, %get3A_6] : memref<2x1280x128xf32, #tpu.memory_space<vmem>>, vector<1x1280x128xf32>
    %get3A_8 = vector.shape_cast %get3A_7 : vector<1x1280x128xf32> to vector<1280x128xf32>
    %add3A = arith.addf %get3A_3, %get3A_8 : vector<1280x128xf32>
    %get3A_9 = arith.constant 0 : index
    %get3A_10 = arith.constant 0 : index
    %get3A_11 = vector.load %arg2[%get3A_9, %get3A_10] : memref<32x1280xf32, #tpu.memory_space<vmem>>, vector<32x1280xf32>
    %reduce_sum3A = arith.constant dense<0.000000e+00> : vector<1280xf32>
    %reduce_sum3A_12 = vector.multi_reduction <add>, %get3A_11, %reduce_sum3A [0] : vector<32x1280xf32> to vector<1280xf32>
    %max3A = arith.constant 1.000000e+00 : f32
    %max3A_13 = vector.broadcast %max3A : f32 to vector<1280xf32>
    %max3A_14 = arith.maximumf %reduce_sum3A_12, %max3A_13 : vector<1280xf32>
    %div3A = arith.constant 1.000000e+00 : f32
    %div3A_15 = vector.broadcast %div3A : f32 to vector<1280xf32>
    %div3A_16 = arith.divf %div3A_15, %max3A_14 : vector<1280xf32>
    %broadcast_in_dim3A = vector.shape_cast %div3A_16 : vector<1280xf32> to vector<1280x1xf32>
    %mul3A = vector.broadcast %broadcast_in_dim3A : vector<1280x1xf32> to vector<1280x128xf32>
    %mul3A_17 = arith.mulf %add3A, %mul3A : vector<1280x128xf32>
    %get3A_18 = arith.constant 0 : index
    %get3A_19 = arith.constant 0 : index
    %get3A_20 = vector.load %arg4[%get3A_18, %get3A_19] : memref<128x128xf32, #tpu.memory_space<vmem>>, vector<128x128xf32>
    %dot_general3A = arith.constant dense<0.000000e+00> : vector<1280x128xf32>
    %dot_general3A_21 = tpu.matmul %mul3A_17, %get3A_20, %dot_general3A {dimension_numbers = #tpu.dot_dimension_numbers<[1], [1], [0], [0], [0, 0, 1, 0], [], []>, transpose_lhs_hint = false} : vector<1280x128xf32>, vector<128x128xf32>, vector<1280x128xf32> -> vector<1280x128xf32>
    %get3A_22 = arith.constant 0 : index
    %get3A_23 = arith.constant 0 : index
    %get3A_24 = vector.load %arg3[%get3A_22, %get3A_23] : memref<1280x128xf32, #tpu.memory_space<vmem>>, vector<1280x128xf32>
    %add3A_25 = arith.addf %dot_general3A_21, %get3A_24 : vector<1280x128xf32>
    %max3A_26 = arith.constant 0.000000e+00 : f32
    %max3A_27 = vector.broadcast %max3A_26 : f32 to vector<1280x128xf32>
    %max3A_28 = arith.maximumf %add3A_25, %max3A_27 : vector<1280x128xf32>
    %swap3A = arith.constant 0 : index
    %swap3A_29 = arith.constant 0 : index
    %swap3A_30 = vector.load %arg5[%swap3A, %swap3A_29] : memref<1280x128xf32, #tpu.memory_space<vmem>>, vector<1280x128xf32>
    tpu.vector_store %arg5[%swap3A, %swap3A_29], %max3A_28 {strides = array<i32>} : memref<1280x128xf32, #tpu.memory_space<vmem>>, vector<1280x128xf32>,
    %swap3A_31 = arith.constant 0 : index
    %swap3A_32 = arith.constant 0 : index
    %swap3A_33 = vector.load %arg6[%swap3A_31, %swap3A_32] : memref<1280x1xf32, #tpu.memory_space<vmem>>, vector<1280x1xf32>
    tpu.vector_store %arg6[%swap3A_31, %swap3A_32], %broadcast_in_dim3A {strides = array<i32>} : memref<1280x1xf32, #tpu.memory_space<vmem>>, vector<1280x1xf32>,
    return
  }
  func.func @transform_0(%arg0: i32) -> (i32, i32, i32) {
    %c0_i32 = arith.constant 0 : i32
    %c0_i32_0 = arith.constant 0 : i32
    %c0_i32_1 = arith.constant 0 : i32
    return %c0_i32, %arg0, %c0_i32_0 : i32, i32, i32
  }
  func.func @transform_1(%arg0: i32) -> (i32, i32) {
    %c0_i32 = arith.constant 0 : i32
    %c0_i32_0 = arith.constant 0 : i32
    return %c0_i32, %arg0 : i32, i32
  }
  func.func @transform_2(%arg0: i32) -> (i32, i32) {
    %c0_i32 = arith.constant 0 : i32
    %c0_i32_0 = arith.constant 0 : i32
    return %arg0, %c0_i32 : i32, i32
  }
  func.func @transform_3(%arg0: i32) -> (i32, i32) {
    %c0_i32 = arith.constant 0 : i32
    %c0_i32_0 = arith.constant 0 : i32
    %c0_i32_1 = arith.constant 0 : i32
    return %c0_i32, %c0_i32_0 : i32, i32
  }
  func.func @transform_4(%arg0: i32) -> (i32, i32) {
    %c0_i32 = arith.constant 0 : i32
    %c0_i32_0 = arith.constant 0 : i32
    return %arg0, %c0_i32 : i32, i32
  }
  func.func @transform_5(%arg0: i32) -> (i32, i32) {
    %c0_i32 = arith.constant 0 : i32
    %c0_i32_0 = arith.constant 0 : i32
    return %arg0, %c0_i32 : i32, i32
  }
}

</mosaic_0001>

<sc_bundles>
// kernel: kernel.11.cloned.1.call-start
scs
__scs_entry_jumppad:
0x0: {  	(pc) =	sbr.rel $0x88, $3  }
0x1: {  	(tag) =	ssettag $0x0;
	lr =	simm.s32 $0x1  }
0x2: {  	[smem:$0x3F97] =	sst lr;
	_ =	strace $0xD0000000  }
0x3: {  	_ = 	snop  }
0x4: {  	_ = 	snop  }
0x5: {  	_ = 	snop  }
0x6: {  	_ = 	snop  }
0x7: {  	_ = 	snop  }
__scs_overlays_trampoline_lowered:
0x8: {  	[smem:$0x3FA6] =	sst s0  }
0x9: {  	[smem:$0x3FA7] =	sst s1  }
0xa: {  	[smem:$0x3FA8] =	sst s2  }
0xb: {  	[smem:$0x3FA9] =	sst s3  }
0xc: {  	[smem:$0x3FAA] =	sst s4  }
0xd: {  	[smem:$0x3FAB] =	sst s5  }
0xe: {  	[smem:$0x3FAC] =	sst s6  }
0xf: {  	[smem:$0x3FAD] =	sst s7  }
0x10: {  	[smem:$0x3FAE] =	sst s8  }
0x11: {  	[smem:$0x3FAF] =	sst s9;
	s0 =	simm.s32 @!p0 $0x0  }
0x12: {  	s1 =	sld [smem:$0x3F95];
	s0 =	simm.s32 @p0 $0x1  }
0x13: {  	[smem:$0x3FB0] =	sst s0;
	s0 =	simm.s32 @!p1 $0x0  }
0x14: {  	s2 =	sld [smem:$0x3F94];
	s0 =	simm.s32 @p1 $0x1  }
0x15: {  	[smem:$0x3FB1] =	sst s0;
	s0 =	simm.s32 @!p2 $0x0  }
0x16: {  	s3 =	sld [smem:$0x3FDB];
	s0 =	simm.s32 @p2 $0x1  }
0x17: {  	s4 =	simm.s32 $0x1BF5;
	[smem:$0x3FB3] =	sst s0  }
0x18: {  	s0 =	sld [smem:$0x3F96];
	_ =	swait.ge [sflag:s4], $0x0  }
0x19: {  	s7 =	sld [smem:$0x3F97]  }
0x1a: {  	s8 =	sadd.s32 $0xFFFFE003, lr  }
0x1b: {  	s9 =	sadd.s32 $0xFFFFFEF7, lr;
	s5 =	simm.s32 $0xFFFFFFFF;
	p2 =	slt.u32 s8, $0xFFFFF086  }
0x1c: {  	p1 =	slt.u32 s9, $0xF7A;
	s5 =	simm.s32 @!p2 $0x0  }
0x1d: {  	s5 =	simm.s32 @p1 $0x1;
	p0 =	seq.s32 s7, s2  }
0x1e: {  	s7 =	smul.u32 @!p0 $0xF7A, s2;
	p2 =	seq.s32 @!p0 s5, $0x0  }
0x1f: {  	s9 =	smul.u32 $0xF7A, s1;
	s8 =	simm.s32 @!p0 $0x1BF5;
	p2 =	por !p2, p0  }
0x20: {  	[sflag:s8] =	ssyncset.s32 @!p0 $0xFFFFF086;
	s6 =	sadd.s32 @!p0 s3, s7;
	s7 =	simm.s32 @!p0 $0x108  }
0x21: {  	s3 =	sadd.s32 s3, s9;
	s6 =	sadd.s32 @!p0 $0x88, s6;
	s7 =	simm.s32 @p2 $0x1082  }
0x22: {  	[simem:s7], [sflag:s8] =	dma.local @!p0 [hbm:s6], $0xF7A  }
0x23: {  	s9 =	sor.u32 $0xD0000000, s2;
	s6 =	simm.s32 $0x108;
	_ =	swait.ge @!p0 [sflag:s8], $0x0  }
0x24: {  	s3 =	sadd.s32 $0x88, s3;
	s6 =	simm.s32 @!p1 $0x1082;
	[sflag:s4] =	ssyncset.s32 $0xFFFFF086  }
0x25: {  	[simem:s6], [sflag:s4] =	dma.local [hbm:s3], $0xF7A  }
0x26: {  	[smem:$0x3F97] =	sst s1;
	(tag) =	ssettag s2;
	_ =	strace s9  }
0x27: {  	s1 =	sld [smem:$0x3FA7]  }
0x28: {  	s2 =	sld [smem:$0x3FA8]  }
0x29: {  	s4 =	sld [smem:$0x3FAA]  }
0x2a: {  	p0 =	seq.s32 s5, $0x0;
	s5 =	sld [smem:$0x3FAB]  }
0x2b: {  	s6 =	sld [smem:$0x3FAC]  }
0x2c: {  	s7 =	sld [smem:$0x3FAD]  }
0x2d: {  	s3 =	simm.s32 $0x108;
	s8 =	sld [smem:$0x3FAE]  }
0x2e: {  	s3 =	simm.s32 @!p0 $0x1082;
	s9 =	sld [smem:$0x3FAF]  }
0x2f: {  	lr =	sadd.s32 s0, s3;
	s0 =	sld [smem:$0x3FA6]  }
0x30: {  	s3 =	sld [smem:$0x3FA9]  }
0x31: {  	[smem:$0x3FB2] =	sst s10  }
0x32: {  	s10 =	sld [smem:$0x3FB0];
	_ =	sdelay $0x3  }
0x33: {  	p0 =	seq.s32 s10, $0x1;
	s10 =	sld [smem:$0x3FB2];
	_ =	sdelay $0x3  }
0x34: {  	[smem:$0x3FB2] =	sst s10  }
0x35: {  	s10 =	sld [smem:$0x3FB1];
	_ =	sdelay $0x3  }
0x36: {  	p1 =	seq.s32 s10, $0x1;
	s10 =	sld [smem:$0x3FB2];
	_ =	sdelay $0x3  }
0x37: {  	[smem:$0x3FB2] =	sst s10  }
0x38: {  	s10 =	sld [smem:$0x3FB3]  }
0x39: {  	_ = 	snop;
	(pc) =	sbr.ind lr, $3  }
0x3a: {  	_ = 	snop  }
0x3b: {  	_ = 	snop  }
0x3c: {  	p2 =	seq.s32 s10, $0x1;
	s10 =	sld [smem:$0x3FB2]  }
0x3d: {  	_ =	shalt  }
0x3e: {  	_ =	shalt  }
0x3f: {  	_ =	shalt  }
0x40: {  	_ =	shalt  }
0x41: {  	_ =	shalt  }
0x42: {  	_ =	shalt  }
0x43: {  	_ =	shalt  }
0x44: {  	_ =	shalt  }
0x45: {  	_ =	shalt  }
0x46: {  	_ =	shalt  }
0x47: {  	_ =	shalt  }
0x48: {  	_ =	shalt  }
0x49: {  	_ =	shalt  }
0x4a: {  	_ =	shalt  }
0x4b: {  	_ =	shalt  }
0x4c: {  	_ =	shalt  }
0x4d: {  	_ =	shalt  }
0x4e: {  	_ =	shalt  }
0x4f: {  	_ =	shalt  }
0x50: {  	_ =	shalt  }
0x51: {  	_ =	shalt  }
0x52: {  	_ =	shalt  }
0x53: {  	_ =	shalt  }
0x54: {  	_ =	shalt  }
0x55: {  	_ =	shalt  }
0x56: {  	_ =	shalt  }
0x57: {  	_ =	shalt  }
0x58: {  	_ =	shalt  }
0x59: {  	_ =	shalt  }
0x5a: {  	_ =	shalt  }
0x5b: {  	_ =	shalt  }
0x5c: {  	_ =	shalt  }
0x5d: {  	_ =	shalt  }
0x5e: {  	_ =	shalt  }
0x5f: {  	_ =	shalt  }
0x60: {  	_ =	shalt  }
0x61: {  	_ =	shalt  }
0x62: {  	_ =	shalt  }
0x63: {  	_ =	shalt  }
0x64: {  	_ =	shalt  }
0x65: {  	_ =	shalt  }
0x66: {  	_ =	shalt  }
0x67: {  	_ =	shalt  }
0x68: {  	_ =	shalt  }
0x69: {  	_ =	shalt  }
0x6a: {  	_ =	shalt  }
0x6b: {  	_ =	shalt  }
0x6c: {  	_ =	shalt  }
0x6d: {  	_ =	shalt  }
0x6e: {  	_ =	shalt  }
0x6f: {  	_ =	shalt  }
0x70: {  	_ =	shalt  }
0x71: {  	_ =	shalt  }
0x72: {  	_ =	shalt  }
0x73: {  	_ =	shalt  }
0x74: {  	_ =	shalt  }
0x75: {  	_ =	shalt  }
0x76: {  	_ =	shalt  }
0x77: {  	_ =	shalt  }
0x78: {  	_ =	shalt  }
0x79: {  	_ =	shalt  }
0x7a: {  	_ =	shalt  }
0x7b: {  	_ =	shalt  }
0x7c: {  	_ =	shalt  }
0x7d: {  	_ =	shalt  }
0x7e: {  	_ =	shalt  }
0x7f: {  	_ =	shalt  }
0x80: {  	_ =	shalt  }
0x81: {  	_ =	shalt  }
0x82: {  	_ =	shalt  }
0x83: {  	_ =	shalt  }
0x84: {  	_ =	shalt  }
0x85: {  	_ =	shalt  }
0x86: {  	_ =	shalt  }
0x87: {  	_ =	shalt  }
.Lfunc_end0:
.L_simem_size_0:
called_computation.1_lowered:
.L_overlay_start_0:
0x88: {  	s2 =	sld [smem:$0x3FD9]  }
0x89: {  	s3 =	sld [smem:$0x3FFE];
	_ =	sdelay $0x1  }
0x8a: {  	s1 =	srdreg.scid  }
0x8b: {  	s0 =	sand.u32 $0x1, s1  }
0x8c: {  	s14 =	sshll.u32 s0, $0xA;
	s2 =	sadd.s32 s3, s2  }
0x8d: {  	s2 =	sadd.s32 s2, s14  }
0x8e: {  	[smem:$0x3FBE] =	sst s2  }
0x8f: {  	_ = 	snop  }
0x90: {  	s2 =	sld [smem:$0x3FD0];
	_ =	sdelay $0x2  }
0x91: {  	s15 =	simm.s32 $0xA;
	s4 =	simm.s32 $0x10  }
0x92: {  	[smem:s4], [sflag:s15] =	dma.local [hbm:s2], $0x1  }
0x93: {  	_ =	swait.eq [sflag:s15], $0x1  }
0x94: {  	[sflag:s15] =	ssyncset.done $0x0  }
0x95: {  	[sflag:s15] =	ssyncadd.s32 $0xFFFFFFFF  }
0x96: {  	s16 =	sld [smem:$0x11];
	(tm) =	ssettm $0x1  }
0x97: {  	s17 =	sld [smem:$0x3FFB];
	_ =	sdelay $0x3  }
0x98: {  	_ =	strace s17  }
0x99: {  	s3 =	sld [smem:$0x3FFC];
	_ =	sdelay $0x3  }
0x9a: {  	_ =	strace s3  }
0x9b: {  	s3 =	sld [smem:$0x3FFD];
	_ =	sdelay $0x3  }
0x9c: {  	_ =	strace s3  }
0x9d: {  	_ =	strace $0x8FFFFFFF  }
0x9e: {  	s18 =	sld [smem:$0x3FDB];
	_ =	sdelay $0x1  }
0x9f: {  	s19 =	simm.s32 $_scs_section_size  }
0xa0: {  	s5 =	simm.s32 $_size__tile_overlayer_lowered;
	s6 =	simm.s32 $_tile_overlayer_lowered  }
0xa1: {  	s22 =	simm.s32 $0x1BFF;
	s21 =	sshll.u32 s6, $0x1;
	s3 =	sadd.s32 s19, s18  }
0xa2: {  	s7 =	simm.s32 $0x0;
	s20 =	sshll.u32 s5, $0x1;
	s5 =	sadd.s32 s21, s3  }
0xa3: {  	[timem:s7], [sflag:s22] =	dma.local [hbm:s5], s20  }
0xa4: {  	_ =	swait.ge [sflag:s22], s20  }
0xa5: {  	s4 =	ssub.s32 $0x0, s20;
	[sflag:s22] =	ssyncset.done $0x0  }
0xa6: {  	[sflag:s22] =	ssyncadd.s32 s4;
	_ =	sdelay $0x1  }
0xa7: {  	s23 =	simm.s32 $0x1B8B  }
0xa8: {  	_ =	swait.ge [sflag:s23], $0x1  }
0xa9: {  	[sflag:s23] =	ssyncset.done $0x0  }
0xaa: {  	s25 =	simm.s32 $0x1B8E;
	s24 =	sld [smem:$0x3FFE];
	[sflag:s23] =	ssyncadd.s32 $0xFFFFFFFF  }
0xab: {  	s26 =	simm.s32 $execute0_lowered;
	[smem:$0x3FD2] =	sst s25  }
0xac: {  	s5 =	sshll.u32 s26, $0x1;
	_ =	strace $0x80000049;
	[dreg:$0x1] =	wrdreg $0xFFFFFFFF  }
0xad: {  	s28 =	simm.s32 $_size_execute0_lowered;
	s3 =	sadd.s32 s3, s5;
	[dreg:$0x0] =	wrdreg $0x0  }
0xae: {  	s5 =	sshll.u32 s28, $0x1;
	[dreg:$0x2] =	wrdreg s3  }
0xaf: {  	[dreg:$0x3] =	wrdreg s5  }
0xb0: {  	[dreg:$0x4] =	wrdreg $0xC0  }
0xb1: {  	_ =	task [dreg:s7], $0x5FFFF  }
0xb2: {  	[dreg:$0x1] =	wrdreg $0xFFFFFFFF  }
0xb3: {  	[dreg:$0x0] =	wrdreg $0x60  }
0xb4: {  	[dreg:$0x2] =	wrdreg s24  }
0xb5: {  	[dreg:$0x3] =	wrdreg s16  }
0xb6: {  	[dreg:$0x4] =	wrdreg $0x0  }
0xb7: {  	[dreg:$0x5] =	wrdreg $0x9  }
0xb8: {  	_ =	task.clear_ibuf [dreg:s7], $0x6FFFF;
	_ =	strace $0x90000049  }
0xb9: {  	s29 =	simm.s32 $0x9;
	_ =	strace $0x8000004B  }
0xba: {  	_ =	swait.ge [sflag:s29], $0x1  }
0xbb: {  	[sflag:s29] =	ssyncadd.s32 $0xFFFFFFFF  }
0xbc: {  	_ =	strace $0x9000004B  }
0xbd: {  	_ =	sfence  }
0xbe: {  	s30 =	sld [smem:$0x0];
	_ =	sdelay $0x2  }
0xbf: {  	s31 =	sshll.u32 s1, $0xD;
	s1 =	sshrl.u32 s1, $0x2  }
0xc0: {  	s3 =	sand.u32 $0x4000, s31;
	s1 =	sadd.s32 s1, s30  }
0xc1: {  	s0 =	sor.u32 s3, s0;
	s1 =	sshll.u32 s1, $0x11  }
0xc2: {  	s0 =	sor.u32 s1, s0  }
0xc3: {  	s0 =	sadd.s32 $0x8F2B, s0  }
0xc4: {  	[sflag:s0] =	ssyncadd.remote.s32 $0x1  }
0xc5: {  	_ =	sfence.sel $0xFFFF  }
0xc6: {  	[dreg:$0x0] =	wrdreg $0xFFFFFFFF;
	(pc) =	sbr.abs _section_cstart, $3  }
0xc7: {  	[dreg:$0x1] =	wrdreg $0xFFFFFFFF  }
0xc8: {  	_ =	task.clear_ibuf [dreg:s7], $0x2FFFF;
	_ =	strace $0x9FFFFFFF  }
0xc9: {  	(tm) =	ssettm $0x7FFFFFFF  }
tec
execute0_lowered:
.L_overlay_start_1:
0x0: {  	(tag) =	ssettag $0x1  }
0x1: {  	s0 =	rddreg [dreg:$0x0]  }
0x2: {  	s1 =	rddreg [dreg:$0x1]  }
0x3: {  	s2 =	rddreg [dreg:$0x2]  }
0x4: {  	s3 =	srdreg.scid;
	s4 =	simm.s32 $0x0;
	s15 =	stileid.u32  }
0x5: {  	s16 =	simm.s32 $0x1B900;
	s20 =	simm.s32 $0x9;
	s21 =	simm.s32 $0x1C100  }
0x6: {  	s22 =	simm.s32 $0x1C900;
	s31 =	simm.s32 $0x0;
	s23 =	smul.u32 $0x4E400, s15  }
0x7: {  	s3 =	sand.u32 $0x1, s3;
	[smem:$0x7FF] =	sst s4;
	s26 =	smul.u32 $0x13880, s15  }
0x8: {  	s13 =	sshll.u32 s15, $0xB;
	s5 =	sshll.u32 s3, $0x4;
	_ =	strace $0x8000004A  }
0x9: {  	s8 =	ssub.s32 $0x2, s3;
	s3 =	smul.u32 $0x140000, s3;
	s7 =	sor.u32 s15, s5  }
0xa: {  	s5 =	sadd.s32 $0x2600, s0;
	s0 =	sadd.s32 $0x2A600, s0;
	s10 =	sshrl.u32 s8, $0x1  }
0xb: {  	s6 =	smul.u32 $0x4E, s7;
	s9 =	smin.u32 s7, $0x4;
	p0 =	sgt.u32 s7, $0x3  }
0xc: {  	s7 =	simm.s32 $0x4E;
	s11 =	ssub.s32 s8, s10;
	s14 =	sadd.s32 s26, s3  }
0xd: {  	s3 =	sor.u32 s3, s13;
	s7 =	simm.s32 @!p0 $0x4F;
	s28 =	sshrl.u32 s14, $0x3  }
0xe: {  	s3 =	sshrl.u32 s3, $0x3;
	s29 =	smax.u32 s11, $0x1;
	s6 =	sadd.s32 s9, s6  }
0xf: {  	s9 =	sshrl.u32 s23, $0x2;
	s13 =	sadd.s32 s0, s28;
	s0 =	sadd.s32 s0, s3  }
0x10: {  	[dreg:$0x8] =	wrdreg s29;
	s18 =	sadd.s32 $0xFFFFFFFE, s7;
	s23 =	simm.s32 $0x80  }
0x11: {  	s24 =	sshll.u32 s6, $0x4;
	s10 =	sadd.s32 s9, s2;
	[dreg:$0x6] =	wrdreg s13  }
0x12: {  	s9 =	sadd.s32 s26, s2;
	s0 =	sadd.s32 $0x27100, s0;
	s8 =	sadd.s32 s1, s24  }
.Ltmp0:
0x13: {  	s12 =	sadd.s32 $0x13800, s10;
	[dreg:$0x7] =	wrdreg s0;
	(pc) =	sbr.rel .LBB2_1-.Ltmp0, $4  }
0x14: {  	s24 =	simm.s32 $0x13900;
	s25 =	sadd.s32 $0x9C80, s8;
	[dreg:$0x5] =	wrdreg s12  }
0x15: {  	s12 =	simm.s32 $0x1;
	s30 =	sadd.s32 $0x80, s8;
	[dreg:$0x4] =	wrdreg s25  }
0x16: {  	s17 =	sadd.s32 $0x9D00, s8;
	s12 =	simm.s32 @!p0 $0x0;
	[dreg:$0x9] =	wrdreg s30  }
0x17: {  	v0 =	vimm.f32 $0.0e+00;
	p0 =	seq.s32 s15, $0xF;
	s25 =	sshrl.u32 s9, $0x3;
	s12 =	sadd.s32 $0x3, s12  }
.LBB2_11:
0x18: {  	p1 =	sne.s32 s29, $0x7  }
0x19: {  	p2 =	slt.u32 @!p1 s28, s7  }
0x1a: {  	p1 =	por p1, !p2  }
.Ltmp1:
0x1b: {  	_ = 	snop;
	(pc) =	sbr.rel @p1 .LBB2_12-.Ltmp1, $1  }
0x1c: {  	_ =	sdelay $0x3  }
0x1d: {  	s14 =	sadd.s32 $0x5, s13  }
0x1e: {  	_ =	swait.ge [sflag:s14], $0x400  }
0x1f: {  	[sflag:s14] =	ssyncset.done $0x0  }
0x20: {  	s19 =	sadd.s32 $0x7, s13;
	[sflag:s14] =	ssyncadd.s32 $0xFFFFFC00  }
0x21: {  	_ =	swait.ge [sflag:s19], $0x400  }
0x22: {  	[sflag:s19] =	ssyncset.done $0x0  }
0x23: {  	[sflag:s19] =	ssyncadd.s32 $0xFFFFFC00  }
.LBB2_15:
0x24: {  	s13 =	sshll.u32 s28, $0x7  }
0x25: {  	s13 =	sand.u32 $0x780, s13  }
0x26: {  	s13 =	sadd.s32 $0x1B900, s13  }
0x27: {  	[tilespmem:s9], [sflag:s30] =	stream.indirect.gather [hbm4b:s5+s23], $0x80, s13, s23, $0xb8;
	[tilespmem:$0x1D100] =	vst v63  }
.LBB2_16:
0x28: {  	s9 =	sshll.u32 s11, $0xA  }
0x29: {  	_ =	swait.ge [sflag:s26], $0x4000;
	s19 =	sshll.u32 s29, $0x7;
	s9 =	sand.u32 $0x400, s9  }
0x2a: {  	[sflag:s26] =	ssyncset.done $0x0;
	s9 =	sor.u32 s19, s9  }
0x2b: {  	[sflag:s26] =	ssyncadd.s32 $0xFFFFC000;
	s9 =	sadd.s32 $0x1C100, s9  }
0x2c: {  	[spmem:s2] =	stream.indirect.scatter.add.f32 [tilespmem:s3], [sflag:s0], $0x80, s9, s23, $0xb8;
	[tilespmem:$0x1D100] =	vst v63  }
0x2d: {  	_ =	swait.ge [sflag:s12], $0x4000  }
0x2e: {  	[sflag:s12] =	ssyncset.done $0x0  }
0x2f: {  	s28 =	stileid.u32;
	[sflag:s12] =	ssyncadd.s32 $0xFFFFC000  }
0x30: {  	s0 =	sshll.u32 s28, $0x6;
	[bflag:$0x0] =	sbarrier.arrive $0xFFFF  }
0x31: {  	s0 =	sor.u32 $0x1C09, s0;
	s29 =	rddreg [dreg:$0x6]  }
0x32: {  	[hbm:s29], [sflag:s0] =	dma.local [spmem:s25], $0x2710  }
0x33: {  	_ =	swait.ge [sflag:s20], $0x2710  }
0x34: {  	s3 =	simm.s32 @!p0 $0x1C900;
	[sflag:s20] =	ssyncset.done $0x0  }
0x35: {  	s0 =	simm.s32 @!p0 $0x0;
	s9 =	rddreg [dreg:$0x7];
	[sflag:s20] =	ssyncadd.s32 $0xFFFFD8F0  }
0x36: {  	[hbm4b:s9+s0] =	stream.linear.scatter @!p0 [tilespmem:s3], [sflag:$0x9], $0x800, $0x38;
	[tilespmem:$0x1D100] =	vst v63  }
0x37: {  	s0 =	simm.s32 @!p0 $0x9  }
0x38: {  	_ =	swait.ge @!p0 [sflag:s0], $0x800  }
0x39: {  	s31 =	sadd.s32 $0x1, s31;
	s30 =	rddreg [dreg:$0x8]  }
0x3a: {  	p1 =	sne.s32 s31, s30  }
.Ltmp2:
0x3b: {  	_ = 	snop;
	(pc) =	sbr.rel @!p1 .LBB2_17-.Ltmp2, $3  }
0x3c: {  	_ =	sdelay $0x1  }
0x3d: {  	[sflag:s0] =	ssyncset.done @!p0 $0x0  }
0x3e: {  	[sflag:s0] =	ssyncadd.s32 @!p0 $0xFFFFF800  }
.LBB2_1:
0x3f: {  	[tilespmem:s16], [sflag:$0x9] =	stream.linear.gather [hbm4b:s8+s4], $0x400, $0x38;
	[tilespmem:$0x1D100] =	vst v63  }
0x40: {  	_ =	swait.ge [sflag:s20], $0x400  }
0x41: {  	[sflag:s20] =	ssyncset.done $0x0  }
0x42: {  	s0 =	rddreg [dreg:$0x4];
	[sflag:s20] =	ssyncadd.s32 $0xFFFFFC00  }
0x43: {  	[tilespmem:s21], [sflag:$0x9] =	stream.linear.gather [hbm4b:s0+s4], $0x400, $0x38;
	[tilespmem:$0x1D100] =	vst v63  }
0x44: {  	_ =	swait.ge [sflag:s20], $0x400  }
0x45: {  	[sflag:s20] =	ssyncset.done $0x0  }
0x46: {  	s3 =	simm.s32 $0x200;
	s0 =	simm.s32 $0x0;
	[sflag:s20] =	ssyncadd.s32 $0xFFFFFC00  }
.LBB2_2:
0x47: {  	p1 =	sne.s32 s3, $0x1E00;
	[tilespmem:s0+$0x1C970] =	vst v0  }
0x48: {  	[tilespmem:s0+$0x1C900] =	vst v0  }
0x49: {  	[tilespmem:s0+$0x1C910] =	vst v0  }
.Ltmp3:
0x4a: {  	[tilespmem:s0+$0x1C920] =	vst v0;
	(pc) =	sbr.rel @p1 .LBB2_2-.Ltmp3, $4  }
0x4b: {  	[tilespmem:s0+$0x1C930] =	vst v0  }
0x4c: {  	[tilespmem:s0+$0x1C940] =	vst v0  }
0x4d: {  	[tilespmem:s0+$0x1C950] =	vst v0  }
0x4e: {  	[tilespmem:s0+$0x1C960] =	vst v0;
	s0 =	sshra.s32 s3, $0x2;
	s3 =	sadd.s32 $0x200, s3  }
0x4f: {  	[tilespmem:s0+$0x1C970] =	vst v0  }
0x50: {  	[tilespmem:s0+$0x1C900] =	vst v0  }
0x51: {  	[tilespmem:s0+$0x1C910] =	vst v0  }
0x52: {  	[tilespmem:s0+$0x1C920] =	vst v0  }
0x53: {  	[tilespmem:s0+$0x1C930] =	vst v0  }
0x54: {  	[tilespmem:s0+$0x1C940] =	vst v0  }
0x55: {  	[tilespmem:s0+$0x1C950] =	vst v0  }
0x56: {  	[tilespmem:s0+$0x1C960] =	vst v0;
	s30 =	sadd.s32 $0x0, s10  }
0x57: {  	[spmem:s30] =	stream.linear.scatter [tilespmem:s22], [sflag:$0x9], $0x800, $0x38;
	[tilespmem:$0x1D100] =	vst v63  }
0x58: {  	s0 =	simm.s32 $0x2000;
	_ =	swait.ge [sflag:s20], $0x800  }
.LBB2_4:
0x59: {  	s3 =	sshra.s32 s0, $0x2;
	[sflag:s20] =	ssyncset.done $0x0;
	p1 =	sne.s32 s0, $0x4C000  }
.Ltmp4:
0x5a: {  	s3 =	sadd.s32 s3, s10;
	[sflag:s20] =	ssyncadd.s32 $0xFFFFF800;
	(pc) =	sbr.rel @p1 .LBB2_4-.Ltmp4, $3  }
0x5b: {  	[spmem:s3] =	stream.linear.scatter [tilespmem:s22], [sflag:$0x9], $0x800, $0x38;
	[tilespmem:$0x1D100] =	vst v63  }
0x5c: {  	s0 =	sadd.s32 $0x2000, s0;
	_ =	sdelay $0x1  }
0x5d: {  	_ =	swait.ge [sflag:s20], $0x800  }
0x5e: {  	[sflag:s20] =	ssyncset.done $0x0  }
0x5f: {  	s0 =	rddreg [dreg:$0x5];
	[sflag:s20] =	ssyncadd.s32 $0xFFFFF800  }
0x60: {  	[spmem:s0] =	stream.linear.scatter [tilespmem:s22], [sflag:$0x9], $0x100, $0x38;
	[tilespmem:$0x1D100] =	vst v63  }
0x61: {  	_ =	swait.ge [sflag:s20], $0x100  }
0x62: {  	[sflag:s20] =	ssyncset.done $0x0  }
0x63: {  	[sflag:s20] =	ssyncadd.s32 $0xFFFFFF00  }
0x64: {  	[bflag:$0x0] =	sbarrier.arrive $0xFFFF  }
0x65: {  	[tilespmem:s24], [sflag:$0x1] =	stream.indirect.gather [hbm4b:s5+s23], $0x80, s16, s23, $0xb8;
	[tilespmem:$0x1D100] =	vst v63  }
0x66: {  	s3 =	simm.s32 $0x1BD00;
	s19 =	rddreg [dreg:$0x9]  }
0x67: {  	[tilespmem:s3], [sflag:$0x6] =	stream.linear.gather [hbm4b:s19+s4], $0x400, $0x38;
	[tilespmem:$0x1D100] =	vst v63  }
0x68: {  	s26 =	simm.s32 $0x1C500  }
0x69: {  	[tilespmem:s26], [sflag:$0x8] =	stream.linear.gather [hbm4b:s17+s4], $0x400, $0x38;
	[tilespmem:$0x1D100] =	vst v63  }
0x6a: {  	s28 =	simm.s32 $0x1B980;
	s30 =	simm.s32 $0x17900  }
0x6b: {  	[tilespmem:s30], [sflag:$0x2] =	stream.indirect.gather [hbm4b:s5+s23], $0x80, s28, s23, $0xb8;
	[tilespmem:$0x1D100] =	vst v63  }
.Ltmp5:
0x6c: {  	s29 =	simm.s32 $0x1;
	(pc) =	sbr.rel .LBB2_6-.Ltmp5, $4  }
0x6d: {  	_ =	swait.ge [sflag:s29], $0x4000  }
0x6e: {  	[sflag:s29] =	ssyncset.done $0x0  }
0x6f: {  	[sflag:s29] =	ssyncadd.s32 $0xFFFFC000  }
0x70: {  	[spmem:s2] =	stream.indirect.scatter.add.f32 [tilespmem:s24], [sflag:$0x3], $0x80, s21, s23, $0xb8;
	[tilespmem:$0x1D100] =	vst v63  }
.LBB2_8:
0x71: {  	p1 =	sne.s32 s9, $0x7  }
0x72: {  	s13 =	sadd.s32 @!p1 $0x5, s3  }
0x73: {  	_ =	swait.ge @!p1 [sflag:s13], $0x400  }
0x74: {  	[sflag:s13] =	ssyncset.done @!p1 $0x0  }
0x75: {  	s3 =	sadd.s32 @!p1 $0x7, s3;
	[sflag:s13] =	ssyncadd.s32 @!p1 $0xFFFFFC00  }
0x76: {  	_ =	swait.ge @!p1 [sflag:s3], $0x400  }
0x77: {  	[sflag:s3] =	ssyncset.done @!p1 $0x0  }
0x78: {  	[sflag:s3] =	ssyncadd.s32 @!p1 $0xFFFFFC00  }
.LBB2_9:
0x79: {  	s3 =	sshll.u32 s29, $0x7;
	s13 =	sand.u32 $0x1, s28;
	s14 =	sshll.u32 s26, $0xE  }
0x7a: {  	s26 =	sadd.s32 $0x1, s26;
	s11 =	sshll.u32 s11, $0xA;
	s15 =	sand.u32 $0x780, s3  }
0x7b: {  	p1 =	sne.s32 s28, s18;
	s3 =	sor.u32 $0x13900, s14;
	s15 =	sadd.s32 $0x1B900, s15  }
0x7c: {  	[tilespmem:s3], [sflag:s26] =	stream.indirect.gather [hbm4b:s5+s23], $0x80, s15, s23, $0xb8;
	[tilespmem:$0x1D100] =	vst v63  }
.Ltmp6:
0x7d: {  	s9 =	sshll.u32 s9, $0x7;
	s30 =	sadd.s32 $0x1, s13;
	(pc) =	sbr.rel @!p1 .LBB2_10-.Ltmp6, $4  }
0x7e: {  	s11 =	sand.u32 $0x400, s11;
	s19 =	sshll.u32 s13, $0xE;
	_ =	swait.ge [sflag:s30], $0x4000  }
0x7f: {  	s14 =	sadd.s32 $0x3, s13;
	s11 =	sor.u32 s9, s11;
	[sflag:s30] =	ssyncset.done $0x0  }
0x80: {  	s9 =	sor.u32 $0x13900, s19;
	s11 =	sadd.s32 $0x1C100, s11;
	[sflag:s30] =	ssyncadd.s32 $0xFFFFC000  }
0x81: {  	[spmem:s2] =	stream.indirect.scatter.add.f32 [tilespmem:s9], [sflag:s14], $0x80, s11, s23, $0xb8;
	[tilespmem:$0x1D100] =	vst v63  }
.LBB2_6:
0x82: {  	s28 =	smov.u32 s29  }
0x83: {  	s11 =	sshrl.u32 s28, $0x3  }
0x84: {  	s9 =	sand.u32 $0x7, s28;
	s3 =	sadd.s32 $0x1, s11  }
0x85: {  	p1 =	sne.s32 s9, $0x0;
	s13 =	sshll.u32 s3, $0x3  }
0x86: {  	p2 =	sge.u32 @!p1 s13, s7  }
0x87: {  	s29 =	sadd.s32 $0x1, s29;
	p1 =	por p1, p2  }
.Ltmp7:
0x88: {  	s26 =	sand.u32 $0x1, s29;
	(pc) =	sbr.rel @p1 .LBB2_8-.Ltmp7, $4  }
0x89: {  	s0 =	sadd.s32 $0x3, s26  }
0x8a: {  	_ =	swait.ge [sflag:s0], $0x4000  }
0x8b: {  	[sflag:s0] =	ssyncset.done $0x0  }
0x8c: {  	s3 =	sand.u32 $0x1, s3;
	[sflag:s0] =	ssyncadd.s32 $0xFFFFC000  }
0x8d: {  	s13 =	sadd.s32 s6, s13;
	s14 =	sshll.u32 s3, $0xA  }
0x8e: {  	s30 =	sadd.s32 $0x5, s3;
	s13 =	sshll.u32 s13, $0x4;
	s19 =	sor.u32 $0x1B900, s14  }
.Ltmp8:
0x8f: {  	s15 =	sadd.s32 s1, s13;
	s13 =	sand.u32 $0x1FFFFFF0, s13;
	(pc) =	sbr.rel .LBB2_9-.Ltmp8, $4  }
0x90: {  	[tilespmem:s19], [sflag:s30] =	stream.linear.gather [hbm4b:s15+s4], $0x400, $0x38;
	[tilespmem:$0x1D100] =	vst v63  }
0x91: {  	s13 =	sadd.s32 s1, s13  }
0x92: {  	s14 =	sor.u32 $0x1C100, s14;
	s30 =	sadd.s32 $0x7, s3;
	s13 =	sadd.s32 $0x9C80, s13  }
0x93: {  	[tilespmem:s14], [sflag:s30] =	stream.linear.gather [hbm4b:s13+s4], $0x400, $0x38;
	[tilespmem:$0x1D100] =	vst v63  }
.LBB2_10:
0x94: {  	s11 =	sshrl.u32 s29, $0x3  }
0x95: {  	s29 =	sand.u32 $0x7, s29;
	s13 =	sadd.s32 $0x1, s11  }
0x96: {  	p1 =	sne.s32 s29, $0x0;
	s19 =	sshll.u32 s13, $0x3  }
0x97: {  	p2 =	slt.u32 @!p1 s19, s7  }
0x98: {  	p1 =	por p1, !p2  }
.Ltmp9:
0x99: {  	_ = 	snop;
	(pc) =	sbr.rel @p1 .LBB2_11-.Ltmp9, $4  }
0x9a: {  	_ = 	snop  }
0x9b: {  	_ =	swait.ge [sflag:s14], $0x4000  }
0x9c: {  	[sflag:s14] =	ssyncset.done $0x0  }
0x9d: {  	s28 =	sadd.s32 $0x2, s28;
	s13 =	sand.u32 $0x1, s13;
	[sflag:s14] =	ssyncadd.s32 $0xFFFFC000  }
0x9e: {  	s14 =	sadd.s32 s6, s19  }
0x9f: {  	s15 =	sshll.u32 s13, $0xA;
	s16 =	sadd.s32 $0x5, s13;
	s14 =	sshll.u32 s14, $0x4  }
0xa0: {  	p1 =	sge.u32 s28, s7;
	s19 =	sor.u32 $0x1B900, s15;
	s21 =	sadd.s32 s1, s14  }
0xa1: {  	[tilespmem:s19], [sflag:s16] =	stream.linear.gather [hbm4b:s21+s4], $0x400, $0x38;
	[tilespmem:$0x1D100] =	vst v63  }
.Ltmp10:
0xa2: {  	_ = 	snop;
	(pc) =	sbr.rel @p1 .LBB2_16-.Ltmp10, $4  }
.Ltmp11:
0xa3: {  	s14 =	sand.u32 $0x1FFFFFF0, s14;
	(pc) =	sbr.rel @!p1 .LBB2_15-.Ltmp11, $4  }
0xa4: {  	s15 =	sor.u32 $0x1C100, s15;
	s21 =	simm.s32 $0x1C100;
	s14 =	sadd.s32 s1, s14  }
0xa5: {  	s16 =	simm.s32 $0x1B900;
	s19 =	sadd.s32 $0x7, s13;
	s14 =	sadd.s32 $0x9C80, s14  }
0xa6: {  	[tilespmem:s15], [sflag:s19] =	stream.linear.gather [hbm4b:s14+s4], $0x400, $0x38;
	[tilespmem:$0x1D100] =	vst v63  }
0xa7: {  	_ = 	snop  }
.LBB2_12:
0xa8: {  	p1 =	slt.u32 s28, s7  }
.Ltmp12:
0xa9: {  	_ = 	snop;
	(pc) =	sbr.rel @p1 .LBB2_15-.Ltmp12, $4  }
.Ltmp13:
0xaa: {  	_ = 	snop;
	(pc) =	sbr.rel @!p1 .LBB2_16-.Ltmp13, $4  }
0xab: {  	_ = 	snop  }
0xac: {  	_ = 	snop  }
0xad: {  	_ = 	snop  }
0xae: {  	_ = 	snop  }
.LBB2_17:
0xaf: {  	_ =	sfence.sel $0x180000  }
0xb0: {  	[bflag:$0x0] =	sbarrier.arrive $0xFFFF  }
0xb1: {  	_ =	strace $0x9000004A  }
0xb2: {  	s0 =	stileid.u32;
	[bflag:$0x2] =	sbarrier.arrive $0xFFFF  }
0xb3: {  	p0 =	sne.s32 s0, $0x0;
	s0 =	rddreg [dreg:$0x3]  }
0xb4: {  	s0 =	sadd.s32 @!p0 $0x100000, s0  }
0xb5: {  	[sflag:s0] =	ssyncadd.tile.s32 @!p0 $0x1;
	_ =	shalt  }
.Lfunc_end2:
_tile_overlayer_lowered:
.L_overlay_start_2:
0xb6: {  	(tag) =	ssettag $0x2  }
0xb7: {  	s0 =	rddreg [dreg:$0x0];
	s2 =	stileid.u32  }
0xb8: {  	s1 =	rddreg [dreg:$0x1];
	p0 =	sne.s32 s2, $0x0  }
0xb9: {  	s3 =	rddreg [dreg:$0x2];
	[bflag:$0x3] =	sbarrier.arrive $0xFFFF;
	s2 =	simm.s32 @!p0 $0x1C09  }
0xba: {  	[timem:s3], [sflag:s2] =	dma.local @!p0 [hbm:s0], s1  }
0xbb: {  	s0 =	simm.s32 @!p0 $0x9  }
0xbc: {  	_ =	swait.ge @!p0 [sflag:s0], s1  }
0xbd: {  	s1 =	ssub.s32 @!p0 $0x0, s1;
	[sflag:s0] =	ssyncset.done @!p0 $0x0  }
0xbe: {  	[sflag:s0] =	ssyncadd.s32 @!p0 s1  }
0xbf: {  	[bflag:$0x3] =	sbarrier.arrive $0xFFFF  }
0xc0: {  	_ =	shalt  }

// kernel: kernel.8.cloned.1.call-start
scs
__scs_entry_jumppad:
0x0: {  	(pc) =	sbr.rel $0x88, $3  }
0x1: {  	(tag) =	ssettag $0x0;
	lr =	simm.s32 $0x1  }
0x2: {  	[smem:$0x3F97] =	sst lr;
	_ =	strace $0xD0000000  }
0x3: {  	_ = 	snop  }
0x4: {  	_ = 	snop  }
0x5: {  	_ = 	snop  }
0x6: {  	_ = 	snop  }
0x7: {  	_ = 	snop  }
__scs_overlays_trampoline_lowered:
0x8: {  	[smem:$0x3FA6] =	sst s0  }
0x9: {  	[smem:$0x3FA7] =	sst s1  }
0xa: {  	[smem:$0x3FA8] =	sst s2  }
0xb: {  	[smem:$0x3FA9] =	sst s3  }
0xc: {  	[smem:$0x3FAA] =	sst s4  }
0xd: {  	[smem:$0x3FAB] =	sst s5  }
0xe: {  	[smem:$0x3FAC] =	sst s6  }
0xf: {  	[smem:$0x3FAD] =	sst s7  }
0x10: {  	[smem:$0x3FAE] =	sst s8  }
0x11: {  	[smem:$0x3FAF] =	sst s9;
	s0 =	simm.s32 @!p0 $0x0  }
0x12: {  	s1 =	sld [smem:$0x3F95];
	s0 =	simm.s32 @p0 $0x1  }
0x13: {  	[smem:$0x3FB0] =	sst s0;
	s0 =	simm.s32 @!p1 $0x0  }
0x14: {  	s2 =	sld [smem:$0x3F94];
	s0 =	simm.s32 @p1 $0x1  }
0x15: {  	[smem:$0x3FB1] =	sst s0;
	s0 =	simm.s32 @!p2 $0x0  }
0x16: {  	s3 =	sld [smem:$0x3FDB];
	s0 =	simm.s32 @p2 $0x1  }
0x17: {  	s4 =	simm.s32 $0x1BF5;
	[smem:$0x3FB3] =	sst s0  }
0x18: {  	s0 =	sld [smem:$0x3F96];
	_ =	swait.ge [sflag:s4], $0x0  }
0x19: {  	s7 =	sld [smem:$0x3F97]  }
0x1a: {  	s8 =	sadd.s32 $0xFFFFE003, lr  }
0x1b: {  	s9 =	sadd.s32 $0xFFFFFEF7, lr;
	s5 =	simm.s32 $0xFFFFFFFF;
	p2 =	slt.u32 s8, $0xFFFFF086  }
0x1c: {  	p1 =	slt.u32 s9, $0xF7A;
	s5 =	simm.s32 @!p2 $0x0  }
0x1d: {  	s5 =	simm.s32 @p1 $0x1;
	p0 =	seq.s32 s7, s2  }
0x1e: {  	s7 =	smul.u32 @!p0 $0xF7A, s2;
	p2 =	seq.s32 @!p0 s5, $0x0  }
0x1f: {  	s9 =	smul.u32 $0xF7A, s1;
	s8 =	simm.s32 @!p0 $0x1BF5;
	p2 =	por !p2, p0  }
0x20: {  	[sflag:s8] =	ssyncset.s32 @!p0 $0xFFFFF086;
	s6 =	sadd.s32 @!p0 s3, s7;
	s7 =	simm.s32 @!p0 $0x108  }
0x21: {  	s3 =	sadd.s32 s3, s9;
	s6 =	sadd.s32 @!p0 $0x88, s6;
	s7 =	simm.s32 @p2 $0x1082  }
0x22: {  	[simem:s7], [sflag:s8] =	dma.local @!p0 [hbm:s6], $0xF7A  }
0x23: {  	s9 =	sor.u32 $0xD0000000, s2;
	s6 =	simm.s32 $0x108;
	_ =	swait.ge @!p0 [sflag:s8], $0x0  }
0x24: {  	s3 =	sadd.s32 $0x88, s3;
	s6 =	simm.s32 @!p1 $0x1082;
	[sflag:s4] =	ssyncset.s32 $0xFFFFF086  }
0x25: {  	[simem:s6], [sflag:s4] =	dma.local [hbm:s3], $0xF7A  }
0x26: {  	[smem:$0x3F97] =	sst s1;
	(tag) =	ssettag s2;
	_ =	strace s9  }
0x27: {  	s1 =	sld [smem:$0x3FA7]  }
0x28: {  	s2 =	sld [smem:$0x3FA8]  }
0x29: {  	s4 =	sld [smem:$0x3FAA]  }
0x2a: {  	p0 =	seq.s32 s5, $0x0;
	s5 =	sld [smem:$0x3FAB]  }
0x2b: {  	s6 =	sld [smem:$0x3FAC]  }
0x2c: {  	s7 =	sld [smem:$0x3FAD]  }
0x2d: {  	s3 =	simm.s32 $0x108;
	s8 =	sld [smem:$0x3FAE]  }
0x2e: {  	s3 =	simm.s32 @!p0 $0x1082;
	s9 =	sld [smem:$0x3FAF]  }
0x2f: {  	lr =	sadd.s32 s0, s3;
	s0 =	sld [smem:$0x3FA6]  }
0x30: {  	s3 =	sld [smem:$0x3FA9]  }
0x31: {  	[smem:$0x3FB2] =	sst s10  }
0x32: {  	s10 =	sld [smem:$0x3FB0];
	_ =	sdelay $0x3  }
0x33: {  	p0 =	seq.s32 s10, $0x1;
	s10 =	sld [smem:$0x3FB2];
	_ =	sdelay $0x3  }
0x34: {  	[smem:$0x3FB2] =	sst s10  }
0x35: {  	s10 =	sld [smem:$0x3FB1];
	_ =	sdelay $0x3  }
0x36: {  	p1 =	seq.s32 s10, $0x1;
	s10 =	sld [smem:$0x3FB2];
	_ =	sdelay $0x3  }
0x37: {  	[smem:$0x3FB2] =	sst s10  }
0x38: {  	s10 =	sld [smem:$0x3FB3]  }
0x39: {  	_ = 	snop;
	(pc) =	sbr.ind lr, $3  }
0x3a: {  	_ = 	snop  }
0x3b: {  	_ = 	snop  }
0x3c: {  	p2 =	seq.s32 s10, $0x1;
	s10 =	sld [smem:$0x3FB2]  }
0x3d: {  	_ =	shalt  }
0x3e: {  	_ =	shalt  }
0x3f: {  	_ =	shalt  }
0x40: {  	_ =	shalt  }
0x41: {  	_ =	shalt  }
0x42: {  	_ =	shalt  }
0x43: {  	_ =	shalt  }
0x44: {  	_ =	shalt  }
0x45: {  	_ =	shalt  }
0x46: {  	_ =	shalt  }
0x47: {  	_ =	shalt  }
0x48: {  	_ =	shalt  }
0x49: {  	_ =	shalt  }
0x4a: {  	_ =	shalt  }
0x4b: {  	_ =	shalt  }
0x4c: {  	_ =	shalt  }
0x4d: {  	_ =	shalt  }
0x4e: {  	_ =	shalt  }
0x4f: {  	_ =	shalt  }
0x50: {  	_ =	shalt  }
0x51: {  	_ =	shalt  }
0x52: {  	_ =	shalt  }
0x53: {  	_ =	shalt  }
0x54: {  	_ =	shalt  }
0x55: {  	_ =	shalt  }
0x56: {  	_ =	shalt  }
0x57: {  	_ =	shalt  }
0x58: {  	_ =	shalt  }
0x59: {  	_ =	shalt  }
0x5a: {  	_ =	shalt  }
0x5b: {  	_ =	shalt  }
0x5c: {  	_ =	shalt  }
0x5d: {  	_ =	shalt  }
0x5e: {  	_ =	shalt  }
0x5f: {  	_ =	shalt  }
0x60: {  	_ =	shalt  }
0x61: {  	_ =	shalt  }
0x62: {  	_ =	shalt  }
0x63: {  	_ =	shalt  }
0x64: {  	_ =	shalt  }
0x65: {  	_ =	shalt  }
0x66: {  	_ =	shalt  }
0x67: {  	_ =	shalt  }
0x68: {  	_ =	shalt  }
0x69: {  	_ =	shalt  }
0x6a: {  	_ =	shalt  }
0x6b: {  	_ =	shalt  }
0x6c: {  	_ =	shalt  }
0x6d: {  	_ =	shalt  }
0x6e: {  	_ =	shalt  }
0x6f: {  	_ =	shalt  }
0x70: {  	_ =	shalt  }
0x71: {  	_ =	shalt  }
0x72: {  	_ =	shalt  }
0x73: {  	_ =	shalt  }
0x74: {  	_ =	shalt  }
0x75: {  	_ =	shalt  }
0x76: {  	_ =	shalt  }
0x77: {  	_ =	shalt  }
0x78: {  	_ =	shalt  }
0x79: {  	_ =	shalt  }
0x7a: {  	_ =	shalt  }
0x7b: {  	_ =	shalt  }
0x7c: {  	_ =	shalt  }
0x7d: {  	_ =	shalt  }
0x7e: {  	_ =	shalt  }
0x7f: {  	_ =	shalt  }
0x80: {  	_ =	shalt  }
0x81: {  	_ =	shalt  }
0x82: {  	_ =	shalt  }
0x83: {  	_ =	shalt  }
0x84: {  	_ =	shalt  }
0x85: {  	_ =	shalt  }
0x86: {  	_ =	shalt  }
0x87: {  	_ =	shalt  }
.Lfunc_end0:
.L_simem_size_0:
called_computation_lowered:
.L_overlay_start_0:
0x88: {  	s2 =	sld [smem:$0x3FD9]  }
0x89: {  	s3 =	sld [smem:$0x3FFE];
	_ =	sdelay $0x1  }
0x8a: {  	s1 =	srdreg.scid  }
0x8b: {  	s0 =	sand.u32 $0x1, s1  }
0x8c: {  	s14 =	sshll.u32 s0, $0xA;
	s2 =	sadd.s32 s3, s2  }
0x8d: {  	s2 =	sadd.s32 s2, s14  }
0x8e: {  	[smem:$0x3FBE] =	sst s2  }
0x8f: {  	_ = 	snop  }
0x90: {  	s2 =	sld [smem:$0x3FD0];
	_ =	sdelay $0x2  }
0x91: {  	s15 =	simm.s32 $0xA;
	s4 =	simm.s32 $0x10  }
0x92: {  	[smem:s4], [sflag:s15] =	dma.local [hbm:s2], $0x1  }
0x93: {  	_ =	swait.eq [sflag:s15], $0x1  }
0x94: {  	[sflag:s15] =	ssyncset.done $0x0  }
0x95: {  	[sflag:s15] =	ssyncadd.s32 $0xFFFFFFFF  }
0x96: {  	s16 =	sld [smem:$0x11];
	(tm) =	ssettm $0x1  }
0x97: {  	s17 =	sld [smem:$0x3FFB];
	_ =	sdelay $0x3  }
0x98: {  	_ =	strace s17  }
0x99: {  	s3 =	sld [smem:$0x3FFC];
	_ =	sdelay $0x3  }
0x9a: {  	_ =	strace s3  }
0x9b: {  	s3 =	sld [smem:$0x3FFD];
	_ =	sdelay $0x3  }
0x9c: {  	_ =	strace s3  }
0x9d: {  	_ =	strace $0x8FFFFFFF  }
0x9e: {  	s18 =	sld [smem:$0x3FDB];
	_ =	sdelay $0x1  }
0x9f: {  	s19 =	simm.s32 $_scs_section_size  }
0xa0: {  	s5 =	simm.s32 $_size__tile_overlayer_lowered;
	s6 =	simm.s32 $_tile_overlayer_lowered  }
0xa1: {  	s22 =	simm.s32 $0x1BFF;
	s21 =	sshll.u32 s6, $0x1;
	s3 =	sadd.s32 s19, s18  }
0xa2: {  	s7 =	simm.s32 $0x0;
	s20 =	sshll.u32 s5, $0x1;
	s5 =	sadd.s32 s21, s3  }
0xa3: {  	[timem:s7], [sflag:s22] =	dma.local [hbm:s5], s20  }
0xa4: {  	_ =	swait.ge [sflag:s22], s20  }
0xa5: {  	s4 =	ssub.s32 $0x0, s20;
	[sflag:s22] =	ssyncset.done $0x0  }
0xa6: {  	[sflag:s22] =	ssyncadd.s32 s4;
	_ =	sdelay $0x1  }
0xa7: {  	s23 =	simm.s32 $0x1B8B  }
0xa8: {  	_ =	swait.ge [sflag:s23], $0x1  }
0xa9: {  	[sflag:s23] =	ssyncset.done $0x0  }
0xaa: {  	s25 =	simm.s32 $0x1B8E;
	s24 =	sld [smem:$0x3FFE];
	[sflag:s23] =	ssyncadd.s32 $0xFFFFFFFF  }
0xab: {  	s26 =	simm.s32 $execute0_lowered;
	[smem:$0x3FD2] =	sst s25  }
0xac: {  	s5 =	sshll.u32 s26, $0x1;
	_ =	strace $0x80000046;
	[dreg:$0x1] =	wrdreg $0xFFFFFFFF  }
0xad: {  	s28 =	simm.s32 $_size_execute0_lowered;
	s3 =	sadd.s32 s3, s5;
	[dreg:$0x0] =	wrdreg $0x0  }
0xae: {  	s5 =	sshll.u32 s28, $0x1;
	[dreg:$0x2] =	wrdreg s3  }
0xaf: {  	[dreg:$0x3] =	wrdreg s5  }
0xb0: {  	[dreg:$0x4] =	wrdreg $0xC0  }
0xb1: {  	_ =	task [dreg:s7], $0x5FFFF  }
0xb2: {  	[dreg:$0x1] =	wrdreg $0xFFFFFFFF  }
0xb3: {  	[dreg:$0x0] =	wrdreg $0x60  }
0xb4: {  	[dreg:$0x2] =	wrdreg s24  }
0xb5: {  	[dreg:$0x3] =	wrdreg s16  }
0xb6: {  	[dreg:$0x4] =	wrdreg $0x0  }
0xb7: {  	[dreg:$0x5] =	wrdreg $0x9  }
0xb8: {  	_ =	task.clear_ibuf [dreg:s7], $0x6FFFF;
	_ =	strace $0x90000046  }
0xb9: {  	s29 =	simm.s32 $0x9;
	_ =	strace $0x80000048  }
0xba: {  	_ =	swait.ge [sflag:s29], $0x1  }
0xbb: {  	[sflag:s29] =	ssyncadd.s32 $0xFFFFFFFF  }
0xbc: {  	_ =	strace $0x90000048  }
0xbd: {  	_ =	sfence  }
0xbe: {  	s30 =	sld [smem:$0x0];
	_ =	sdelay $0x2  }
0xbf: {  	s31 =	sshll.u32 s1, $0xD;
	s1 =	sshrl.u32 s1, $0x2  }
0xc0: {  	s3 =	sand.u32 $0x4000, s31;
	s1 =	sadd.s32 s1, s30  }
0xc1: {  	s0 =	sor.u32 s3, s0;
	s1 =	sshll.u32 s1, $0x11  }
0xc2: {  	s0 =	sor.u32 s1, s0  }
0xc3: {  	s0 =	sadd.s32 $0x8F2B, s0  }
0xc4: {  	[sflag:s0] =	ssyncadd.remote.s32 $0x1  }
0xc5: {  	_ =	sfence.sel $0xFFFF  }
0xc6: {  	[dreg:$0x0] =	wrdreg $0xFFFFFFFF;
	(pc) =	sbr.abs _section_cstart, $3  }
0xc7: {  	[dreg:$0x1] =	wrdreg $0xFFFFFFFF  }
0xc8: {  	_ =	task.clear_ibuf [dreg:s7], $0x2FFFF;
	_ =	strace $0x9FFFFFFF  }
0xc9: {  	(tm) =	ssettm $0x7FFFFFFF  }
tec
execute0_lowered:
.L_overlay_start_1:
0x0: {  	(tag) =	ssettag $0x1  }
0x1: {  	s0 =	rddreg [dreg:$0x0]  }
0x2: {  	s1 =	rddreg [dreg:$0x1]  }
0x3: {  	s2 =	rddreg [dreg:$0x2];
	s3 =	srdreg.scid;
	s4 =	simm.s32 $0x0  }
0x4: {  	s19 =	stileid.u32;
	s12 =	simm.s32 $0x1;
	s18 =	simm.s32 $0x9  }
0x5: {  	s20 =	simm.s32 $0x1C900;
	s21 =	simm.s32 $0x80;
	s23 =	simm.s32 $0x1D100  }
0x6: {  	s25 =	simm.s32 $0x0;
	s3 =	sand.u32 $0x1, s3;
	s11 =	smul.u32 $0x4E400, s19  }
0x7: {  	[smem:$0x7FF] =	sst s4;
	s15 =	sadd.s32 $0x34600, s0;
	s17 =	smul.u32 $0x13880, s19  }
0x8: {  	s13 =	sshll.u32 s19, $0xB;
	s5 =	sshll.u32 s3, $0x4;
	_ =	strace $0x80000047  }
0x9: {  	s9 =	ssub.s32 $0x2, s3;
	s3 =	smul.u32 $0x140000, s3;
	s7 =	sor.u32 s19, s5  }
0xa: {  	s5 =	sadd.s32 $0x2600, s0;
	s10 =	sshrl.u32 s9, $0x1;
	s6 =	smul.u32 $0x500, s7  }
0xb: {  	s28 =	sshrl.u32 s11, $0x2;
	s31 =	sadd.s32 s17, s2;
	s8 =	smul.u32 $0x4E, s7  }
0xc: {  	s26 =	smin.u32 s7, $0x4;
	p0 =	sgt.u32 s7, $0x3;
	s7 =	simm.s32 $0x4E  }
0xd: {  	s16 =	ssub.s32 s9, s10;
	s10 =	sadd.s32 s28, s2;
	s14 =	sadd.s32 s17, s3  }
0xe: {  	s3 =	sor.u32 s3, s13;
	s17 =	simm.s32 $0x1B900;
	s24 =	sshrl.u32 s31, $0x3  }
0xf: {  	s7 =	simm.s32 @!p0 $0x4F;
	s29 =	sadd.s32 $0x13800, s10;
	s12 =	simm.s32 @!p0 $0x0  }
0x10: {  	s30 =	sshrl.u32 s14, $0x3;
	s3 =	sshrl.u32 s3, $0x3;
	s16 =	smax.u32 s16, $0x1  }
.Ltmp0:
0x11: {  	s0 =	sadd.s32 s6, s0;
	s6 =	sadd.s32 s26, s8;
	(pc) =	sbr.rel .LBB2_1-.Ltmp0, $4  }
0x12: {  	p0 =	seq.s32 s19, $0xF;
	[dreg:$0x6] =	wrdreg s29;
	s8 =	sshll.u32 s6, $0x4  }
0x13: {  	s12 =	sadd.s32 $0x3, s12;
	s14 =	sadd.s32 s15, s30;
	s8 =	sadd.s32 s1, s8  }
0x14: {  	s3 =	sadd.s32 s15, s3;
	[dreg:$0x4] =	wrdreg s8;
	s8 =	sadd.s32 $0x9C80, s8  }
0x15: {  	v0 =	vimm.f32 $0.0e+00;
	s13 =	sadd.s32 $0x2A600, s0;
	s15 =	sadd.s32 $0x27100, s3;
	[dreg:$0x5] =	wrdreg s8  }
.LBB2_15:
0x16: {  	_ =	swait.ge [sflag:s12], $0x4000  }
0x17: {  	[sflag:s12] =	ssyncset.done $0x0  }
0x18: {  	[sflag:s12] =	ssyncadd.s32 $0xFFFFC000  }
0x19: {  	[hbm4b:s13+s4] =	stream.linear.scatter [tilespmem:s23], [sflag:$0x9], $0x2800, $0x38;
	[tilespmem:$0x1F900] =	vst v63  }
0x1a: {  	_ =	swait.ge [sflag:s18], $0x2800  }
0x1b: {  	s0 =	stileid.u32;
	[sflag:s18] =	ssyncset.done $0x0  }
0x1c: {  	s0 =	sshll.u32 s0, $0x6;
	[sflag:s18] =	ssyncadd.s32 $0xFFFFD800  }
0x1d: {  	s0 =	sor.u32 $0x1C09, s0;
	[bflag:$0x0] =	sbarrier.arrive $0xFFFF  }
0x1e: {  	[hbm:s14], [sflag:s0] =	dma.local [spmem:s24], $0x2710  }
0x1f: {  	_ =	swait.ge [sflag:s18], $0x2710  }
0x20: {  	s3 =	simm.s32 @!p0 $0x1C900;
	s25 =	sadd.s32 $0x1, s25;
	[sflag:s18] =	ssyncset.done $0x0  }
0x21: {  	p1 =	sne.s32 s25, s16;
	s0 =	simm.s32 @!p0 $0x0;
	[sflag:s18] =	ssyncadd.s32 $0xFFFFD8F0  }
0x22: {  	[hbm4b:s15+s0] =	stream.linear.scatter @!p0 [tilespmem:s3], [sflag:$0x9], $0x800, $0x38;
	[tilespmem:$0x1F900] =	vst v63  }
.Ltmp1:
0x23: {  	_ = 	snop;
	(pc) =	sbr.rel @!p1 .LBB2_16-.Ltmp1, $4  }
0x24: {  	s0 =	simm.s32 @!p0 $0x9  }
0x25: {  	_ =	swait.ge @!p0 [sflag:s0], $0x800  }
0x26: {  	[sflag:s0] =	ssyncset.done @!p0 $0x0  }
0x27: {  	[sflag:s0] =	ssyncadd.s32 @!p0 $0xFFFFF800  }
.LBB2_1:
0x28: {  	s0 =	rddreg [dreg:$0x4]  }
0x29: {  	[tilespmem:s17], [sflag:$0x9] =	stream.linear.gather [hbm4b:s0+s4], $0x400, $0x38;
	[tilespmem:$0x1F900] =	vst v63  }
0x2a: {  	_ =	swait.ge [sflag:s18], $0x400  }
0x2b: {  	[sflag:s18] =	ssyncset.done $0x0  }
0x2c: {  	s3 =	simm.s32 $0x1C100;
	s31 =	rddreg [dreg:$0x5];
	[sflag:s18] =	ssyncadd.s32 $0xFFFFFC00  }
0x2d: {  	[tilespmem:s3], [sflag:$0x9] =	stream.linear.gather [hbm4b:s31+s4], $0x400, $0x38;
	[tilespmem:$0x1F900] =	vst v63  }
0x2e: {  	_ =	swait.ge [sflag:s18], $0x400  }
0x2f: {  	[sflag:s18] =	ssyncset.done $0x0  }
0x30: {  	s19 =	simm.s32 $0x200;
	s0 =	simm.s32 $0x0;
	[sflag:s18] =	ssyncadd.s32 $0xFFFFFC00  }
.LBB2_2:
0x31: {  	p1 =	sne.s32 s19, $0x1E00;
	[tilespmem:s0+$0x1C970] =	vst v0  }
0x32: {  	[tilespmem:s0+$0x1C900] =	vst v0  }
0x33: {  	[tilespmem:s0+$0x1C910] =	vst v0  }
.Ltmp2:
0x34: {  	[tilespmem:s0+$0x1C920] =	vst v0;
	(pc) =	sbr.rel @p1 .LBB2_2-.Ltmp2, $4  }
0x35: {  	[tilespmem:s0+$0x1C930] =	vst v0  }
0x36: {  	[tilespmem:s0+$0x1C940] =	vst v0  }
0x37: {  	[tilespmem:s0+$0x1C950] =	vst v0  }
0x38: {  	[tilespmem:s0+$0x1C960] =	vst v0;
	s0 =	sshra.s32 s19, $0x2;
	s19 =	sadd.s32 $0x200, s19  }
0x39: {  	[tilespmem:s0+$0x1C970] =	vst v0  }
0x3a: {  	[tilespmem:s0+$0x1C900] =	vst v0  }
0x3b: {  	[tilespmem:s0+$0x1C910] =	vst v0  }
0x3c: {  	[tilespmem:s0+$0x1C920] =	vst v0  }
0x3d: {  	[tilespmem:s0+$0x1C930] =	vst v0  }
0x3e: {  	[tilespmem:s0+$0x1C940] =	vst v0  }
0x3f: {  	[tilespmem:s0+$0x1C950] =	vst v0  }
0x40: {  	[tilespmem:s0+$0x1C960] =	vst v0;
	s31 =	sadd.s32 $0x0, s10  }
0x41: {  	[spmem:s31] =	stream.linear.scatter [tilespmem:s20], [sflag:$0x9], $0x800, $0x38;
	[tilespmem:$0x1F900] =	vst v63  }
0x42: {  	s0 =	simm.s32 $0x2000;
	_ =	swait.ge [sflag:s18], $0x800  }
.LBB2_4:
0x43: {  	s3 =	sshra.s32 s0, $0x2;
	[sflag:s18] =	ssyncset.done $0x0;
	p1 =	sne.s32 s0, $0x4C000  }
.Ltmp3:
0x44: {  	s3 =	sadd.s32 s3, s10;
	[sflag:s18] =	ssyncadd.s32 $0xFFFFF800;
	(pc) =	sbr.rel @p1 .LBB2_4-.Ltmp3, $3  }
0x45: {  	[spmem:s3] =	stream.linear.scatter [tilespmem:s20], [sflag:$0x9], $0x800, $0x38;
	[tilespmem:$0x1F900] =	vst v63  }
0x46: {  	s0 =	sadd.s32 $0x2000, s0;
	_ =	sdelay $0x1  }
0x47: {  	_ =	swait.ge [sflag:s18], $0x800  }
0x48: {  	[sflag:s18] =	ssyncset.done $0x0  }
0x49: {  	s0 =	rddreg [dreg:$0x6];
	[sflag:s18] =	ssyncadd.s32 $0xFFFFF800  }
0x4a: {  	[spmem:s0] =	stream.linear.scatter [tilespmem:s20], [sflag:$0x9], $0x100, $0x38;
	[tilespmem:$0x1F900] =	vst v63  }
0x4b: {  	_ =	swait.ge [sflag:s18], $0x100  }
0x4c: {  	[sflag:s18] =	ssyncset.done $0x0  }
0x4d: {  	s3 =	simm.s32 $0x0;
	s0 =	simm.s32 $0x40;
	[sflag:s18] =	ssyncadd.s32 $0xFFFFFF00  }
.LBB2_6:
0x4e: {  	p1 =	sne.s32 s0, $0x9FC0;
	[tilespmem:s3+$0x1D100] =	vst v0;
	s3 =	smov.u32 s0;
	s0 =	sadd.s32 $0x40, s0  }
.Ltmp4:
0x4f: {  	(pc) =	sbr.rel @p1 .LBB2_6-.Ltmp4, $2  }
0x50: {  	_ =	sdelay $0x2  }
0x51: {  	s3 =	sshra.s32 s3, $0x2  }
.Ltmp5:
0x52: {  	(pc) =	sbr.rel .LBB2_8-.Ltmp5, $4  }
0x53: {  	_ = 	snop  }
0x54: {  	[tilespmem:s3+$0x1D100] =	vst v0;
	s0 =	simm.s32 $0x13900  }
0x55: {  	s28 =	simm.s32 $0x0;
	s26 =	simm.s32 $0x200;
	[bflag:$0x0] =	sbarrier.arrive $0xFFFF  }
0x56: {  	[tilespmem:s0], [sflag:$0x1] =	stream.indirect.gather [hbm4b:s5+s21], $0x80, s17, s21, $0xb8;
	[tilespmem:$0x1F900] =	vst v63  }
.LBB2_10:
0x57: {  	p1 =	sne.s32 s29, $0x7  }
0x58: {  	p2 =	sge.u32 @!p1 s28, s7  }
0x59: {  	p1 =	por p1, p2  }
.Ltmp6:
0x5a: {  	_ = 	snop;
	(pc) =	sbr.rel @p1 .LBB2_12-.Ltmp6, $1  }
0x5b: {  	_ =	sdelay $0x3  }
0x5c: {  	s3 =	sadd.s32 $0x5, s19  }
0x5d: {  	_ =	swait.ge [sflag:s3], $0x400  }
0x5e: {  	[sflag:s3] =	ssyncset.done $0x0  }
0x5f: {  	s22 =	sadd.s32 $0x7, s19;
	[sflag:s3] =	ssyncadd.s32 $0xFFFFFC00  }
0x60: {  	_ =	swait.ge [sflag:s22], $0x400  }
0x61: {  	[sflag:s22] =	ssyncset.done $0x0  }
0x62: {  	[sflag:s22] =	ssyncadd.s32 $0xFFFFFC00  }
.LBB2_13:
0x63: {  	s3 =	sand.u32 $0x1E00, s26  }
0x64: {  	s8 =	sshll.u32 s0, $0xE;
	s3 =	sshrl.u32 s3, $0x2  }
0x65: {  	s22 =	sadd.s32 $0x1, s0;
	s8 =	sor.u32 $0x13900, s8;
	s3 =	sadd.s32 $0x1B900, s3  }
0x66: {  	[tilespmem:s8], [sflag:s22] =	stream.indirect.gather [hbm4b:s5+s21], $0x80, s3, s21, $0xb8;
	[tilespmem:$0x1F900] =	vst v63  }
.LBB2_14:
0x67: {  	s0 =	sand.u32 $0x1, s30  }
0x68: {  	s8 =	sshll.u32 s31, $0xA;
	s9 =	sshll.u32 s29, $0x7;
	s3 =	sadd.s32 $0x1, s0  }
0x69: {  	s8 =	sand.u32 $0x400, s8;
	s31 =	sshll.u32 s0, $0xE;
	_ =	swait.ge [sflag:s3], $0x4000  }
0x6a: {  	s0 =	sadd.s32 $0x3, s0;
	s8 =	sor.u32 s9, s8;
	[sflag:s3] =	ssyncset.done $0x0  }
0x6b: {  	s9 =	sadd.s32 $0x1C100, s8;
	[sflag:s3] =	ssyncadd.s32 $0xFFFFC000;
	s3 =	sor.u32 $0x13900, s31  }
0x6c: {  	[spmem:s2] =	stream.indirect.scatter.add.f32 [tilespmem:s3], [sflag:s0], $0x80, s9, s21, $0xb8;
	[tilespmem:$0x1F900] =	vst v63  }
0x6d: {  	v1 =	vld [tilespmem:s8+$0x1C100];
	_ =	sdelay $0x4  }
0x6e: {  	(xrf1) =	vunique.msk.u32 $0xffff, v1;
	_ =	sdelay $0xd  }
0x6f: {  	_, v2, vm0 =	vpop (xrf1);
	_ =	sdelay $0x3  }
0x70: {  	v2 =	vcvt.s32.f32 v2;
	_ =	sdelay $0x1  }
0x71: {  	[tilespmem:v1+s23+$0x0] =	vst.idx.add.f32.msk vm0, v2  }
0x72: {  	v1 =	vld [tilespmem:s9+$0x10];
	_ =	sdelay $0x4  }
0x73: {  	(xrf1) =	vunique.msk.u32 $0xffff, v1;
	_ =	sdelay $0xd  }
0x74: {  	_, v2, vm0 =	vpop (xrf1);
	_ =	sdelay $0x3  }
0x75: {  	v2 =	vcvt.s32.f32 v2;
	_ =	sdelay $0x1  }
0x76: {  	[tilespmem:v1+s23+$0x0] =	vst.idx.add.f32.msk vm0, v2  }
0x77: {  	v1 =	vld [tilespmem:s9+$0x20];
	_ =	sdelay $0x4  }
0x78: {  	(xrf1) =	vunique.msk.u32 $0xffff, v1;
	_ =	sdelay $0xd  }
0x79: {  	_, v2, vm0 =	vpop (xrf1);
	_ =	sdelay $0x3  }
0x7a: {  	v2 =	vcvt.s32.f32 v2;
	_ =	sdelay $0x1  }
0x7b: {  	[tilespmem:v1+s23+$0x0] =	vst.idx.add.f32.msk vm0, v2  }
0x7c: {  	v1 =	vld [tilespmem:s9+$0x30];
	_ =	sdelay $0x4  }
0x7d: {  	(xrf1) =	vunique.msk.u32 $0xffff, v1;
	_ =	sdelay $0xd  }
0x7e: {  	_, v2, vm0 =	vpop (xrf1);
	_ =	sdelay $0x3  }
0x7f: {  	v2 =	vcvt.s32.f32 v2;
	_ =	sdelay $0x1  }
0x80: {  	[tilespmem:v1+s23+$0x0] =	vst.idx.add.f32.msk vm0, v2  }
0x81: {  	v1 =	vld [tilespmem:s9+$0x40];
	_ =	sdelay $0x4  }
0x82: {  	(xrf1) =	vunique.msk.u32 $0xffff, v1;
	_ =	sdelay $0xd  }
0x83: {  	_, v2, vm0 =	vpop (xrf1);
	_ =	sdelay $0x3  }
0x84: {  	v2 =	vcvt.s32.f32 v2;
	_ =	sdelay $0x1  }
0x85: {  	[tilespmem:v1+s23+$0x0] =	vst.idx.add.f32.msk vm0, v2  }
0x86: {  	v1 =	vld [tilespmem:s9+$0x50];
	_ =	sdelay $0x4  }
0x87: {  	(xrf1) =	vunique.msk.u32 $0xffff, v1;
	_ =	sdelay $0xd  }
0x88: {  	_, v2, vm0 =	vpop (xrf1);
	_ =	sdelay $0x3  }
0x89: {  	v2 =	vcvt.s32.f32 v2;
	_ =	sdelay $0x1  }
0x8a: {  	[tilespmem:v1+s23+$0x0] =	vst.idx.add.f32.msk vm0, v2  }
0x8b: {  	v1 =	vld [tilespmem:s9+$0x60];
	_ =	sdelay $0x4  }
0x8c: {  	(xrf1) =	vunique.msk.u32 $0xffff, v1;
	_ =	sdelay $0xd  }
0x8d: {  	_, v2, vm0 =	vpop (xrf1);
	_ =	sdelay $0x3  }
0x8e: {  	v2 =	vcvt.s32.f32 v2;
	_ =	sdelay $0x1  }
0x8f: {  	[tilespmem:v1+s23+$0x0] =	vst.idx.add.f32.msk vm0, v2  }
0x90: {  	v1 =	vld [tilespmem:s9+$0x70];
	_ =	sdelay $0x4  }
0x91: {  	(xrf1) =	vunique.msk.u32 $0xffff, v1;
	_ =	sdelay $0xd  }
0x92: {  	_, v2, vm0 =	vpop (xrf1)  }
0x93: {  	p1 =	sne.s32 s7, s28  }
.Ltmp7:
0x94: {  	_ = 	snop;
	(pc) =	sbr.rel @!p1 .LBB2_15-.Ltmp7, $3  }
0x95: {  	_ = 	snop  }
0x96: {  	v2 =	vcvt.s32.f32 v2;
	_ =	sdelay $0x1  }
0x97: {  	s26 =	sadd.s32 $0x200, s26;
	[tilespmem:v1+s23+$0x0] =	vst.idx.add.f32.msk vm0, v2  }
.LBB2_8:
0x98: {  	s30 =	smov.u32 s28  }
0x99: {  	s31 =	sshrl.u32 s30, $0x3  }
0x9a: {  	s29 =	sand.u32 $0x7, s30;
	s19 =	sadd.s32 $0x1, s31  }
0x9b: {  	p2 =	sne.s32 s29, $0x0;
	s3 =	sshll.u32 s19, $0x3  }
0x9c: {  	p3 =	sge.u32 @!p2 s3, s7  }
0x9d: {  	s28 =	sadd.s32 $0x1, s28;
	p2 =	por p2, p3  }
.Ltmp8:
0x9e: {  	s0 =	sand.u32 $0x1, s28;
	p1 =	seq.s32 s30, $0x0;
	(pc) =	sbr.rel @p2 .LBB2_10-.Ltmp8, $4  }
0x9f: {  	s22 =	sadd.s32 @!p1 $0x3, s0  }
0xa0: {  	_ =	swait.ge @!p1 [sflag:s22], $0x4000  }
0xa1: {  	[sflag:s22] =	ssyncset.done @!p1 $0x0  }
0xa2: {  	s19 =	sand.u32 $0x1, s19;
	[sflag:s22] =	ssyncadd.s32 @!p1 $0xFFFFC000  }
0xa3: {  	s3 =	sadd.s32 s6, s3  }
0xa4: {  	s22 =	sshll.u32 s19, $0xA;
	s11 =	sadd.s32 $0x5, s19;
	s3 =	sshll.u32 s3, $0x4  }
0xa5: {  	p1 =	slt.u32 s28, s7;
	s9 =	sor.u32 $0x1B900, s22;
	s8 =	sadd.s32 s1, s3  }
0xa6: {  	[tilespmem:s9], [sflag:s11] =	stream.linear.gather [hbm4b:s8+s4], $0x400, $0x38;
	[tilespmem:$0x1F900] =	vst v63  }
.Ltmp9:
0xa7: {  	_ = 	snop;
	(pc) =	sbr.rel @p1 .LBB2_13-.Ltmp9, $4  }
.Ltmp10:
0xa8: {  	s3 =	sand.u32 $0x1FFFFFF0, s3;
	(pc) =	sbr.rel @!p1 .LBB2_14-.Ltmp10, $4  }
0xa9: {  	s3 =	sadd.s32 s1, s3  }
0xaa: {  	s11 =	sor.u32 $0x1C100, s22;
	s22 =	sadd.s32 $0x7, s19;
	s3 =	sadd.s32 $0x9C80, s3  }
0xab: {  	[tilespmem:s11], [sflag:s22] =	stream.linear.gather [hbm4b:s3+s4], $0x400, $0x38;
	[tilespmem:$0x1F900] =	vst v63  }
0xac: {  	_ = 	snop  }
.LBB2_12:
0xad: {  	p1 =	sge.u32 s28, s7  }
.Ltmp11:
0xae: {  	_ = 	snop;
	(pc) =	sbr.rel @p1 .LBB2_14-.Ltmp11, $4  }
.Ltmp12:
0xaf: {  	_ = 	snop;
	(pc) =	sbr.rel @!p1 .LBB2_13-.Ltmp12, $4  }
0xb0: {  	_ = 	snop  }
0xb1: {  	_ = 	snop  }
0xb2: {  	_ = 	snop  }
0xb3: {  	_ = 	snop  }
.LBB2_16:
0xb4: {  	_ =	sfence.sel $0x180000  }
0xb5: {  	[bflag:$0x0] =	sbarrier.arrive $0xFFFF  }
0xb6: {  	_ =	strace $0x90000047  }
0xb7: {  	s0 =	stileid.u32;
	[bflag:$0x2] =	sbarrier.arrive $0xFFFF  }
0xb8: {  	p0 =	sne.s32 s0, $0x0;
	s0 =	rddreg [dreg:$0x3]  }
0xb9: {  	s0 =	sadd.s32 @!p0 $0x100000, s0  }
0xba: {  	[sflag:s0] =	ssyncadd.tile.s32 @!p0 $0x1;
	_ =	shalt  }
.Lfunc_end2:
_tile_overlayer_lowered:
.L_overlay_start_2:
0xbb: {  	(tag) =	ssettag $0x2  }
0xbc: {  	s0 =	rddreg [dreg:$0x0];
	s2 =	stileid.u32  }
0xbd: {  	s1 =	rddreg [dreg:$0x1];
	p0 =	sne.s32 s2, $0x0  }
0xbe: {  	s3 =	rddreg [dreg:$0x2];
	[bflag:$0x3] =	sbarrier.arrive $0xFFFF;
	s2 =	simm.s32 @!p0 $0x1C09  }
0xbf: {  	[timem:s3], [sflag:s2] =	dma.local @!p0 [hbm:s0], s1  }
0xc0: {  	s0 =	simm.s32 @!p0 $0x9  }
0xc1: {  	_ =	swait.ge @!p0 [sflag:s0], s1  }
0xc2: {  	s1 =	ssub.s32 @!p0 $0x0, s1;
	[sflag:s0] =	ssyncset.done @!p0 $0x0  }
0xc3: {  	[sflag:s0] =	ssyncadd.s32 @!p0 s1  }
0xc4: {  	[bflag:$0x3] =	sbarrier.arrive $0xFFFF  }
0xc5: {  	_ =	shalt  }

</sc_bundles>
